<compile_context>
chip_gen: v7x
topology: tpu7x:2x2x1
jax: 0.10.2.dev20260603
libtpu: 0.0.44.dev20260713+nightly
codegen_flags: <defaults>
</compile_context>

<pallas_src>
import functools

import jax
import jax.numpy as jnp
from jax import lax
from jax.experimental import pallas as pl
from jax.experimental.pallas import tpu as pltpu
from jax.experimental.pallas import tpu_sc as plsc

NC = 2
NS = 16
L = 16


def _prep(X, E_X, Wb, bb, Wd, bd, We, be, Wc, bc):
    N, D = X.shape
    E = E_X.shape[0]
    Hh = D // 2
    BN_ = 1000
    BE = 2000
    assert N % BN_ == 0 and E % BE == 0
    NB = N // BN_
    grid = (E // BE,)
    assert grid[0] >= NB

    def body(x_ref, ex_ref, wb_ref, bb_ref, wd_ref, bd_ref, we_ref, be_ref,
             wc_ref, bc_ref, dbx_ref, exp_ref, ce_ref):
        y = jnp.dot(ex_ref[...], wc_ref[...], preferred_element_type=jnp.float32)
        y = y + bc_ref[...]
        ce_ref[0] = y[:, :Hh]
        ce_ref[1] = y[:, Hh:]

        @pl.when(pl.program_id(0) < NB)
        def _():
            x = x_ref[...]
            yb = jnp.dot(x, wb_ref[...], preferred_element_type=jnp.float32)
            yb = yb + bb_ref[...]
            yd = jnp.dot(x, wd_ref[...], preferred_element_type=jnp.float32)
            yd = yd + bd_ref[...]
            ye = jnp.dot(x, we_ref[...], preferred_element_type=jnp.float32)
            ye = ye + be_ref[...]
            for c in range(2):
                sl = slice(c * Hh, (c + 1) * Hh)
                dbx_ref[c] = jnp.concatenate([yd[:, sl], yb[:, sl]], axis=1)
                exp_ref[c] = jnp.concatenate([ye[:, sl], ye[:, sl]], axis=1)

    def nmap(i):
        return (jnp.minimum(i, NB - 1), 0)

    def omap(i):
        return (0, jnp.minimum(i, NB - 1), 0)

    w_spec = pl.BlockSpec((D, D), lambda i: (0, 0))
    b_spec = pl.BlockSpec((1, D), lambda i: (0, 0))
    o_spec = pl.BlockSpec((2, BN_, D), omap)
    return pl.pallas_call(
        body,
        grid=grid,
        in_specs=[pl.BlockSpec((BN_, D), nmap),
                  pl.BlockSpec((BE, D), lambda i: (i, 0)),
                  w_spec, b_spec, w_spec, b_spec, w_spec, b_spec,
                  w_spec, b_spec],
        out_specs=[o_spec, o_spec,
                   pl.BlockSpec((2, BE, Hh), lambda i: (0, i, 0))],
        out_shape=[jax.ShapeDtypeStruct((2, N, D), jnp.float32),
                   jax.ShapeDtypeStruct((2, N, D), jnp.float32),
                   jax.ShapeDtypeStruct((2, E, Hh), jnp.float32)],
    )(X, E_X, Wb, bb.reshape(1, D), Wd, bd.reshape(1, D),
      We, be.reshape(1, D), Wc, bc.reshape(1, D))


def _sc_edge(src_ids, dst_ids, dbx_cat, exp_cat, ce_cat, N, E, Hh):
    D = 2 * Hh
    B = 80
    assert E % (B * NS) == 0
    NBT = E // B // NS
    PAIRS, LEFT = NBT // 2, NBT % 2
    CH = (N // NS) // 16 * 16
    REM = N - NS * CH
    ZR = 16
    assert CH % ZR == 0 and REM <= ZR and REM % 8 == 0
    NCH = Hh // L

    mesh = plsc.VectorSubcoreMesh(core_axis_name="c", subcore_axis_name="s")

    idx_t = pltpu.VMEM((B,), jnp.int32)
    row_t = pltpu.VMEM((B, D), jnp.float32)
    ce_t = pltpu.VMEM((B, Hh), jnp.float32)
    sem_t = pltpu.SemaphoreType.DMA

    @functools.partial(
        pl.kernel,
        mesh=mesh,
        out_type=[
            jax.ShapeDtypeStruct((2 * E, Hh), jnp.float32),
            jax.ShapeDtypeStruct((NC, N, D), jnp.float32),
        ],
        scratch_types=[
            [idx_t] * 4, [idx_t] * 4,
            [ce_t, ce_t],
            row_t,
            row_t,
            pltpu.VMEM_SHARED((N, D), jnp.float32),
            [sem_t] * 4,
            [sem_t] * 4,
        ],
    )
    def k(src_hbm, dst_hbm, dbx_hbm, exp_hbm, ce_hbm,
          e_hbm, nd_hbm,
          idx0, idx1, ce2, dbx_b, exg_b, nd_acc, semi, semx):
        cid = lax.axis_index("c")
        tid = lax.axis_index("s")
        half_off = cid * N
        semga, semgb = semx[0], semx[1]
        kbuf = ((idx0, ce2[0], semi[0], semi[1], semx[2]),
                (idx1, ce2[1], semi[2], semi[3], semx[3]))

        z_b = exg_b

        def init_row(r, _):
            for c in range(D // L):
                z_b[r, pl.ds(c * L, L)] = jnp.zeros((L,), jnp.float32)
            return 0
        lax.fori_loop(0, ZR, init_row, 0)

        def zero_chunk(z, _):
            pltpu.sync_copy(z_b.at[pl.ds(0, ZR)],
                            nd_acc.at[pl.ds(tid * CH + z * ZR, ZR)])
            return 0
        lax.fori_loop(0, CH // ZR, zero_chunk, 0)

        @pl.when(tid == NS - 1)
        def _():
            pltpu.sync_copy(z_b.at[pl.ds(0, REM)],
                            nd_acc.at[pl.ds(NS * CH, REM)])
        plsc.subcore_barrier()

        HB = B // 2
        assert HB % 8 == 0

        def load(b, kb):
            (src_v, dst_v, _, _), e_b, semid, semic, _ = kb
            ebase = (b * NS + tid) * B
            ds_ = pltpu.async_copy(src_hbm.at[pl.ds(ebase, B)], src_v, semid)
            dd = pltpu.async_copy(dst_hbm.at[pl.ds(ebase, B)], dst_v, semid)
            dc = pltpu.async_copy(ce_hbm.at[pl.ds(cid * E + ebase, B)], e_b,
                                  semic)
            return ds_, dd, dc

        def gather(kb, lds):
            (src_v, dst_v, srcg_v, dstg_v), _, _, _, _ = kb
            lds[0].wait()
            lds[1].wait()
            for i in range(B // L):
                sl = pl.ds(i * L, L)
                srcg_v[sl] = src_v[sl] + half_off
                dstg_v[sl] = dst_v[sl] + half_off
            ga = (pltpu.async_copy(dbx_hbm.at[srcg_v.at[pl.ds(0, HB)]],
                                   dbx_b.at[pl.ds(0, HB)], semga),
                  pltpu.async_copy(exp_hbm.at[dstg_v.at[pl.ds(0, HB)]],
                                   exg_b.at[pl.ds(0, HB)], semga))
            gb = (pltpu.async_copy(dbx_hbm.at[srcg_v.at[pl.ds(HB, HB)]],
                                   dbx_b.at[pl.ds(HB, HB)], semgb),
                  pltpu.async_copy(exp_hbm.at[dstg_v.at[pl.ds(HB, HB)]],
                                   exg_b.at[pl.ds(HB, HB)], semgb))
            return ga + gb

        def compute(b, kb, lds, gs):
            (_, dst_v, _, _), e_b, _, _, semo = kb
            ebase = (b * NS + tid) * B
            lds[2].wait()

            def row_body(r, carry):
                for c in range(NCH):
                    sl = pl.ds(c * L, L)
                    sl2 = pl.ds(Hh + c * L, L)
                    e = e_b[r, sl] + dbx_b[r, sl] + exg_b[r, sl]
                    sg = 1.0 / (1.0 + jnp.exp(-e))
                    e_b[r, sl] = e
                    prod = sg * dbx_b[r, sl2]
                    dbx_b[r, sl] = sg
                    dbx_b[r, sl2] = prod
                return carry

            gs[0].wait()
            gs[1].wait()
            lax.fori_loop(0, HB, row_body, 0)
            gs[2].wait()
            gs[3].wait()
            lax.fori_loop(HB, B, row_body, 0)

            oe = pltpu.async_copy(e_b, e_hbm.at[pl.ds(cid * E + ebase, B)],
                                  semo)
            pltpu.sync_copy(dbx_b, nd_acc.at[dst_v], add=True)
            return (oe,)

        def wait_out(os_):
            os_[0].wait()

        def pair_body(p, _):
            b0 = 2 * p
            l0 = load(b0, kbuf[0])
            l1 = load(b0 + 1, kbuf[1])
            g0 = gather(kbuf[0], l0)
            o0 = compute(b0, kbuf[0], l0, g0)
            g1 = gather(kbuf[1], l1)
            o1 = compute(b0 + 1, kbuf[1], l1, g1)
            wait_out(o0)
            wait_out(o1)
            return 0
        lax.fori_loop(0, PAIRS, pair_body, 0)

        for b in range(2 * PAIRS, NBT):
            l0 = load(b, kbuf[0])
            g0 = gather(kbuf[0], l0)
            o0 = compute(b, kbuf[0], l0, g0)
            wait_out(o0)

        plsc.subcore_barrier()
        row0 = tid * CH
        pltpu.sync_copy(nd_acc.at[pl.ds(row0, CH)],
                        nd_hbm.at[cid, pl.ds(row0, CH)])

        @pl.when(tid == NS - 1)
        def _():
            pltpu.sync_copy(nd_acc.at[pl.ds(NS * CH, REM)],
                            nd_hbm.at[cid, pl.ds(NS * CH, REM)])

    return k(src_ids, dst_ids, dbx_cat, exp_cat, ce_cat)


def _stats_pre(e_h, snorm_e, X, Wa, ba, snorm_n, nd_h, epsilon):
    N, D = X.shape
    E = snorm_e.shape[0]
    Hh = D // 2
    BN_ = 1000
    BE = 2000
    NB = N // BN_
    grid = (E // BE,)
    assert grid[0] >= NB

    def body(e_ref, sne_ref, x_ref, wa_ref, ba_ref, sn_ref, nd_ref, eps_ref,
             est_ref, hpre_ref, hst_ref):
        sn = sne_ref[...]
        for h in range(2):
            es = e_ref[h] * sn
            est_ref[0, h, 0] = jnp.sum(es, axis=0)
            est_ref[0, h, 1] = jnp.sum(es * es, axis=0)

        @pl.when(pl.program_id(0) < NB)
        def _():
            x = x_ref[...]
            ax = jnp.dot(x, wa_ref[...], preferred_element_type=jnp.float32)
            ax = ax + ba_ref[...]
            den = jnp.concatenate([nd_ref[0, :, :Hh], nd_ref[1, :, :Hh]],
                                  axis=1)
            num = jnp.concatenate([nd_ref[0, :, Hh:], nd_ref[1, :, Hh:]],
                                  axis=1)
            h_red = ax + num / (den + eps_ref[0, 0])
            h = jnp.where(den[:, 0:1] > 0.0, h_red, x) * sn_ref[...]
            hpre_ref[...] = h
            hst_ref[0, 0] = jnp.sum(h, axis=0)
            hst_ref[0, 1] = jnp.sum(h * h, axis=0)

    def nmap(i):
        return (jnp.minimum(i, NB - 1), 0)

    return pl.pallas_call(
        body,
        grid=grid,
        in_specs=[pl.BlockSpec((2, BE, Hh), lambda i: (0, i, 0)),
                  pl.BlockSpec((BE, 1), lambda i: (i, 0)),
                  pl.BlockSpec((BN_, D), nmap),
                  pl.BlockSpec((D, D), lambda i: (0, 0)),
                  pl.BlockSpec((1, D), lambda i: (0, 0)),
                  pl.BlockSpec((BN_, 1), nmap),
                  pl.BlockSpec((2, BN_, D),
                               lambda i: (0, jnp.minimum(i, NB - 1), 0)),
                  pl.BlockSpec((1, 1), lambda i: (0, 0))],
        out_specs=[pl.BlockSpec((1, 2, 2, Hh), lambda i: (i, 0, 0, 0)),
                   pl.BlockSpec((BN_, D), nmap),
                   pl.BlockSpec((1, 2, D),
                                lambda i: (jnp.minimum(i, NB - 1), 0, 0))],
        out_shape=[jax.ShapeDtypeStruct((grid[0], 2, 2, Hh), jnp.float32),
                   jax.ShapeDtypeStruct((N, D), jnp.float32),
                   jax.ShapeDtypeStruct((NB, 2, D), jnp.float32)],
    )(e_h, snorm_e, X, Wa, ba.reshape(1, D), snorm_n, nd_h,
      epsilon.reshape(1, 1))


def _finalize(hpre, X, hstats, gamma_h, beta_h,
              e_h, E_X, snorm_e, est, gamma_e, beta_e):
    N, D = X.shape
    E = E_X.shape[0]
    Hh = D // 2
    BN_ = 1000
    BE = 2000
    NB = N // BN_
    grid = (E // BE,)
    nst = est.shape[0]

    def body(e_ref, ex_ref, sn_ref, est_ref, ge_ref, be_ref,
             hpre_ref, x_ref, hst_ref, gh_ref, bh_ref,
             eo_ref, h_ref):
        s = est_ref[...]
        tsum = jnp.concatenate([jnp.sum(s[:, 0, 0, :], axis=0),
                                jnp.sum(s[:, 1, 0, :], axis=0)])
        tsq = jnp.concatenate([jnp.sum(s[:, 0, 1, :], axis=0),
                               jnp.sum(s[:, 1, 1, :], axis=0)])
        m = tsum * (1.0 / E)
        var = tsq * (1.0 / E) - m * m
        rs = lax.rsqrt(var + 1e-5)
        e = jnp.concatenate([e_ref[0], e_ref[1]], axis=1) * sn_ref[...]
        e = (e - m) * rs * ge_ref[...] + be_ref[...]
        eo_ref[...] = ex_ref[...] + jnp.maximum(e, 0.0)

        @pl.when(pl.program_id(0) < NB)
        def _():
            hs = hst_ref[...]
            hm = jnp.sum(hs[:, 0, :], axis=0) * (1.0 / N)
            hex2 = jnp.sum(hs[:, 1, :], axis=0) * (1.0 / N)
            hvar = hex2 - hm * hm
            hrs = lax.rsqrt(hvar + 1e-5)
            h = (hpre_ref[...] - hm) * hrs * gh_ref[...] + bh_ref[...]
            h_ref[...] = x_ref[...] + jnp.maximum(h, 0.0)

    def nmap(i):
        return (jnp.minimum(i, NB - 1), 0)

    b_spec = pl.BlockSpec((1, D), lambda i: (0, 0))
    return pl.pallas_call(
        body,
        grid=grid,
        in_specs=[pl.BlockSpec((2, BE, Hh), lambda i: (0, i, 0)),
                  pl.BlockSpec((BE, D), lambda i: (i, 0)),
                  pl.BlockSpec((BE, 1), lambda i: (i, 0)),
                  pl.BlockSpec((nst, 2, 2, Hh), lambda i: (0, 0, 0, 0)),
                  b_spec, b_spec,
                  pl.BlockSpec((BN_, D), nmap),
                  pl.BlockSpec((BN_, D), nmap),
                  pl.BlockSpec((NB, 2, D), lambda i: (0, 0, 0)),
                  b_spec, b_spec],
        out_specs=[pl.BlockSpec((BE, D), lambda i: (i, 0)),
                   pl.BlockSpec((BN_, D), nmap)],
        out_shape=[jax.ShapeDtypeStruct((E, D), jnp.float32),
                   jax.ShapeDtypeStruct((N, D), jnp.float32)],
    )(e_h, E_X, snorm_e, est, gamma_e.reshape(1, D), beta_e.reshape(1, D),
      hpre, X, hstats, gamma_h.reshape(1, D), beta_h.reshape(1, D))


def kernel(X, E_X, snorm_n, snorm_e, edge_index, Wa, ba, Wb, bb, Wc, bc,
           Wd, bd, We, be, gamma_h, beta_h, gamma_e, beta_e, epsilon):
    N, D = X.shape
    E = E_X.shape[0]
    Hh = D // 2

    dbx, exp_, ceh = _prep(X, E_X, Wb, bb, Wd, bd, We, be, Wc, bc)

    e_flat, nd_h = _sc_edge(
        edge_index[0], edge_index[1],
        dbx.reshape(2 * N, D), exp_.reshape(2 * N, D),
        ceh.reshape(2 * E, Hh), N, E, Hh)

    e_h = e_flat.reshape(2, E, Hh)
    est, hpre, hstats = _stats_pre(e_h, snorm_e, X, Wa, ba, snorm_n, nd_h,
                                   epsilon)
    Eo, H = _finalize(hpre, X, hstats, gamma_h, beta_h,
                      e_h, E_X, snorm_e, est, gamma_e, beta_e)
    return (H, Eo)

# --- scband reference (transcript-rebuilt; emitter-appended) ---
"""Pipeline reference for scband-gated-gcn-layer-76519137346089 (READ-ONLY COPY).

The authoritative reference and input builder live on the scoring server;
editing this copy changes nothing except your own understanding.
"""

import jax, jax.numpy as jnp
import numpy as np

N, E, D = 10000, 320000, 128

def setup_inputs(seed: int = 0) -> dict:
    key = jax.random.key(seed)
    ks = jax.random.split(key, 16)
    inp = {}
    inp['X'] = jax.random.normal(ks[0], (N, D), dtype=jnp.float32)
    inp['E_X'] = jax.random.normal(ks[1], (E, D), dtype=jnp.float32)
    inp['snorm_n'] = jax.random.uniform(ks[2], (N, 1), dtype=jnp.float32)
    inp['snorm_e'] = jax.random.uniform(ks[3], (E, 1), dtype=jnp.float32)
    inp['edge_index'] = jax.random.randint(ks[4], (2, E), 0, N, dtype=jnp.int32)
    bound = 1.0 / np.sqrt(D)
    names = ['a', 'b', 'c', 'd', 'e']
    for i, nm in enumerate(names):
        inp['W' + nm] = jax.random.uniform(ks[5 + i], (D, D), minval=-bound, maxval=bound, dtype=jnp.float32)
        inp['b' + nm] = jax.random.uniform(ks[10 + i], (D,), minval=-bound, maxval=bound, dtype=jnp.float32)
    inp['gamma_h'] = jnp.ones((D,), jnp.float32)
    inp['beta_h'] = jnp.zeros((D,), jnp.float32)
    inp['gamma_e'] = jnp.ones((D,), jnp.float32)
    inp['beta_e'] = jnp.zeros((D,), jnp.float32)
    inp['epsilon'] = jnp.array([1e-05], jnp.float32)
    return inp

def _batchnorm(x, gamma, beta):
    m = jnp.mean(x, axis=0)
    v = jnp.var(x, axis=0)
    return (x - m) / jnp.sqrt(v + 1e-05) * gamma + beta

def reference(X, E_X, snorm_n, snorm_e, edge_index, Wa, ba, Wb, bb, Wc, bc, Wd, bd, We, be, gamma_h, beta_h, gamma_e, beta_e, epsilon):
    src = edge_index[0]
    dst = edge_index[1]
    n = X.shape[0]
    AX = X @ Wa + ba
    BX = X @ Wb + bb
    DX = X @ Wd + bd
    EX = X @ We + be
    CE = E_X @ Wc + bc
    # message: e_j = CE + DX[src] + EX[dst]; Bx_j = BX[src]
    e_j = CE + jnp.take(DX, src, axis=0) + jnp.take(EX, dst, axis=0)
    sig = jax.nn.sigmoid(e_j)
    num = jax.ops.segment_sum(sig * jnp.take(BX, src, axis=0), dst, num_segments=n)
    den = jax.ops.segment_sum(sig, dst, num_segments=n)
    H_red = AX + num / (den + epsilon)
    indeg = jax.ops.segment_sum(jnp.ones((e_j.shape[0],), jnp.float32), dst, num_segments=n)
    # DGL: nodes with no incoming messages keep H = X
    H = jnp.where(indeg[:, None] > 0, H_red, X)
    Eo = e_j
    H = H * snorm_n
    Eo = Eo * snorm_e
    H = _batchnorm(H, gamma_h, beta_h)
    Eo = _batchnorm(Eo, gamma_e, beta_e)
    H = jax.nn.relu(H)
    Eo = jax.nn.relu(Eo)
    H = X + H
    Eo = E_X + Eo
    return (H, Eo)

if __name__ == "__main__":
    import jax
    _d = setup_inputs()
    print(jax.jit(kernel)(*tuple(_d.values())))

</pallas_src>

<mosaic_0001>
#map = affine_map<(d0, d1) -> (0)>
#map1 = affine_map<(d0, d1) -> (0, 0)>
#map2 = affine_map<(d0, d1) -> (0, 0, 0)>
module attributes {stable_mosaic.version = 14 : i64} {
  func.func @k(%arg0: i32, %arg1: i32, %arg2: memref<320000xi32, #tpu.memory_space<hbm>>, %arg3: memref<320000xi32, #tpu.memory_space<hbm>>, %arg4: memref<20000x128xf32, #tpu.memory_space<hbm>>, %arg5: memref<20000x128xf32, #tpu.memory_space<hbm>>, %arg6: memref<640000x64xf32, #tpu.memory_space<hbm>>, %arg7: memref<640000x64xf32, #tpu.memory_space<hbm>>, %arg8: memref<2x10000x128xf32, #tpu.memory_space<hbm>>, %arg9: memref<80xi32, #tpu.memory_space<vmem>>, %arg10: memref<80xi32, #tpu.memory_space<vmem>>, %arg11: memref<80xi32, #tpu.memory_space<vmem>>, %arg12: memref<80xi32, #tpu.memory_space<vmem>>, %arg13: memref<80xi32, #tpu.memory_space<vmem>>, %arg14: memref<80xi32, #tpu.memory_space<vmem>>, %arg15: memref<80xi32, #tpu.memory_space<vmem>>, %arg16: memref<80xi32, #tpu.memory_space<vmem>>, %arg17: memref<80x64xf32, #tpu.memory_space<vmem>>, %arg18: memref<80x64xf32, #tpu.memory_space<vmem>>, %arg19: memref<80x128xf32, #tpu.memory_space<vmem>>, %arg20: memref<80x128xf32, #tpu.memory_space<vmem>>, %arg21: memref<10000x128xf32, #tpu.memory_space<vmem_shared>>, %arg22: memref<!tpu.dma_semaphore, #tpu.memory_space<semaphore_mem>>, %arg23: memref<!tpu.dma_semaphore, #tpu.memory_space<semaphore_mem>>, %arg24: memref<!tpu.dma_semaphore, #tpu.memory_space<semaphore_mem>>, %arg25: memref<!tpu.dma_semaphore, #tpu.memory_space<semaphore_mem>>, %arg26: memref<!tpu.dma_semaphore, #tpu.memory_space<semaphore_mem>>, %arg27: memref<!tpu.dma_semaphore, #tpu.memory_space<semaphore_mem>>, %arg28: memref<!tpu.dma_semaphore, #tpu.memory_space<semaphore_mem>>, %arg29: memref<!tpu.dma_semaphore, #tpu.memory_space<semaphore_mem>>) attributes {dimension_semantics = [#tpu.dimension_semantics<core_parallel>, #tpu.dimension_semantics<subcore_parallel>], iteration_bounds = array<i64: 2, 16>, scalar_prefetch = 0 : i64, scratch_operands = 21 : i64, tpu.core_type = #tpu.core_type<sc_vector_subcore>, window_params = [{transform_indices = #map}, {transform_indices = #map}, {transform_indices = #map1}, {transform_indices = #map1}, {transform_indices = #map1}, {transform_indices = #map1}, {transform_indices = #map2}]} {
    %mul3A = arith.constant 10000 : i32
    %mul3A_0 = arith.muli %arg0, %mul3A : i32
    %scan3A = arith.constant 0 : i32
    %scan3A_1 = arith.constant 0 : i32
    %scan3A_2 = arith.constant 16 : i32
    %scan3A_3 = arith.addi %scan3A_1, %scan3A_2 : i32
    %scan3A_4 = arith.constant 1 : i32
    %scan3A_5 = scf.for %scan3A_31 = %scan3A_1 to %scan3A_3 step %scan3A_4 iter_args(%scan3A_32 = %scan3A) -> (i32)  : i32 {
      %broadcast_in_dim3A = arith.constant 0.000000e+00 : f32
      %broadcast_in_dim3A_33 = vector.broadcast %broadcast_in_dim3A : f32 to vector<16xf32>
      %swap3A = arith.index_cast %scan3A_31 : i32 to index
      %swap3A_34 = arith.constant 0 : index
      %swap3A_35 = tpu.vector_load %arg20[%swap3A, %swap3A_34] {strides = array<i32>} : memref<80x128xf32, #tpu.memory_space<vmem>>, vector<1x16xf32>,
      %swap3A_36 = vector.shape_cast %swap3A_35 : vector<1x16xf32> to vector<16xf32>
      %swap3A_37 = vector.shape_cast %broadcast_in_dim3A_33 : vector<16xf32> to vector<1x16xf32>
      tpu.vector_store %arg20[%swap3A, %swap3A_34], %swap3A_37 {strides = array<i32>} : memref<80x128xf32, #tpu.memory_space<vmem>>, vector<1x16xf32>,
      %broadcast_in_dim3A_38 = arith.constant 0.000000e+00 : f32
      %broadcast_in_dim3A_39 = vector.broadcast %broadcast_in_dim3A_38 : f32 to vector<16xf32>
      %swap3A_40 = arith.index_cast %scan3A_31 : i32 to index
      %swap3A_41 = arith.constant 16 : index
      %swap3A_42 = tpu.vector_load %arg20[%swap3A_40, %swap3A_41] {strides = array<i32>} : memref<80x128xf32, #tpu.memory_space<vmem>>, vector<1x16xf32>,
      %swap3A_43 = vector.shape_cast %swap3A_42 : vector<1x16xf32> to vector<16xf32>
      %swap3A_44 = vector.shape_cast %broadcast_in_dim3A_39 : vector<16xf32> to vector<1x16xf32>
      tpu.vector_store %arg20[%swap3A_40, %swap3A_41], %swap3A_44 {strides = array<i32>} : memref<80x128xf32, #tpu.memory_space<vmem>>, vector<1x16xf32>,
      %broadcast_in_dim3A_45 = arith.constant 0.000000e+00 : f32
      %broadcast_in_dim3A_46 = vector.broadcast %broadcast_in_dim3A_45 : f32 to vector<16xf32>
      %swap3A_47 = arith.index_cast %scan3A_31 : i32 to index
      %swap3A_48 = arith.constant 32 : index
      %swap3A_49 = tpu.vector_load %arg20[%swap3A_47, %swap3A_48] {strides = array<i32>} : memref<80x128xf32, #tpu.memory_space<vmem>>, vector<1x16xf32>,
      %swap3A_50 = vector.shape_cast %swap3A_49 : vector<1x16xf32> to vector<16xf32>
      %swap3A_51 = vector.shape_cast %broadcast_in_dim3A_46 : vector<16xf32> to vector<1x16xf32>
      tpu.vector_store %arg20[%swap3A_47, %swap3A_48], %swap3A_51 {strides = array<i32>} : memref<80x128xf32, #tpu.memory_space<vmem>>, vector<1x16xf32>,
      %broadcast_in_dim3A_52 = arith.constant 0.000000e+00 : f32
      %broadcast_in_dim3A_53 = vector.broadcast %broadcast_in_dim3A_52 : f32 to vector<16xf32>
      %swap3A_54 = arith.index_cast %scan3A_31 : i32 to index
      %swap3A_55 = arith.constant 48 : index
      %swap3A_56 = tpu.vector_load %arg20[%swap3A_54, %swap3A_55] {strides = array<i32>} : memref<80x128xf32, #tpu.memory_space<vmem>>, vector<1x16xf32>,
      %swap3A_57 = vector.shape_cast %swap3A_56 : vector<1x16xf32> to vector<16xf32>
      %swap3A_58 = vector.shape_cast %broadcast_in_dim3A_53 : vector<16xf32> to vector<1x16xf32>
      tpu.vector_store %arg20[%swap3A_54, %swap3A_55], %swap3A_58 {strides = array<i32>} : memref<80x128xf32, #tpu.memory_space<vmem>>, vector<1x16xf32>,
      %broadcast_in_dim3A_59 = arith.constant 0.000000e+00 : f32
      %broadcast_in_dim3A_60 = vector.broadcast %broadcast_in_dim3A_59 : f32 to vector<16xf32>
      %swap3A_61 = arith.index_cast %scan3A_31 : i32 to index
      %swap3A_62 = arith.constant 64 : index
      %swap3A_63 = tpu.vector_load %arg20[%swap3A_61, %swap3A_62] {strides = array<i32>} : memref<80x128xf32, #tpu.memory_space<vmem>>, vector<1x16xf32>,
      %swap3A_64 = vector.shape_cast %swap3A_63 : vector<1x16xf32> to vector<16xf32>
      %swap3A_65 = vector.shape_cast %broadcast_in_dim3A_60 : vector<16xf32> to vector<1x16xf32>
      tpu.vector_store %arg20[%swap3A_61, %swap3A_62], %swap3A_65 {strides = array<i32>} : memref<80x128xf32, #tpu.memory_space<vmem>>, vector<1x16xf32>,
      %broadcast_in_dim3A_66 = arith.constant 0.000000e+00 : f32
      %broadcast_in_dim3A_67 = vector.broadcast %broadcast_in_dim3A_66 : f32 to vector<16xf32>
      %swap3A_68 = arith.index_cast %scan3A_31 : i32 to index
      %swap3A_69 = arith.constant 80 : index
      %swap3A_70 = tpu.vector_load %arg20[%swap3A_68, %swap3A_69] {strides = array<i32>} : memref<80x128xf32, #tpu.memory_space<vmem>>, vector<1x16xf32>,
      %swap3A_71 = vector.shape_cast %swap3A_70 : vector<1x16xf32> to vector<16xf32>
      %swap3A_72 = vector.shape_cast %broadcast_in_dim3A_67 : vector<16xf32> to vector<1x16xf32>
      tpu.vector_store %arg20[%swap3A_68, %swap3A_69], %swap3A_72 {strides = array<i32>} : memref<80x128xf32, #tpu.memory_space<vmem>>, vector<1x16xf32>,
      %broadcast_in_dim3A_73 = arith.constant 0.000000e+00 : f32
      %broadcast_in_dim3A_74 = vector.broadcast %broadcast_in_dim3A_73 : f32 to vector<16xf32>
      %swap3A_75 = arith.index_cast %scan3A_31 : i32 to index
      %swap3A_76 = arith.constant 96 : index
      %swap3A_77 = tpu.vector_load %arg20[%swap3A_75, %swap3A_76] {strides = array<i32>} : memref<80x128xf32, #tpu.memory_space<vmem>>, vector<1x16xf32>,
      %swap3A_78 = vector.shape_cast %swap3A_77 : vector<1x16xf32> to vector<16xf32>
      %swap3A_79 = vector.shape_cast %broadcast_in_dim3A_74 : vector<16xf32> to vector<1x16xf32>
      tpu.vector_store %arg20[%swap3A_75, %swap3A_76], %swap3A_79 {strides = array<i32>} : memref<80x128xf32, #tpu.memory_space<vmem>>, vector<1x16xf32>,
      %broadcast_in_dim3A_80 = arith.constant 0.000000e+00 : f32
      %broadcast_in_dim3A_81 = vector.broadcast %broadcast_in_dim3A_80 : f32 to vector<16xf32>
      %swap3A_82 = arith.index_cast %scan3A_31 : i32 to index
      %swap3A_83 = arith.constant 112 : index
      %swap3A_84 = tpu.vector_load %arg20[%swap3A_82, %swap3A_83] {strides = array<i32>} : memref<80x128xf32, #tpu.memory_space<vmem>>, vector<1x16xf32>,
      %swap3A_85 = vector.shape_cast %swap3A_84 : vector<1x16xf32> to vector<16xf32>
      %swap3A_86 = vector.shape_cast %broadcast_in_dim3A_81 : vector<16xf32> to vector<1x16xf32>
      tpu.vector_store %arg20[%swap3A_82, %swap3A_83], %swap3A_86 {strides = array<i32>} : memref<80x128xf32, #tpu.memory_space<vmem>>, vector<1x16xf32>,
      %scan3A_87 = arith.constant 0 : i32
      scf.yield %scan3A_87 : i32
    }
    %scan3A_6 = arith.constant 16 : i32
    %scan3A_7 = arith.constant 0 : i32
    %scan3A_8 = arith.constant 0 : i32
    %scan3A_9 = arith.constant 39 : i32
    %scan3A_10 = arith.addi %scan3A_8, %scan3A_9 : i32
    %scan3A_11 = arith.constant 1 : i32
    %scan3A_12 = scf.for %scan3A_31 = %scan3A_8 to %scan3A_10 step %scan3A_11 iter_args(%scan3A_32 = %scan3A_7) -> (i32)  : i32 {
      %mul3A_33 = arith.constant 624 : i32
      %mul3A_34 = arith.muli %arg1, %mul3A_33 : i32
      %mul3A_35 = arith.constant 16 : i32
      %mul3A_36 = arith.muli %scan3A_31, %mul3A_35 : i32
      %add3A = arith.addi %mul3A_34, %mul3A_36 : i32
      "tpu.region"() ({
        %run_scoped3A = tpu.sem_alloc : memref<!tpu.dma_semaphore, #tpu.memory_space<semaphore_mem>>
        %dma_start3A = arith.constant 0 : i32
        %dma_start3A_38 = arith.constant 0 : i32
        %dma_start3A_39 = tpu.memref_slice %arg20[%dma_start3A, %dma_start3A_38] : memref<80x128xf32, #tpu.memory_space<vmem>> -> memref<16x128xf32, #tpu.memory_space<vmem>>
        %dma_start3A_40 = arith.constant 0 : i32
        %dma_start3A_41 = tpu.memref_slice %arg21[%add3A, %dma_start3A_40] : memref<10000x128xf32, #tpu.memory_space<vmem_shared>> -> memref<16x128xf32, #tpu.memory_space<vmem_shared>>
        %dma_start3A_42 = arith.constant 0 : i32
        %dma_start3A_43 = tpu.memref_slice %arg21[%add3A, %dma_start3A_42] : memref<10000x128xf32, #tpu.memory_space<vmem_shared>> -> memref<16x128xf32, #tpu.memory_space<vmem_shared>>
        %dma_start3A_44 = arith.constant 0 : i32
        %dma_start3A_45 = arith.constant 0 : i32
        %dma_start3A_46 = tpu.memref_slice %arg20[%dma_start3A_44, %dma_start3A_45] : memref<80x128xf32, #tpu.memory_space<vmem>> -> memref<16x128xf32, #tpu.memory_space<vmem>>
        tpu.enqueue_dma source(%dma_start3A_46 : memref<16x128xf32, #tpu.memory_space<vmem>>) target(%dma_start3A_43 : memref<16x128xf32, #tpu.memory_space<vmem_shared>>) target_semaphore(%run_scoped3A : memref<!tpu.dma_semaphore, #tpu.memory_space<semaphore_mem>>)
        %dma_wait3A = arith.constant 0 : i32
        %dma_wait3A_47 = arith.constant 0 : i32
        %dma_wait3A_48 = tpu.memref_slice %arg20[%dma_wait3A, %dma_wait3A_47] : memref<80x128xf32, #tpu.memory_space<vmem>> -> memref<16x128xf32, #tpu.memory_space<vmem>>
        %dma_wait3A_49 = arith.constant 0 : i32
        %dma_wait3A_50 = tpu.memref_slice %arg21[%add3A, %dma_wait3A_49] : memref<10000x128xf32, #tpu.memory_space<vmem_shared>> -> memref<16x128xf32, #tpu.memory_space<vmem_shared>>
        %dma_wait3A_51 = arith.constant 0 : i32
        %dma_wait3A_52 = tpu.memref_slice %arg21[%add3A, %dma_wait3A_51] : memref<10000x128xf32, #tpu.memory_space<vmem_shared>> -> memref<16x128xf32, #tpu.memory_space<vmem_shared>>
        %dma_wait3A_53 = arith.constant 0 : i32
        %dma_wait3A_54 = arith.constant 0 : i32
        %dma_wait3A_55 = tpu.memref_slice %arg20[%dma_wait3A_53, %dma_wait3A_54] : memref<80x128xf32, #tpu.memory_space<vmem>> -> memref<16x128xf32, #tpu.memory_space<vmem>>
        tpu.wait_dma2 semaphore(%run_scoped3A : memref<!tpu.dma_semaphore, #tpu.memory_space<semaphore_mem>>) src(%dma_wait3A_55 : memref<16x128xf32, #tpu.memory_space<vmem>>) dst(%dma_wait3A_52 : memref<16x128xf32, #tpu.memory_space<vmem_shared>>)
        tpu.yield
      }) : () -> ()
      %scan3A_37 = arith.constant 0 : i32
      scf.yield %scan3A_37 : i32
    }
    %scan3A_13 = arith.constant 39 : i32
    %eq3A = arith.constant 15 : i32
    %eq3A_14 = arith.cmpi eq, %arg1, %eq3A : i32
    %convert_element_type3A = arith.extui %eq3A_14 : i1 to i32
    %cond3A = arith.constant 0 : i32
    %cond3A_15 = arith.cmpi ne, %convert_element_type3A, %cond3A : i32
    scf.if %cond3A_15 {
      "tpu.region"() ({
        %run_scoped3A = tpu.sem_alloc : memref<!tpu.dma_semaphore, #tpu.memory_space<semaphore_mem>>
        %dma_start3A = arith.constant 0 : i32
        %dma_start3A_31 = arith.constant 0 : i32
        %dma_start3A_32 = tpu.memref_slice %arg20[%dma_start3A, %dma_start3A_31] : memref<80x128xf32, #tpu.memory_space<vmem>> -> memref<16x128xf32, #tpu.memory_space<vmem>>
        %dma_start3A_33 = arith.constant 9984 : i32
        %dma_start3A_34 = arith.constant 0 : i32
        %dma_start3A_35 = tpu.memref_slice %arg21[%dma_start3A_33, %dma_start3A_34] : memref<10000x128xf32, #tpu.memory_space<vmem_shared>> -> memref<16x128xf32, #tpu.memory_space<vmem_shared>>
        %dma_start3A_36 = arith.constant 9984 : i32
        %dma_start3A_37 = arith.constant 0 : i32
        %dma_start3A_38 = tpu.memref_slice %arg21[%dma_start3A_36, %dma_start3A_37] : memref<10000x128xf32, #tpu.memory_space<vmem_shared>> -> memref<16x128xf32, #tpu.memory_space<vmem_shared>>
        %dma_start3A_39 = arith.constant 0 : i32
        %dma_start3A_40 = arith.constant 0 : i32
        %dma_start3A_41 = tpu.memref_slice %arg20[%dma_start3A_39, %dma_start3A_40] : memref<80x128xf32, #tpu.memory_space<vmem>> -> memref<16x128xf32, #tpu.memory_space<vmem>>
        tpu.enqueue_dma source(%dma_start3A_41 : memref<16x128xf32, #tpu.memory_space<vmem>>) target(%dma_start3A_38 : memref<16x128xf32, #tpu.memory_space<vmem_shared>>) target_semaphore(%run_scoped3A : memref<!tpu.dma_semaphore, #tpu.memory_space<semaphore_mem>>)
        %dma_wait3A = arith.constant 0 : i32
        %dma_wait3A_42 = arith.constant 0 : i32
        %dma_wait3A_43 = tpu.memref_slice %arg20[%dma_wait3A, %dma_wait3A_42] : memref<80x128xf32, #tpu.memory_space<vmem>> -> memref<16x128xf32, #tpu.memory_space<vmem>>
        %dma_wait3A_44 = arith.constant 9984 : i32
        %dma_wait3A_45 = arith.constant 0 : i32
        %dma_wait3A_46 = tpu.memref_slice %arg21[%dma_wait3A_44, %dma_wait3A_45] : memref<10000x128xf32, #tpu.memory_space<vmem_shared>> -> memref<16x128xf32, #tpu.memory_space<vmem_shared>>
        %dma_wait3A_47 = arith.constant 9984 : i32
        %dma_wait3A_48 = arith.constant 0 : i32
        %dma_wait3A_49 = tpu.memref_slice %arg21[%dma_wait3A_47, %dma_wait3A_48] : memref<10000x128xf32, #tpu.memory_space<vmem_shared>> -> memref<16x128xf32, #tpu.memory_space<vmem_shared>>
        %dma_wait3A_50 = arith.constant 0 : i32
        %dma_wait3A_51 = arith.constant 0 : i32
        %dma_wait3A_52 = tpu.memref_slice %arg20[%dma_wait3A_50, %dma_wait3A_51] : memref<80x128xf32, #tpu.memory_space<vmem>> -> memref<16x128xf32, #tpu.memory_space<vmem>>
        tpu.wait_dma2 semaphore(%run_scoped3A : memref<!tpu.dma_semaphore, #tpu.memory_space<semaphore_mem>>) src(%dma_wait3A_52 : memref<16x128xf32, #tpu.memory_space<vmem>>) dst(%dma_wait3A_49 : memref<16x128xf32, #tpu.memory_space<vmem_shared>>)
        tpu.yield
      }) : () -> ()
    } else {
    }
    %barrier3A = arith.constant 0 : index
    tpu.barrier barrier_id(%barrier3A)
    %scan3A_16 = arith.constant 0 : i32
    %scan3A_17 = arith.constant 0 : i32
    %scan3A_18 = arith.constant 125 : i32
    %scan3A_19 = arith.addi %scan3A_17, %scan3A_18 : i32
    %scan3A_20 = arith.constant 1 : i32
    %scan3A_21 = scf.for %scan3A_31 = %scan3A_17 to %scan3A_19 step %scan3A_20 iter_args(%scan3A_32 = %scan3A_16) -> (i32)  : i32 {
      %mul3A_33 = arith.constant 2 : i32
      %mul3A_34 = arith.muli %mul3A_33, %scan3A_31 : i32
      %mul3A_35 = arith.constant 16 : i32
      %mul3A_36 = arith.muli %mul3A_34, %mul3A_35 : i32
      %add3A = arith.addi %mul3A_36, %arg1 : i32
      %mul3A_37 = arith.constant 80 : i32
      %mul3A_38 = arith.muli %add3A, %mul3A_37 : i32
      %dma_start3A = tpu.memref_slice %arg2[%mul3A_38] : memref<320000xi32, #tpu.memory_space<hbm>> -> memref<80xi32, #tpu.memory_space<hbm>>
      %dma_start3A_39 = tpu.memref_slice %arg2[%mul3A_38] : memref<320000xi32, #tpu.memory_space<hbm>> -> memref<80xi32, #tpu.memory_space<hbm>>
      tpu.enqueue_dma source(%dma_start3A_39 : memref<80xi32, #tpu.memory_space<hbm>>) target(%arg9 : memref<80xi32, #tpu.memory_space<vmem>>) target_semaphore(%arg22 : memref<!tpu.dma_semaphore, #tpu.memory_space<semaphore_mem>>)
      %dma_start3A_40 = tpu.memref_slice %arg3[%mul3A_38] : memref<320000xi32, #tpu.memory_space<hbm>> -> memref<80xi32, #tpu.memory_space<hbm>>
      %dma_start3A_41 = tpu.memref_slice %arg3[%mul3A_38] : memref<320000xi32, #tpu.memory_space<hbm>> -> memref<80xi32, #tpu.memory_space<hbm>>
      tpu.enqueue_dma source(%dma_start3A_41 : memref<80xi32, #tpu.memory_space<hbm>>) target(%arg10 : memref<80xi32, #tpu.memory_space<vmem>>) target_semaphore(%arg22 : memref<!tpu.dma_semaphore, #tpu.memory_space<semaphore_mem>>)
      %mul3A_42 = arith.constant 320000 : i32
      %mul3A_43 = arith.muli %arg0, %mul3A_42 : i32
      %add3A_44 = arith.addi %mul3A_43, %mul3A_38 : i32
      %dma_start3A_45 = arith.constant 0 : i32
      %dma_start3A_46 = tpu.memref_slice %arg6[%add3A_44, %dma_start3A_45] : memref<640000x64xf32, #tpu.memory_space<hbm>> -> memref<80x64xf32, #tpu.memory_space<hbm>>
      %dma_start3A_47 = arith.constant 0 : i32
      %dma_start3A_48 = tpu.memref_slice %arg6[%add3A_44, %dma_start3A_47] : memref<640000x64xf32, #tpu.memory_space<hbm>> -> memref<80x64xf32, #tpu.memory_space<hbm>>
      tpu.enqueue_dma source(%dma_start3A_48 : memref<80x64xf32, #tpu.memory_space<hbm>>) target(%arg17 : memref<80x64xf32, #tpu.memory_space<vmem>>) target_semaphore(%arg23 : memref<!tpu.dma_semaphore, #tpu.memory_space<semaphore_mem>>)
      %add3A_49 = arith.constant 1 : i32
      %add3A_50 = arith.addi %mul3A_34, %add3A_49 : i32
      %mul3A_51 = arith.constant 16 : i32
      %mul3A_52 = arith.muli %add3A_50, %mul3A_51 : i32
      %add3A_53 = arith.addi %mul3A_52, %arg1 : i32
      %mul3A_54 = arith.constant 80 : i32
      %mul3A_55 = arith.muli %add3A_53, %mul3A_54 : i32
      %dma_start3A_56 = tpu.memref_slice %arg2[%mul3A_55] : memref<320000xi32, #tpu.memory_space<hbm>> -> memref<80xi32, #tpu.memory_space<hbm>>
      %dma_start3A_57 = tpu.memref_slice %arg2[%mul3A_55] : memref<320000xi32, #tpu.memory_space<hbm>> -> memref<80xi32, #tpu.memory_space<hbm>>
      tpu.enqueue_dma source(%dma_start3A_57 : memref<80xi32, #tpu.memory_space<hbm>>) target(%arg13 : memref<80xi32, #tpu.memory_space<vmem>>) target_semaphore(%arg24 : memref<!tpu.dma_semaphore, #tpu.memory_space<semaphore_mem>>)
      %dma_start3A_58 = tpu.memref_slice %arg3[%mul3A_55] : memref<320000xi32, #tpu.memory_space<hbm>> -> memref<80xi32, #tpu.memory_space<hbm>>
      %dma_start3A_59 = tpu.memref_slice %arg3[%mul3A_55] : memref<320000xi32, #tpu.memory_space<hbm>> -> memref<80xi32, #tpu.memory_space<hbm>>
      tpu.enqueue_dma source(%dma_start3A_59 : memref<80xi32, #tpu.memory_space<hbm>>) target(%arg14 : memref<80xi32, #tpu.memory_space<vmem>>) target_semaphore(%arg24 : memref<!tpu.dma_semaphore, #tpu.memory_space<semaphore_mem>>)
      %mul3A_60 = arith.constant 320000 : i32
      %mul3A_61 = arith.muli %arg0, %mul3A_60 : i32
      %add3A_62 = arith.addi %mul3A_61, %mul3A_55 : i32
      %dma_start3A_63 = arith.constant 0 : i32
      %dma_start3A_64 = tpu.memref_slice %arg6[%add3A_62, %dma_start3A_63] : memref<640000x64xf32, #tpu.memory_space<hbm>> -> memref<80x64xf32, #tpu.memory_space<hbm>>
      %dma_start3A_65 = arith.constant 0 : i32
      %dma_start3A_66 = tpu.memref_slice %arg6[%add3A_62, %dma_start3A_65] : memref<640000x64xf32, #tpu.memory_space<hbm>> -> memref<80x64xf32, #tpu.memory_space<hbm>>
      tpu.enqueue_dma source(%dma_start3A_66 : memref<80x64xf32, #tpu.memory_space<hbm>>) target(%arg18 : memref<80x64xf32, #tpu.memory_space<vmem>>) target_semaphore(%arg25 : memref<!tpu.dma_semaphore, #tpu.memory_space<semaphore_mem>>)
      %dma_wait3A = tpu.memref_slice %arg2[%mul3A_38] : memref<320000xi32, #tpu.memory_space<hbm>> -> memref<80xi32, #tpu.memory_space<hbm>>
      %dma_wait3A_67 = tpu.memref_slice %arg2[%mul3A_38] : memref<320000xi32, #tpu.memory_space<hbm>> -> memref<80xi32, #tpu.memory_space<hbm>>
      tpu.wait_dma2 semaphore(%arg22 : memref<!tpu.dma_semaphore, #tpu.memory_space<semaphore_mem>>) src(%dma_wait3A_67 : memref<80xi32, #tpu.memory_space<hbm>>) dst(%arg9 : memref<80xi32, #tpu.memory_space<vmem>>)
      %dma_wait3A_68 = tpu.memref_slice %arg3[%mul3A_38] : memref<320000xi32, #tpu.memory_space<hbm>> -> memref<80xi32, #tpu.memory_space<hbm>>
      %dma_wait3A_69 = tpu.memref_slice %arg3[%mul3A_38] : memref<320000xi32, #tpu.memory_space<hbm>> -> memref<80xi32, #tpu.memory_space<hbm>>
      tpu.wait_dma2 semaphore(%arg22 : memref<!tpu.dma_semaphore, #tpu.memory_space<semaphore_mem>>) src(%dma_wait3A_69 : memref<80xi32, #tpu.memory_space<hbm>>) dst(%arg10 : memref<80xi32, #tpu.memory_space<vmem>>)
      %get3A = arith.constant 0 : index
      %get3A_70 = tpu.vector_load %arg9[%get3A] {strides = array<i32>} : memref<80xi32, #tpu.memory_space<vmem>>, vector<16xi32>,
      %get3A_71 = vector.shape_cast %get3A_70 : vector<16xi32> to vector<16xi32>
      %add3A_72 = vector.broadcast %mul3A_0 : i32 to vector<16xi32>
      %add3A_73 = arith.addi %get3A_71, %add3A_72 : vector<16xi32>
      %swap3A = arith.constant 0 : index
      %swap3A_74 = tpu.vector_load %arg11[%swap3A] {strides = array<i32>} : memref<80xi32, #tpu.memory_space<vmem>>, vector<16xi32>,
      %swap3A_75 = vector.shape_cast %swap3A_74 : vector<16xi32> to vector<16xi32>
      %swap3A_76 = vector.shape_cast %add3A_73 : vector<16xi32> to vector<16xi32>
      tpu.vector_store %arg11[%swap3A], %swap3A_76 {strides = array<i32>} : memref<80xi32, #tpu.memory_space<vmem>>, vector<16xi32>,
      %get3A_77 = arith.constant 0 : index
      %get3A_78 = tpu.vector_load %arg10[%get3A_77] {strides = array<i32>} : memref<80xi32, #tpu.memory_space<vmem>>, vector<16xi32>,
      %get3A_79 = vector.shape_cast %get3A_78 : vector<16xi32> to vector<16xi32>
      %add3A_80 = vector.broadcast %mul3A_0 : i32 to vector<16xi32>
      %add3A_81 = arith.addi %get3A_79, %add3A_80 : vector<16xi32>
      %swap3A_82 = arith.constant 0 : index
      %swap3A_83 = tpu.vector_load %arg12[%swap3A_82] {strides = array<i32>} : memref<80xi32, #tpu.memory_space<vmem>>, vector<16xi32>,
      %swap3A_84 = vector.shape_cast %swap3A_83 : vector<16xi32> to vector<16xi32>
      %swap3A_85 = vector.shape_cast %add3A_81 : vector<16xi32> to vector<16xi32>
      tpu.vector_store %arg12[%swap3A_82], %swap3A_85 {strides = array<i32>} : memref<80xi32, #tpu.memory_space<vmem>>, vector<16xi32>,
      %get3A_86 = arith.constant 16 : index
      %get3A_87 = tpu.vector_load %arg9[%get3A_86] {strides = array<i32>} : memref<80xi32, #tpu.memory_space<vmem>>, vector<16xi32>,
      %get3A_88 = vector.shape_cast %get3A_87 : vector<16xi32> to vector<16xi32>
      %add3A_89 = vector.broadcast %mul3A_0 : i32 to vector<16xi32>
      %add3A_90 = arith.addi %get3A_88, %add3A_89 : vector<16xi32>
      %swap3A_91 = arith.constant 16 : index
      %swap3A_92 = tpu.vector_load %arg11[%swap3A_91] {strides = array<i32>} : memref<80xi32, #tpu.memory_space<vmem>>, vector<16xi32>,
      %swap3A_93 = vector.shape_cast %swap3A_92 : vector<16xi32> to vector<16xi32>
      %swap3A_94 = vector.shape_cast %add3A_90 : vector<16xi32> to vector<16xi32>
      tpu.vector_store %arg11[%swap3A_91], %swap3A_94 {strides = array<i32>} : memref<80xi32, #tpu.memory_space<vmem>>, vector<16xi32>,
      %get3A_95 = arith.constant 16 : index
      %get3A_96 = tpu.vector_load %arg10[%get3A_95] {strides = array<i32>} : memref<80xi32, #tpu.memory_space<vmem>>, vector<16xi32>,
      %get3A_97 = vector.shape_cast %get3A_96 : vector<16xi32> to vector<16xi32>
      %add3A_98 = vector.broadcast %mul3A_0 : i32 to vector<16xi32>
      %add3A_99 = arith.addi %get3A_97, %add3A_98 : vector<16xi32>
      %swap3A_100 = arith.constant 16 : index
      %swap3A_101 = tpu.vector_load %arg12[%swap3A_100] {strides = array<i32>} : memref<80xi32, #tpu.memory_space<vmem>>, vector<16xi32>,
      %swap3A_102 = vector.shape_cast %swap3A_101 : vector<16xi32> to vector<16xi32>
      %swap3A_103 = vector.shape_cast %add3A_99 : vector<16xi32> to vector<16xi32>
      tpu.vector_store %arg12[%swap3A_100], %swap3A_103 {strides = array<i32>} : memref<80xi32, #tpu.memory_space<vmem>>, vector<16xi32>,
      %get3A_104 = arith.constant 32 : index
      %get3A_105 = tpu.vector_load %arg9[%get3A_104] {strides = array<i32>} : memref<80xi32, #tpu.memory_space<vmem>>, vector<16xi32>,
      %get3A_106 = vector.shape_cast %get3A_105 : vector<16xi32> to vector<16xi32>
      %add3A_107 = vector.broadcast %mul3A_0 : i32 to vector<16xi32>
      %add3A_108 = arith.addi %get3A_106, %add3A_107 : vector<16xi32>
      %swap3A_109 = arith.constant 32 : index
      %swap3A_110 = tpu.vector_load %arg11[%swap3A_109] {strides = array<i32>} : memref<80xi32, #tpu.memory_space<vmem>>, vector<16xi32>,
      %swap3A_111 = vector.shape_cast %swap3A_110 : vector<16xi32> to vector<16xi32>
      %swap3A_112 = vector.shape_cast %add3A_108 : vector<16xi32> to vector<16xi32>
      tpu.vector_store %arg11[%swap3A_109], %swap3A_112 {strides = array<i32>} : memref<80xi32, #tpu.memory_space<vmem>>, vector<16xi32>,
      %get3A_113 = arith.constant 32 : index
      %get3A_114 = tpu.vector_load %arg10[%get3A_113] {strides = array<i32>} : memref<80xi32, #tpu.memory_space<vmem>>, vector<16xi32>,
      %get3A_115 = vector.shape_cast %get3A_114 : vector<16xi32> to vector<16xi32>
      %add3A_116 = vector.broadcast %mul3A_0 : i32 to vector<16xi32>
      %add3A_117 = arith.addi %get3A_115, %add3A_116 : vector<16xi32>
      %swap3A_118 = arith.constant 32 : index
      %swap3A_119 = tpu.vector_load %arg12[%swap3A_118] {strides = array<i32>} : memref<80xi32, #tpu.memory_space<vmem>>, vector<16xi32>,
      %swap3A_120 = vector.shape_cast %swap3A_119 : vector<16xi32> to vector<16xi32>
      %swap3A_121 = vector.shape_cast %add3A_117 : vector<16xi32> to vector<16xi32>
      tpu.vector_store %arg12[%swap3A_118], %swap3A_121 {strides = array<i32>} : memref<80xi32, #tpu.memory_space<vmem>>, vector<16xi32>,
      %get3A_122 = arith.constant 48 : index
      %get3A_123 = tpu.vector_load %arg9[%get3A_122] {strides = array<i32>} : memref<80xi32, #tpu.memory_space<vmem>>, vector<16xi32>,
      %get3A_124 = vector.shape_cast %get3A_123 : vector<16xi32> to vector<16xi32>
      %add3A_125 = vector.broadcast %mul3A_0 : i32 to vector<16xi32>
      %add3A_126 = arith.addi %get3A_124, %add3A_125 : vector<16xi32>
      %swap3A_127 = arith.constant 48 : index
      %swap3A_128 = tpu.vector_load %arg11[%swap3A_127] {strides = array<i32>} : memref<80xi32, #tpu.memory_space<vmem>>, vector<16xi32>,
      %swap3A_129 = vector.shape_cast %swap3A_128 : vector<16xi32> to vector<16xi32>
      %swap3A_130 = vector.shape_cast %add3A_126 : vector<16xi32> to vector<16xi32>
      tpu.vector_store %arg11[%swap3A_127], %swap3A_130 {strides = array<i32>} : memref<80xi32, #tpu.memory_space<vmem>>, vector<16xi32>,
      %get3A_131 = arith.constant 48 : index
      %get3A_132 = tpu.vector_load %arg10[%get3A_131] {strides = array<i32>} : memref<80xi32, #tpu.memory_space<vmem>>, vector<16xi32>,
      %get3A_133 = vector.shape_cast %get3A_132 : vector<16xi32> to vector<16xi32>
      %add3A_134 = vector.broadcast %mul3A_0 : i32 to vector<16xi32>
      %add3A_135 = arith.addi %get3A_133, %add3A_134 : vector<16xi32>
      %swap3A_136 = arith.constant 48 : index
      %swap3A_137 = tpu.vector_load %arg12[%swap3A_136] {strides = array<i32>} : memref<80xi32, #tpu.memory_space<vmem>>, vector<16xi32>,
      %swap3A_138 = vector.shape_cast %swap3A_137 : vector<16xi32> to vector<16xi32>
      %swap3A_139 = vector.shape_cast %add3A_135 : vector<16xi32> to vector<16xi32>
      tpu.vector_store %arg12[%swap3A_136], %swap3A_139 {strides = array<i32>} : memref<80xi32, #tpu.memory_space<vmem>>, vector<16xi32>,
      %get3A_140 = arith.constant 64 : index
      %get3A_141 = tpu.vector_load %arg9[%get3A_140] {strides = array<i32>} : memref<80xi32, #tpu.memory_space<vmem>>, vector<16xi32>,
      %get3A_142 = vector.shape_cast %get3A_141 : vector<16xi32> to vector<16xi32>
      %add3A_143 = vector.broadcast %mul3A_0 : i32 to vector<16xi32>
      %add3A_144 = arith.addi %get3A_142, %add3A_143 : vector<16xi32>
      %swap3A_145 = arith.constant 64 : index
      %swap3A_146 = tpu.vector_load %arg11[%swap3A_145] {strides = array<i32>} : memref<80xi32, #tpu.memory_space<vmem>>, vector<16xi32>,
      %swap3A_147 = vector.shape_cast %swap3A_146 : vector<16xi32> to vector<16xi32>
      %swap3A_148 = vector.shape_cast %add3A_144 : vector<16xi32> to vector<16xi32>
      tpu.vector_store %arg11[%swap3A_145], %swap3A_148 {strides = array<i32>} : memref<80xi32, #tpu.memory_space<vmem>>, vector<16xi32>,
      %get3A_149 = arith.constant 64 : index
      %get3A_150 = tpu.vector_load %arg10[%get3A_149] {strides = array<i32>} : memref<80xi32, #tpu.memory_space<vmem>>, vector<16xi32>,
      %get3A_151 = vector.shape_cast %get3A_150 : vector<16xi32> to vector<16xi32>
      %add3A_152 = vector.broadcast %mul3A_0 : i32 to vector<16xi32>
      %add3A_153 = arith.addi %get3A_151, %add3A_152 : vector<16xi32>
      %swap3A_154 = arith.constant 64 : index
      %swap3A_155 = tpu.vector_load %arg12[%swap3A_154] {strides = array<i32>} : memref<80xi32, #tpu.memory_space<vmem>>, vector<16xi32>,
      %swap3A_156 = vector.shape_cast %swap3A_155 : vector<16xi32> to vector<16xi32>
      %swap3A_157 = vector.shape_cast %add3A_153 : vector<16xi32> to vector<16xi32>
      tpu.vector_store %arg12[%swap3A_154], %swap3A_157 {strides = array<i32>} : memref<80xi32, #tpu.memory_space<vmem>>, vector<16xi32>,
      %dma_start3A_158 = arith.constant 0 : i32
      %dma_start3A_159 = arith.constant 0 : i32
      %dma_start3A_160 = tpu.memref_slice %arg19[%dma_start3A_158, %dma_start3A_159] : memref<80x128xf32, #tpu.memory_space<vmem>> -> memref<40x128xf32, #tpu.memory_space<vmem>>
      %dma_start3A_161 = arith.constant 0 : i32
      %dma_start3A_162 = tpu.memref_slice %arg11[%dma_start3A_161] : memref<80xi32, #tpu.memory_space<vmem>> -> memref<40xi32, #tpu.memory_space<vmem>>
      %dma_start3A_163 = arith.constant 0 : i32
      %dma_start3A_164 = arith.constant 0 : i32
      %dma_start3A_165 = tpu.memref_slice %arg4[%dma_start3A_163, %dma_start3A_164] : memref<20000x128xf32, #tpu.memory_space<hbm>> -> memref<20000x128xf32, #tpu.memory_space<hbm>>
      tpu.enqueue_indirect_dma source(%dma_start3A_165 : memref<20000x128xf32, #tpu.memory_space<hbm>>) target(%dma_start3A_160 : memref<40x128xf32, #tpu.memory_space<vmem>>) offsets(%dma_start3A_162 : memref<40xi32, #tpu.memory_space<vmem>>) semaphore(%arg26 : memref<!tpu.dma_semaphore, #tpu.memory_space<semaphore_mem>>)
      %dma_start3A_166 = arith.constant 0 : i32
      %dma_start3A_167 = arith.constant 0 : i32
      %dma_start3A_168 = tpu.memref_slice %arg20[%dma_start3A_166, %dma_start3A_167] : memref<80x128xf32, #tpu.memory_space<vmem>> -> memref<40x128xf32, #tpu.memory_space<vmem>>
      %dma_start3A_169 = arith.constant 0 : i32
      %dma_start3A_170 = tpu.memref_slice %arg12[%dma_start3A_169] : memref<80xi32, #tpu.memory_space<vmem>> -> memref<40xi32, #tpu.memory_space<vmem>>
      %dma_start3A_171 = arith.constant 0 : i32
      %dma_start3A_172 = arith.constant 0 : i32
      %dma_start3A_173 = tpu.memref_slice %arg5[%dma_start3A_171, %dma_start3A_172] : memref<20000x128xf32, #tpu.memory_space<hbm>> -> memref<20000x128xf32, #tpu.memory_space<hbm>>
      tpu.enqueue_indirect_dma source(%dma_start3A_173 : memref<20000x128xf32, #tpu.memory_space<hbm>>) target(%dma_start3A_168 : memref<40x128xf32, #tpu.memory_space<vmem>>) offsets(%dma_start3A_170 : memref<40xi32, #tpu.memory_space<vmem>>) semaphore(%arg26 : memref<!tpu.dma_semaphore, #tpu.memory_space<semaphore_mem>>)
      %dma_start3A_174 = arith.constant 40 : i32
      %dma_start3A_175 = arith.constant 0 : i32
      %dma_start3A_176 = tpu.memref_slice %arg19[%dma_start3A_174, %dma_start3A_175] : memref<80x128xf32, #tpu.memory_space<vmem>> -> memref<40x128xf32, #tpu.memory_space<vmem>>
      %dma_start3A_177 = arith.constant 40 : i32
      %dma_start3A_178 = tpu.memref_slice %arg11[%dma_start3A_177] : memref<80xi32, #tpu.memory_space<vmem>> -> memref<40xi32, #tpu.memory_space<vmem>>
      %dma_start3A_179 = arith.constant 0 : i32
      %dma_start3A_180 = arith.constant 0 : i32
      %dma_start3A_181 = tpu.memref_slice %arg4[%dma_start3A_179, %dma_start3A_180] : memref<20000x128xf32, #tpu.memory_space<hbm>> -> memref<20000x128xf32, #tpu.memory_space<hbm>>
      tpu.enqueue_indirect_dma source(%dma_start3A_181 : memref<20000x128xf32, #tpu.memory_space<hbm>>) target(%dma_start3A_176 : memref<40x128xf32, #tpu.memory_space<vmem>>) offsets(%dma_start3A_178 : memref<40xi32, #tpu.memory_space<vmem>>) semaphore(%arg27 : memref<!tpu.dma_semaphore, #tpu.memory_space<semaphore_mem>>)
      %dma_start3A_182 = arith.constant 40 : i32
      %dma_start3A_183 = arith.constant 0 : i32
      %dma_start3A_184 = tpu.memref_slice %arg20[%dma_start3A_182, %dma_start3A_183] : memref<80x128xf32, #tpu.memory_space<vmem>> -> memref<40x128xf32, #tpu.memory_space<vmem>>
      %dma_start3A_185 = arith.constant 40 : i32
      %dma_start3A_186 = tpu.memref_slice %arg12[%dma_start3A_185] : memref<80xi32, #tpu.memory_space<vmem>> -> memref<40xi32, #tpu.memory_space<vmem>>
      %dma_start3A_187 = arith.constant 0 : i32
      %dma_start3A_188 = arith.constant 0 : i32
      %dma_start3A_189 = tpu.memref_slice %arg5[%dma_start3A_187, %dma_start3A_188] : memref<20000x128xf32, #tpu.memory_space<hbm>> -> memref<20000x128xf32, #tpu.memory_space<hbm>>
      tpu.enqueue_indirect_dma source(%dma_start3A_189 : memref<20000x128xf32, #tpu.memory_space<hbm>>) target(%dma_start3A_184 : memref<40x128xf32, #tpu.memory_space<vmem>>) offsets(%dma_start3A_186 : memref<40xi32, #tpu.memory_space<vmem>>) semaphore(%arg27 : memref<!tpu.dma_semaphore, #tpu.memory_space<semaphore_mem>>)
      %mul3A_190 = arith.constant 16 : i32
      %mul3A_191 = arith.muli %mul3A_34, %mul3A_190 : i32
      %add3A_192 = arith.addi %mul3A_191, %arg1 : i32
      %mul3A_193 = arith.constant 80 : i32
      %mul3A_194 = arith.muli %add3A_192, %mul3A_193 : i32
      %dma_wait3A_195 = arith.constant 0 : i32
      %dma_wait3A_196 = tpu.memref_slice %arg6[%add3A_44, %dma_wait3A_195] : memref<640000x64xf32, #tpu.memory_space<hbm>> -> memref<80x64xf32, #tpu.memory_space<hbm>>
      %dma_wait3A_197 = arith.constant 0 : i32
      %dma_wait3A_198 = tpu.memref_slice %arg6[%add3A_44, %dma_wait3A_197] : memref<640000x64xf32, #tpu.memory_space<hbm>> -> memref<80x64xf32, #tpu.memory_space<hbm>>
      tpu.wait_dma2 semaphore(%arg23 : memref<!tpu.dma_semaphore, #tpu.memory_space<semaphore_mem>>) src(%dma_wait3A_198 : memref<80x64xf32, #tpu.memory_space<hbm>>) dst(%arg17 : memref<80x64xf32, #tpu.memory_space<vmem>>)
      %dma_wait3A_199 = arith.constant 0 : i32
      %dma_wait3A_200 = arith.constant 0 : i32
      %dma_wait3A_201 = tpu.memref_slice %arg19[%dma_wait3A_199, %dma_wait3A_200] : memref<80x128xf32, #tpu.memory_space<vmem>> -> memref<40x128xf32, #tpu.memory_space<vmem>>
      %dma_wait3A_202 = arith.constant 0 : i32
      %dma_wait3A_203 = tpu.memref_slice %arg11[%dma_wait3A_202] : memref<80xi32, #tpu.memory_space<vmem>> -> memref<40xi32, #tpu.memory_space<vmem>>
      %dma_wait3A_204 = arith.constant 0 : i32
      %dma_wait3A_205 = arith.constant 0 : i32
      %dma_wait3A_206 = tpu.memref_slice %arg4[%dma_wait3A_204, %dma_wait3A_205] : memref<20000x128xf32, #tpu.memory_space<hbm>> -> memref<20000x128xf32, #tpu.memory_space<hbm>>
      tpu.wait_indirect_dma semaphore(%arg26 : memref<!tpu.dma_semaphore, #tpu.memory_space<semaphore_mem>>) src(%dma_wait3A_206 : memref<20000x128xf32, #tpu.memory_space<hbm>>) dst(%dma_wait3A_201 : memref<40x128xf32, #tpu.memory_space<vmem>>)
      %dma_wait3A_207 = arith.constant 0 : i32
      %dma_wait3A_208 = arith.constant 0 : i32
      %dma_wait3A_209 = tpu.memref_slice %arg20[%dma_wait3A_207, %dma_wait3A_208] : memref<80x128xf32, #tpu.memory_space<vmem>> -> memref<40x128xf32, #tpu.memory_space<vmem>>
      %dma_wait3A_210 = arith.constant 0 : i32
      %dma_wait3A_211 = tpu.memref_slice %arg12[%dma_wait3A_210] : memref<80xi32, #tpu.memory_space<vmem>> -> memref<40xi32, #tpu.memory_space<vmem>>
      %dma_wait3A_212 = arith.constant 0 : i32
      %dma_wait3A_213 = arith.constant 0 : i32
      %dma_wait3A_214 = tpu.memref_slice %arg5[%dma_wait3A_212, %dma_wait3A_213] : memref<20000x128xf32, #tpu.memory_space<hbm>> -> memref<20000x128xf32, #tpu.memory_space<hbm>>
      tpu.wait_indirect_dma semaphore(%arg26 : memref<!tpu.dma_semaphore, #tpu.memory_space<semaphore_mem>>) src(%dma_wait3A_214 : memref<20000x128xf32, #tpu.memory_space<hbm>>) dst(%dma_wait3A_209 : memref<40x128xf32, #tpu.memory_space<vmem>>)
      %scan3A_215 = arith.constant 0 : i32
      %scan3A_216 = arith.constant 0 : i32
      %scan3A_217 = arith.constant 40 : i32
      %scan3A_218 = arith.addi %scan3A_216, %scan3A_217 : i32
      %scan3A_219 = arith.constant 1 : i32
      scf.for %scan3A_447 = %scan3A_216 to %scan3A_218 step %scan3A_219  : i32 {
        %get3A_448 = arith.index_cast %scan3A_447 : i32 to index
        %get3A_449 = arith.constant 0 : index
        %get3A_450 = tpu.vector_load %arg17[%get3A_448, %get3A_449] {strides = array<i32>} : memref<80x64xf32, #tpu.memory_space<vmem>>, vector<1x16xf32>,
        %get3A_451 = vector.shape_cast %get3A_450 : vector<1x16xf32> to vector<16xf32>
        %get3A_452 = arith.index_cast %scan3A_447 : i32 to index
        %get3A_453 = arith.constant 0 : index
        %get3A_454 = tpu.vector_load %arg19[%get3A_452, %get3A_453] {strides = array<i32>} : memref<80x128xf32, #tpu.memory_space<vmem>>, vector<1x16xf32>,
        %get3A_455 = vector.shape_cast %get3A_454 : vector<1x16xf32> to vector<16xf32>
        %add3A_456 = arith.addf %get3A_451, %get3A_455 : vector<16xf32>
        %get3A_457 = arith.index_cast %scan3A_447 : i32 to index
        %get3A_458 = arith.constant 0 : index
        %get3A_459 = tpu.vector_load %arg20[%get3A_457, %get3A_458] {strides = array<i32>} : memref<80x128xf32, #tpu.memory_space<vmem>>, vector<1x16xf32>,
        %get3A_460 = vector.shape_cast %get3A_459 : vector<1x16xf32> to vector<16xf32>
        %add3A_461 = arith.addf %add3A_456, %get3A_460 : vector<16xf32>
        %neg3A = arith.constant 0.000000e+00 : f32
        %neg3A_462 = vector.broadcast %neg3A : f32 to vector<16xf32>
        %neg3A_463 = arith.subf %neg3A_462, %add3A_461 : vector<16xf32>
        %exp3A = math.exp %neg3A_463 : vector<16xf32>
        %add3A_464 = arith.constant 1.000000e+00 : f32
        %add3A_465 = vector.broadcast %add3A_464 : f32 to vector<16xf32>
        %add3A_466 = arith.addf %add3A_465, %exp3A : vector<16xf32>
        %div3A = arith.constant 1.000000e+00 : f32
        %div3A_467 = vector.broadcast %div3A : f32 to vector<16xf32>
        %div3A_468 = arith.divf %div3A_467, %add3A_466 : vector<16xf32>
        %swap3A_469 = arith.index_cast %scan3A_447 : i32 to index
        %swap3A_470 = arith.constant 0 : index
        %swap3A_471 = tpu.vector_load %arg17[%swap3A_469, %swap3A_470] {strides = array<i32>} : memref<80x64xf32, #tpu.memory_space<vmem>>, vector<1x16xf32>,
        %swap3A_472 = vector.shape_cast %swap3A_471 : vector<1x16xf32> to vector<16xf32>
        %swap3A_473 = vector.shape_cast %add3A_461 : vector<16xf32> to vector<1x16xf32>
        tpu.vector_store %arg17[%swap3A_469, %swap3A_470], %swap3A_473 {strides = array<i32>} : memref<80x64xf32, #tpu.memory_space<vmem>>, vector<1x16xf32>,
        %get3A_474 = arith.index_cast %scan3A_447 : i32 to index
        %get3A_475 = arith.constant 64 : index
        %get3A_476 = tpu.vector_load %arg19[%get3A_474, %get3A_475] {strides = array<i32>} : memref<80x128xf32, #tpu.memory_space<vmem>>, vector<1x16xf32>,
        %get3A_477 = vector.shape_cast %get3A_476 : vector<1x16xf32> to vector<16xf32>
        %mul3A_478 = arith.mulf %div3A_468, %get3A_477 : vector<16xf32>
        %swap3A_479 = arith.index_cast %scan3A_447 : i32 to index
        %swap3A_480 = arith.constant 0 : index
        %swap3A_481 = tpu.vector_load %arg19[%swap3A_479, %swap3A_480] {strides = array<i32>} : memref<80x128xf32, #tpu.memory_space<vmem>>, vector<1x16xf32>,
        %swap3A_482 = vector.shape_cast %swap3A_481 : vector<1x16xf32> to vector<16xf32>
        %swap3A_483 = vector.shape_cast %div3A_468 : vector<16xf32> to vector<1x16xf32>
        tpu.vector_store %arg19[%swap3A_479, %swap3A_480], %swap3A_483 {strides = array<i32>} : memref<80x128xf32, #tpu.memory_space<vmem>>, vector<1x16xf32>,
        %swap3A_484 = arith.index_cast %scan3A_447 : i32 to index
        %swap3A_485 = arith.constant 64 : index
        %swap3A_486 = tpu.vector_load %arg19[%swap3A_484, %swap3A_485] {strides = array<i32>} : memref<80x128xf32, #tpu.memory_space<vmem>>, vector<1x16xf32>,
        %swap3A_487 = vector.shape_cast %swap3A_486 : vector<1x16xf32> to vector<16xf32>
        %swap3A_488 = vector.shape_cast %mul3A_478 : vector<16xf32> to vector<1x16xf32>
        tpu.vector_store %arg19[%swap3A_484, %swap3A_485], %swap3A_488 {strides = array<i32>} : memref<80x128xf32, #tpu.memory_space<vmem>>, vector<1x16xf32>,
        %get3A_489 = arith.index_cast %scan3A_447 : i32 to index
        %get3A_490 = arith.constant 16 : index
        %get3A_491 = tpu.vector_load %arg17[%get3A_489, %get3A_490] {strides = array<i32>} : memref<80x64xf32, #tpu.memory_space<vmem>>, vector<1x16xf32>,
        %get3A_492 = vector.shape_cast %get3A_491 : vector<1x16xf32> to vector<16xf32>
        %get3A_493 = arith.index_cast %scan3A_447 : i32 to index
        %get3A_494 = arith.constant 16 : index
        %get3A_495 = tpu.vector_load %arg19[%get3A_493, %get3A_494] {strides = array<i32>} : memref<80x128xf32, #tpu.memory_space<vmem>>, vector<1x16xf32>,
        %get3A_496 = vector.shape_cast %get3A_495 : vector<1x16xf32> to vector<16xf32>
        %add3A_497 = arith.addf %get3A_492, %get3A_496 : vector<16xf32>
        %get3A_498 = arith.index_cast %scan3A_447 : i32 to index
        %get3A_499 = arith.constant 16 : index
        %get3A_500 = tpu.vector_load %arg20[%get3A_498, %get3A_499] {strides = array<i32>} : memref<80x128xf32, #tpu.memory_space<vmem>>, vector<1x16xf32>,
        %get3A_501 = vector.shape_cast %get3A_500 : vector<1x16xf32> to vector<16xf32>
        %add3A_502 = arith.addf %add3A_497, %get3A_501 : vector<16xf32>
        %neg3A_503 = arith.constant 0.000000e+00 : f32
        %neg3A_504 = vector.broadcast %neg3A_503 : f32 to vector<16xf32>
        %neg3A_505 = arith.subf %neg3A_504, %add3A_502 : vector<16xf32>
        %exp3A_506 = math.exp %neg3A_505 : vector<16xf32>
        %add3A_507 = arith.constant 1.000000e+00 : f32
        %add3A_508 = vector.broadcast %add3A_507 : f32 to vector<16xf32>
        %add3A_509 = arith.addf %add3A_508, %exp3A_506 : vector<16xf32>
        %div3A_510 = arith.constant 1.000000e+00 : f32
        %div3A_511 = vector.broadcast %div3A_510 : f32 to vector<16xf32>
        %div3A_512 = arith.divf %div3A_511, %add3A_509 : vector<16xf32>
        %swap3A_513 = arith.index_cast %scan3A_447 : i32 to index
        %swap3A_514 = arith.constant 16 : index
        %swap3A_515 = tpu.vector_load %arg17[%swap3A_513, %swap3A_514] {strides = array<i32>} : memref<80x64xf32, #tpu.memory_space<vmem>>, vector<1x16xf32>,
        %swap3A_516 = vector.shape_cast %swap3A_515 : vector<1x16xf32> to vector<16xf32>
        %swap3A_517 = vector.shape_cast %add3A_502 : vector<16xf32> to vector<1x16xf32>
        tpu.vector_store %arg17[%swap3A_513, %swap3A_514], %swap3A_517 {strides = array<i32>} : memref<80x64xf32, #tpu.memory_space<vmem>>, vector<1x16xf32>,
        %get3A_518 = arith.index_cast %scan3A_447 : i32 to index
        %get3A_519 = arith.constant 80 : index
        %get3A_520 = tpu.vector_load %arg19[%get3A_518, %get3A_519] {strides = array<i32>} : memref<80x128xf32, #tpu.memory_space<vmem>>, vector<1x16xf32>,
        %get3A_521 = vector.shape_cast %get3A_520 : vector<1x16xf32> to vector<16xf32>
        %mul3A_522 = arith.mulf %div3A_512, %get3A_521 : vector<16xf32>
        %swap3A_523 = arith.index_cast %scan3A_447 : i32 to index
        %swap3A_524 = arith.constant 16 : index
        %swap3A_525 = tpu.vector_load %arg19[%swap3A_523, %swap3A_524] {strides = array<i32>} : memref<80x128xf32, #tpu.memory_space<vmem>>, vector<1x16xf32>,
        %swap3A_526 = vector.shape_cast %swap3A_525 : vector<1x16xf32> to vector<16xf32>
        %swap3A_527 = vector.shape_cast %div3A_512 : vector<16xf32> to vector<1x16xf32>
        tpu.vector_store %arg19[%swap3A_523, %swap3A_524], %swap3A_527 {strides = array<i32>} : memref<80x128xf32, #tpu.memory_space<vmem>>, vector<1x16xf32>,
        %swap3A_528 = arith.index_cast %scan3A_447 : i32 to index
        %swap3A_529 = arith.constant 80 : index
        %swap3A_530 = tpu.vector_load %arg19[%swap3A_528, %swap3A_529] {strides = array<i32>} : memref<80x128xf32, #tpu.memory_space<vmem>>, vector<1x16xf32>,
        %swap3A_531 = vector.shape_cast %swap3A_530 : vector<1x16xf32> to vector<16xf32>
        %swap3A_532 = vector.shape_cast %mul3A_522 : vector<16xf32> to vector<1x16xf32>
        tpu.vector_store %arg19[%swap3A_528, %swap3A_529], %swap3A_532 {strides = array<i32>} : memref<80x128xf32, #tpu.memory_space<vmem>>, vector<1x16xf32>,
        %get3A_533 = arith.index_cast %scan3A_447 : i32 to index
        %get3A_534 = arith.constant 32 : index
        %get3A_535 = tpu.vector_load %arg17[%get3A_533, %get3A_534] {strides = array<i32>} : memref<80x64xf32, #tpu.memory_space<vmem>>, vector<1x16xf32>,
        %get3A_536 = vector.shape_cast %get3A_535 : vector<1x16xf32> to vector<16xf32>
        %get3A_537 = arith.index_cast %scan3A_447 : i32 to index
        %get3A_538 = arith.constant 32 : index
        %get3A_539 = tpu.vector_load %arg19[%get3A_537, %get3A_538] {strides = array<i32>} : memref<80x128xf32, #tpu.memory_space<vmem>>, vector<1x16xf32>,
        %get3A_540 = vector.shape_cast %get3A_539 : vector<1x16xf32> to vector<16xf32>
        %add3A_541 = arith.addf %get3A_536, %get3A_540 : vector<16xf32>
        %get3A_542 = arith.index_cast %scan3A_447 : i32 to index
        %get3A_543 = arith.constant 32 : index
        %get3A_544 = tpu.vector_load %arg20[%get3A_542, %get3A_543] {strides = array<i32>} : memref<80x128xf32, #tpu.memory_space<vmem>>, vector<1x16xf32>,
        %get3A_545 = vector.shape_cast %get3A_544 : vector<1x16xf32> to vector<16xf32>
        %add3A_546 = arith.addf %add3A_541, %get3A_545 : vector<16xf32>
        %neg3A_547 = arith.constant 0.000000e+00 : f32
        %neg3A_548 = vector.broadcast %neg3A_547 : f32 to vector<16xf32>
        %neg3A_549 = arith.subf %neg3A_548, %add3A_546 : vector<16xf32>
        %exp3A_550 = math.exp %neg3A_549 : vector<16xf32>
        %add3A_551 = arith.constant 1.000000e+00 : f32
        %add3A_552 = vector.broadcast %add3A_551 : f32 to vector<16xf32>
        %add3A_553 = arith.addf %add3A_552, %exp3A_550 : vector<16xf32>
        %div3A_554 = arith.constant 1.000000e+00 : f32
        %div3A_555 = vector.broadcast %div3A_554 : f32 to vector<16xf32>
        %div3A_556 = arith.divf %div3A_555, %add3A_553 : vector<16xf32>
        %swap3A_557 = arith.index_cast %scan3A_447 : i32 to index
        %swap3A_558 = arith.constant 32 : index
        %swap3A_559 = tpu.vector_load %arg17[%swap3A_557, %swap3A_558] {strides = array<i32>} : memref<80x64xf32, #tpu.memory_space<vmem>>, vector<1x16xf32>,
        %swap3A_560 = vector.shape_cast %swap3A_559 : vector<1x16xf32> to vector<16xf32>
        %swap3A_561 = vector.shape_cast %add3A_546 : vector<16xf32> to vector<1x16xf32>
        tpu.vector_store %arg17[%swap3A_557, %swap3A_558], %swap3A_561 {strides = array<i32>} : memref<80x64xf32, #tpu.memory_space<vmem>>, vector<1x16xf32>,
        %get3A_562 = arith.index_cast %scan3A_447 : i32 to index
        %get3A_563 = arith.constant 96 : index
        %get3A_564 = tpu.vector_load %arg19[%get3A_562, %get3A_563] {strides = array<i32>} : memref<80x128xf32, #tpu.memory_space<vmem>>, vector<1x16xf32>,
        %get3A_565 = vector.shape_cast %get3A_564 : vector<1x16xf32> to vector<16xf32>
        %mul3A_566 = arith.mulf %div3A_556, %get3A_565 : vector<16xf32>
        %swap3A_567 = arith.index_cast %scan3A_447 : i32 to index
        %swap3A_568 = arith.constant 32 : index
        %swap3A_569 = tpu.vector_load %arg19[%swap3A_567, %swap3A_568] {strides = array<i32>} : memref<80x128xf32, #tpu.memory_space<vmem>>, vector<1x16xf32>,
        %swap3A_570 = vector.shape_cast %swap3A_569 : vector<1x16xf32> to vector<16xf32>
        %swap3A_571 = vector.shape_cast %div3A_556 : vector<16xf32> to vector<1x16xf32>
        tpu.vector_store %arg19[%swap3A_567, %swap3A_568], %swap3A_571 {strides = array<i32>} : memref<80x128xf32, #tpu.memory_space<vmem>>, vector<1x16xf32>,
        %swap3A_572 = arith.index_cast %scan3A_447 : i32 to index
        %swap3A_573 = arith.constant 96 : index
        %swap3A_574 = tpu.vector_load %arg19[%swap3A_572, %swap3A_573] {strides = array<i32>} : memref<80x128xf32, #tpu.memory_space<vmem>>, vector<1x16xf32>,
        %swap3A_575 = vector.shape_cast %swap3A_574 : vector<1x16xf32> to vector<16xf32>
        %swap3A_576 = vector.shape_cast %mul3A_566 : vector<16xf32> to vector<1x16xf32>
        tpu.vector_store %arg19[%swap3A_572, %swap3A_573], %swap3A_576 {strides = array<i32>} : memref<80x128xf32, #tpu.memory_space<vmem>>, vector<1x16xf32>,
        %get3A_577 = arith.index_cast %scan3A_447 : i32 to index
        %get3A_578 = arith.constant 48 : index
        %get3A_579 = tpu.vector_load %arg17[%get3A_577, %get3A_578] {strides = array<i32>} : memref<80x64xf32, #tpu.memory_space<vmem>>, vector<1x16xf32>,
        %get3A_580 = vector.shape_cast %get3A_579 : vector<1x16xf32> to vector<16xf32>
        %get3A_581 = arith.index_cast %scan3A_447 : i32 to index
        %get3A_582 = arith.constant 48 : index
        %get3A_583 = tpu.vector_load %arg19[%get3A_581, %get3A_582] {strides = array<i32>} : memref<80x128xf32, #tpu.memory_space<vmem>>, vector<1x16xf32>,
        %get3A_584 = vector.shape_cast %get3A_583 : vector<1x16xf32> to vector<16xf32>
        %add3A_585 = arith.addf %get3A_580, %get3A_584 : vector<16xf32>
        %get3A_586 = arith.index_cast %scan3A_447 : i32 to index
        %get3A_587 = arith.constant 48 : index
        %get3A_588 = tpu.vector_load %arg20[%get3A_586, %get3A_587] {strides = array<i32>} : memref<80x128xf32, #tpu.memory_space<vmem>>, vector<1x16xf32>,
        %get3A_589 = vector.shape_cast %get3A_588 : vector<1x16xf32> to vector<16xf32>
        %add3A_590 = arith.addf %add3A_585, %get3A_589 : vector<16xf32>
        %neg3A_591 = arith.constant 0.000000e+00 : f32
        %neg3A_592 = vector.broadcast %neg3A_591 : f32 to vector<16xf32>
        %neg3A_593 = arith.subf %neg3A_592, %add3A_590 : vector<16xf32>
        %exp3A_594 = math.exp %neg3A_593 : vector<16xf32>
        %add3A_595 = arith.constant 1.000000e+00 : f32
        %add3A_596 = vector.broadcast %add3A_595 : f32 to vector<16xf32>
        %add3A_597 = arith.addf %add3A_596, %exp3A_594 : vector<16xf32>
        %div3A_598 = arith.constant 1.000000e+00 : f32
        %div3A_599 = vector.broadcast %div3A_598 : f32 to vector<16xf32>
        %div3A_600 = arith.divf %div3A_599, %add3A_597 : vector<16xf32>
        %swap3A_601 = arith.index_cast %scan3A_447 : i32 to index
        %swap3A_602 = arith.constant 48 : index
        %swap3A_603 = tpu.vector_load %arg17[%swap3A_601, %swap3A_602] {strides = array<i32>} : memref<80x64xf32, #tpu.memory_space<vmem>>, vector<1x16xf32>,
        %swap3A_604 = vector.shape_cast %swap3A_603 : vector<1x16xf32> to vector<16xf32>
        %swap3A_605 = vector.shape_cast %add3A_590 : vector<16xf32> to vector<1x16xf32>
        tpu.vector_store %arg17[%swap3A_601, %swap3A_602], %swap3A_605 {strides = array<i32>} : memref<80x64xf32, #tpu.memory_space<vmem>>, vector<1x16xf32>,
        %get3A_606 = arith.index_cast %scan3A_447 : i32 to index
        %get3A_607 = arith.constant 112 : index
        %get3A_608 = tpu.vector_load %arg19[%get3A_606, %get3A_607] {strides = array<i32>} : memref<80x128xf32, #tpu.memory_space<vmem>>, vector<1x16xf32>,
        %get3A_609 = vector.shape_cast %get3A_608 : vector<1x16xf32> to vector<16xf32>
        %mul3A_610 = arith.mulf %div3A_600, %get3A_609 : vector<16xf32>
        %swap3A_611 = arith.index_cast %scan3A_447 : i32 to index
        %swap3A_612 = arith.constant 48 : index
        %swap3A_613 = tpu.vector_load %arg19[%swap3A_611, %swap3A_612] {strides = array<i32>} : memref<80x128xf32, #tpu.memory_space<vmem>>, vector<1x16xf32>,
        %swap3A_614 = vector.shape_cast %swap3A_613 : vector<1x16xf32> to vector<16xf32>
        %swap3A_615 = vector.shape_cast %div3A_600 : vector<16xf32> to vector<1x16xf32>
        tpu.vector_store %arg19[%swap3A_611, %swap3A_612], %swap3A_615 {strides = array<i32>} : memref<80x128xf32, #tpu.memory_space<vmem>>, vector<1x16xf32>,
        %swap3A_616 = arith.index_cast %scan3A_447 : i32 to index
        %swap3A_617 = arith.constant 112 : index
        %swap3A_618 = tpu.vector_load %arg19[%swap3A_616, %swap3A_617] {strides = array<i32>} : memref<80x128xf32, #tpu.memory_space<vmem>>, vector<1x16xf32>,
        %swap3A_619 = vector.shape_cast %swap3A_618 : vector<1x16xf32> to vector<16xf32>
        %swap3A_620 = vector.shape_cast %mul3A_610 : vector<16xf32> to vector<1x16xf32>
        tpu.vector_store %arg19[%swap3A_616, %swap3A_617], %swap3A_620 {strides = array<i32>} : memref<80x128xf32, #tpu.memory_space<vmem>>, vector<1x16xf32>,
      }
      %scan3A_220 = arith.constant 40 : i32
      %dma_wait3A_221 = arith.constant 40 : i32
      %dma_wait3A_222 = arith.constant 0 : i32
      %dma_wait3A_223 = tpu.memref_slice %arg19[%dma_wait3A_221, %dma_wait3A_222] : memref<80x128xf32, #tpu.memory_space<vmem>> -> memref<40x128xf32, #tpu.memory_space<vmem>>
      %dma_wait3A_224 = arith.constant 40 : i32
      %dma_wait3A_225 = tpu.memref_slice %arg11[%dma_wait3A_224] : memref<80xi32, #tpu.memory_space<vmem>> -> memref<40xi32, #tpu.memory_space<vmem>>
      %dma_wait3A_226 = arith.constant 0 : i32
      %dma_wait3A_227 = arith.constant 0 : i32
      %dma_wait3A_228 = tpu.memref_slice %arg4[%dma_wait3A_226, %dma_wait3A_227] : memref<20000x128xf32, #tpu.memory_space<hbm>> -> memref<20000x128xf32, #tpu.memory_space<hbm>>
      tpu.wait_indirect_dma semaphore(%arg27 : memref<!tpu.dma_semaphore, #tpu.memory_space<semaphore_mem>>) src(%dma_wait3A_228 : memref<20000x128xf32, #tpu.memory_space<hbm>>) dst(%dma_wait3A_223 : memref<40x128xf32, #tpu.memory_space<vmem>>)
      %dma_wait3A_229 = arith.constant 40 : i32
      %dma_wait3A_230 = arith.constant 0 : i32
      %dma_wait3A_231 = tpu.memref_slice %arg20[%dma_wait3A_229, %dma_wait3A_230] : memref<80x128xf32, #tpu.memory_space<vmem>> -> memref<40x128xf32, #tpu.memory_space<vmem>>
      %dma_wait3A_232 = arith.constant 40 : i32
      %dma_wait3A_233 = tpu.memref_slice %arg12[%dma_wait3A_232] : memref<80xi32, #tpu.memory_space<vmem>> -> memref<40xi32, #tpu.memory_space<vmem>>
      %dma_wait3A_234 = arith.constant 0 : i32
      %dma_wait3A_235 = arith.constant 0 : i32
      %dma_wait3A_236 = tpu.memref_slice %arg5[%dma_wait3A_234, %dma_wait3A_235] : memref<20000x128xf32, #tpu.memory_space<hbm>> -> memref<20000x128xf32, #tpu.memory_space<hbm>>
      tpu.wait_indirect_dma semaphore(%arg27 : memref<!tpu.dma_semaphore, #tpu.memory_space<semaphore_mem>>) src(%dma_wait3A_236 : memref<20000x128xf32, #tpu.memory_space<hbm>>) dst(%dma_wait3A_231 : memref<40x128xf32, #tpu.memory_space<vmem>>)
      %scan3A_237 = arith.constant 0 : i32
      %scan3A_238 = arith.constant 40 : i32
      %scan3A_239 = arith.constant 40 : i32
      %scan3A_240 = arith.addi %scan3A_238, %scan3A_239 : i32
      %scan3A_241 = arith.constant 1 : i32
      scf.for %scan3A_447 = %scan3A_238 to %scan3A_240 step %scan3A_241  : i32 {
        %get3A_448 = arith.index_cast %scan3A_447 : i32 to index
        %get3A_449 = arith.constant 0 : index
        %get3A_450 = tpu.vector_load %arg17[%get3A_448, %get3A_449] {strides = array<i32>} : memref<80x64xf32, #tpu.memory_space<vmem>>, vector<1x16xf32>,
        %get3A_451 = vector.shape_cast %get3A_450 : vector<1x16xf32> to vector<16xf32>
        %get3A_452 = arith.index_cast %scan3A_447 : i32 to index
        %get3A_453 = arith.constant 0 : index
        %get3A_454 = tpu.vector_load %arg19[%get3A_452, %get3A_453] {strides = array<i32>} : memref<80x128xf32, #tpu.memory_space<vmem>>, vector<1x16xf32>,
        %get3A_455 = vector.shape_cast %get3A_454 : vector<1x16xf32> to vector<16xf32>
        %add3A_456 = arith.addf %get3A_451, %get3A_455 : vector<16xf32>
        %get3A_457 = arith.index_cast %scan3A_447 : i32 to index
        %get3A_458 = arith.constant 0 : index
        %get3A_459 = tpu.vector_load %arg20[%get3A_457, %get3A_458] {strides = array<i32>} : memref<80x128xf32, #tpu.memory_space<vmem>>, vector<1x16xf32>,
        %get3A_460 = vector.shape_cast %get3A_459 : vector<1x16xf32> to vector<16xf32>
        %add3A_461 = arith.addf %add3A_456, %get3A_460 : vector<16xf32>
        %neg3A = arith.constant 0.000000e+00 : f32
        %neg3A_462 = vector.broadcast %neg3A : f32 to vector<16xf32>
        %neg3A_463 = arith.subf %neg3A_462, %add3A_461 : vector<16xf32>
        %exp3A = math.exp %neg3A_463 : vector<16xf32>
        %add3A_464 = arith.constant 1.000000e+00 : f32
        %add3A_465 = vector.broadcast %add3A_464 : f32 to vector<16xf32>
        %add3A_466 = arith.addf %add3A_465, %exp3A : vector<16xf32>
        %div3A = arith.constant 1.000000e+00 : f32
        %div3A_467 = vector.broadcast %div3A : f32 to vector<16xf32>
        %div3A_468 = arith.divf %div3A_467, %add3A_466 : vector<16xf32>
        %swap3A_469 = arith.index_cast %scan3A_447 : i32 to index
        %swap3A_470 = arith.constant 0 : index
        %swap3A_471 = tpu.vector_load %arg17[%swap3A_469, %swap3A_470] {strides = array<i32>} : memref<80x64xf32, #tpu.memory_space<vmem>>, vector<1x16xf32>,
        %swap3A_472 = vector.shape_cast %swap3A_471 : vector<1x16xf32> to vector<16xf32>
        %swap3A_473 = vector.shape_cast %add3A_461 : vector<16xf32> to vector<1x16xf32>
        tpu.vector_store %arg17[%swap3A_469, %swap3A_470], %swap3A_473 {strides = array<i32>} : memref<80x64xf32, #tpu.memory_space<vmem>>, vector<1x16xf32>,
        %get3A_474 = arith.index_cast %scan3A_447 : i32 to index
        %get3A_475 = arith.constant 64 : index
        %get3A_476 = tpu.vector_load %arg19[%get3A_474, %get3A_475] {strides = array<i32>} : memref<80x128xf32, #tpu.memory_space<vmem>>, vector<1x16xf32>,
        %get3A_477 = vector.shape_cast %get3A_476 : vector<1x16xf32> to vector<16xf32>
        %mul3A_478 = arith.mulf %div3A_468, %get3A_477 : vector<16xf32>
        %swap3A_479 = arith.index_cast %scan3A_447 : i32 to index
        %swap3A_480 = arith.constant 0 : index
        %swap3A_481 = tpu.vector_load %arg19[%swap3A_479, %swap3A_480] {strides = array<i32>} : memref<80x128xf32, #tpu.memory_space<vmem>>, vector<1x16xf32>,
        %swap3A_482 = vector.shape_cast %swap3A_481 : vector<1x16xf32> to vector<16xf32>
        %swap3A_483 = vector.shape_cast %div3A_468 : vector<16xf32> to vector<1x16xf32>
        tpu.vector_store %arg19[%swap3A_479, %swap3A_480], %swap3A_483 {strides = array<i32>} : memref<80x128xf32, #tpu.memory_space<vmem>>, vector<1x16xf32>,
        %swap3A_484 = arith.index_cast %scan3A_447 : i32 to index
        %swap3A_485 = arith.constant 64 : index
        %swap3A_486 = tpu.vector_load %arg19[%swap3A_484, %swap3A_485] {strides = array<i32>} : memref<80x128xf32, #tpu.memory_space<vmem>>, vector<1x16xf32>,
        %swap3A_487 = vector.shape_cast %swap3A_486 : vector<1x16xf32> to vector<16xf32>
        %swap3A_488 = vector.shape_cast %mul3A_478 : vector<16xf32> to vector<1x16xf32>
        tpu.vector_store %arg19[%swap3A_484, %swap3A_485], %swap3A_488 {strides = array<i32>} : memref<80x128xf32, #tpu.memory_space<vmem>>, vector<1x16xf32>,
        %get3A_489 = arith.index_cast %scan3A_447 : i32 to index
        %get3A_490 = arith.constant 16 : index
        %get3A_491 = tpu.vector_load %arg17[%get3A_489, %get3A_490] {strides = array<i32>} : memref<80x64xf32, #tpu.memory_space<vmem>>, vector<1x16xf32>,
        %get3A_492 = vector.shape_cast %get3A_491 : vector<1x16xf32> to vector<16xf32>
        %get3A_493 = arith.index_cast %scan3A_447 : i32 to index
        %get3A_494 = arith.constant 16 : index
        %get3A_495 = tpu.vector_load %arg19[%get3A_493, %get3A_494] {strides = array<i32>} : memref<80x128xf32, #tpu.memory_space<vmem>>, vector<1x16xf32>,
        %get3A_496 = vector.shape_cast %get3A_495 : vector<1x16xf32> to vector<16xf32>
        %add3A_497 = arith.addf %get3A_492, %get3A_496 : vector<16xf32>
        %get3A_498 = arith.index_cast %scan3A_447 : i32 to index
        %get3A_499 = arith.constant 16 : index
        %get3A_500 = tpu.vector_load %arg20[%get3A_498, %get3A_499] {strides = array<i32>} : memref<80x128xf32, #tpu.memory_space<vmem>>, vector<1x16xf32>,
        %get3A_501 = vector.shape_cast %get3A_500 : vector<1x16xf32> to vector<16xf32>
        %add3A_502 = arith.addf %add3A_497, %get3A_501 : vector<16xf32>
        %neg3A_503 = arith.constant 0.000000e+00 : f32
        %neg3A_504 = vector.broadcast %neg3A_503 : f32 to vector<16xf32>
        %neg3A_505 = arith.subf %neg3A_504, %add3A_502 : vector<16xf32>
        %exp3A_506 = math.exp %neg3A_505 : vector<16xf32>
        %add3A_507 = arith.constant 1.000000e+00 : f32
        %add3A_508 = vector.broadcast %add3A_507 : f32 to vector<16xf32>
        %add3A_509 = arith.addf %add3A_508, %exp3A_506 : vector<16xf32>
        %div3A_510 = arith.constant 1.000000e+00 : f32
        %div3A_511 = vector.broadcast %div3A_510 : f32 to vector<16xf32>
        %div3A_512 = arith.divf %div3A_511, %add3A_509 : vector<16xf32>
        %swap3A_513 = arith.index_cast %scan3A_447 : i32 to index
        %swap3A_514 = arith.constant 16 : index
        %swap3A_515 = tpu.vector_load %arg17[%swap3A_513, %swap3A_514] {strides = array<i32>} : memref<80x64xf32, #tpu.memory_space<vmem>>, vector<1x16xf32>,
        %swap3A_516 = vector.shape_cast %swap3A_515 : vector<1x16xf32> to vector<16xf32>
        %swap3A_517 = vector.shape_cast %add3A_502 : vector<16xf32> to vector<1x16xf32>
        tpu.vector_store %arg17[%swap3A_513, %swap3A_514], %swap3A_517 {strides = array<i32>} : memref<80x64xf32, #tpu.memory_space<vmem>>, vector<1x16xf32>,
        %get3A_518 = arith.index_cast %scan3A_447 : i32 to index
        %get3A_519 = arith.constant 80 : index
        %get3A_520 = tpu.vector_load %arg19[%get3A_518, %get3A_519] {strides = array<i32>} : memref<80x128xf32, #tpu.memory_space<vmem>>, vector<1x16xf32>,
        %get3A_521 = vector.shape_cast %get3A_520 : vector<1x16xf32> to vector<16xf32>
        %mul3A_522 = arith.mulf %div3A_512, %get3A_521 : vector<16xf32>
        %swap3A_523 = arith.index_cast %scan3A_447 : i32 to index
        %swap3A_524 = arith.constant 16 : index
        %swap3A_525 = tpu.vector_load %arg19[%swap3A_523, %swap3A_524] {strides = array<i32>} : memref<80x128xf32, #tpu.memory_space<vmem>>, vector<1x16xf32>,
        %swap3A_526 = vector.shape_cast %swap3A_525 : vector<1x16xf32> to vector<16xf32>
        %swap3A_527 = vector.shape_cast %div3A_512 : vector<16xf32> to vector<1x16xf32>
        tpu.vector_store %arg19[%swap3A_523, %swap3A_524], %swap3A_527 {strides = array<i32>} : memref<80x128xf32, #tpu.memory_space<vmem>>, vector<1x16xf32>,
        %swap3A_528 = arith.index_cast %scan3A_447 : i32 to index
        %swap3A_529 = arith.constant 80 : index
        %swap3A_530 = tpu.vector_load %arg19[%swap3A_528, %swap3A_529] {strides = array<i32>} : memref<80x128xf32, #tpu.memory_space<vmem>>, vector<1x16xf32>,
        %swap3A_531 = vector.shape_cast %swap3A_530 : vector<1x16xf32> to vector<16xf32>
        %swap3A_532 = vector.shape_cast %mul3A_522 : vector<16xf32> to vector<1x16xf32>
        tpu.vector_store %arg19[%swap3A_528, %swap3A_529], %swap3A_532 {strides = array<i32>} : memref<80x128xf32, #tpu.memory_space<vmem>>, vector<1x16xf32>,
        %get3A_533 = arith.index_cast %scan3A_447 : i32 to index
        %get3A_534 = arith.constant 32 : index
        %get3A_535 = tpu.vector_load %arg17[%get3A_533, %get3A_534] {strides = array<i32>} : memref<80x64xf32, #tpu.memory_space<vmem>>, vector<1x16xf32>,
        %get3A_536 = vector.shape_cast %get3A_535 : vector<1x16xf32> to vector<16xf32>
        %get3A_537 = arith.index_cast %scan3A_447 : i32 to index
        %get3A_538 = arith.constant 32 : index
        %get3A_539 = tpu.vector_load %arg19[%get3A_537, %get3A_538] {strides = array<i32>} : memref<80x128xf32, #tpu.memory_space<vmem>>, vector<1x16xf32>,
        %get3A_540 = vector.shape_cast %get3A_539 : vector<1x16xf32> to vector<16xf32>
        %add3A_541 = arith.addf %get3A_536, %get3A_540 : vector<16xf32>
        %get3A_542 = arith.index_cast %scan3A_447 : i32 to index
        %get3A_543 = arith.constant 32 : index
        %get3A_544 = tpu.vector_load %arg20[%get3A_542, %get3A_543] {strides = array<i32>} : memref<80x128xf32, #tpu.memory_space<vmem>>, vector<1x16xf32>,
        %get3A_545 = vector.shape_cast %get3A_544 : vector<1x16xf32> to vector<16xf32>
        %add3A_546 = arith.addf %add3A_541, %get3A_545 : vector<16xf32>
        %neg3A_547 = arith.constant 0.000000e+00 : f32
        %neg3A_548 = vector.broadcast %neg3A_547 : f32 to vector<16xf32>
        %neg3A_549 = arith.subf %neg3A_548, %add3A_546 : vector<16xf32>
        %exp3A_550 = math.exp %neg3A_549 : vector<16xf32>
        %add3A_551 = arith.constant 1.000000e+00 : f32
        %add3A_552 = vector.broadcast %add3A_551 : f32 to vector<16xf32>
        %add3A_553 = arith.addf %add3A_552, %exp3A_550 : vector<16xf32>
        %div3A_554 = arith.constant 1.000000e+00 : f32
        %div3A_555 = vector.broadcast %div3A_554 : f32 to vector<16xf32>
        %div3A_556 = arith.divf %div3A_555, %add3A_553 : vector<16xf32>
        %swap3A_557 = arith.index_cast %scan3A_447 : i32 to index
        %swap3A_558 = arith.constant 32 : index
        %swap3A_559 = tpu.vector_load %arg17[%swap3A_557, %swap3A_558] {strides = array<i32>} : memref<80x64xf32, #tpu.memory_space<vmem>>, vector<1x16xf32>,
        %swap3A_560 = vector.shape_cast %swap3A_559 : vector<1x16xf32> to vector<16xf32>
        %swap3A_561 = vector.shape_cast %add3A_546 : vector<16xf32> to vector<1x16xf32>
        tpu.vector_store %arg17[%swap3A_557, %swap3A_558], %swap3A_561 {strides = array<i32>} : memref<80x64xf32, #tpu.memory_space<vmem>>, vector<1x16xf32>,
        %get3A_562 = arith.index_cast %scan3A_447 : i32 to index
        %get3A_563 = arith.constant 96 : index
        %get3A_564 = tpu.vector_load %arg19[%get3A_562, %get3A_563] {strides = array<i32>} : memref<80x128xf32, #tpu.memory_space<vmem>>, vector<1x16xf32>,
        %get3A_565 = vector.shape_cast %get3A_564 : vector<1x16xf32> to vector<16xf32>
        %mul3A_566 = arith.mulf %div3A_556, %get3A_565 : vector<16xf32>
        %swap3A_567 = arith.index_cast %scan3A_447 : i32 to index
        %swap3A_568 = arith.constant 32 : index
        %swap3A_569 = tpu.vector_load %arg19[%swap3A_567, %swap3A_568] {strides = array<i32>} : memref<80x128xf32, #tpu.memory_space<vmem>>, vector<1x16xf32>,
        %swap3A_570 = vector.shape_cast %swap3A_569 : vector<1x16xf32> to vector<16xf32>
        %swap3A_571 = vector.shape_cast %div3A_556 : vector<16xf32> to vector<1x16xf32>
        tpu.vector_store %arg19[%swap3A_567, %swap3A_568], %swap3A_571 {strides = array<i32>} : memref<80x128xf32, #tpu.memory_space<vmem>>, vector<1x16xf32>,
        %swap3A_572 = arith.index_cast %scan3A_447 : i32 to index
        %swap3A_573 = arith.constant 96 : index
        %swap3A_574 = tpu.vector_load %arg19[%swap3A_572, %swap3A_573] {strides = array<i32>} : memref<80x128xf32, #tpu.memory_space<vmem>>, vector<1x16xf32>,
        %swap3A_575 = vector.shape_cast %swap3A_574 : vector<1x16xf32> to vector<16xf32>
        %swap3A_576 = vector.shape_cast %mul3A_566 : vector<16xf32> to vector<1x16xf32>
        tpu.vector_store %arg19[%swap3A_572, %swap3A_573], %swap3A_576 {strides = array<i32>} : memref<80x128xf32, #tpu.memory_space<vmem>>, vector<1x16xf32>,
        %get3A_577 = arith.index_cast %scan3A_447 : i32 to index
        %get3A_578 = arith.constant 48 : index
        %get3A_579 = tpu.vector_load %arg17[%get3A_577, %get3A_578] {strides = array<i32>} : memref<80x64xf32, #tpu.memory_space<vmem>>, vector<1x16xf32>,
        %get3A_580 = vector.shape_cast %get3A_579 : vector<1x16xf32> to vector<16xf32>
        %get3A_581 = arith.index_cast %scan3A_447 : i32 to index
        %get3A_582 = arith.constant 48 : index
        %get3A_583 = tpu.vector_load %arg19[%get3A_581, %get3A_582] {strides = array<i32>} : memref<80x128xf32, #tpu.memory_space<vmem>>, vector<1x16xf32>,
        %get3A_584 = vector.shape_cast %get3A_583 : vector<1x16xf32> to vector<16xf32>
        %add3A_585 = arith.addf %get3A_580, %get3A_584 : vector<16xf32>
        %get3A_586 = arith.index_cast %scan3A_447 : i32 to index
        %get3A_587 = arith.constant 48 : index
        %get3A_588 = tpu.vector_load %arg20[%get3A_586, %get3A_587] {strides = array<i32>} : memref<80x128xf32, #tpu.memory_space<vmem>>, vector<1x16xf32>,
        %get3A_589 = vector.shape_cast %get3A_588 : vector<1x16xf32> to vector<16xf32>
        %add3A_590 = arith.addf %add3A_585, %get3A_589 : vector<16xf32>
        %neg3A_591 = arith.constant 0.000000e+00 : f32
        %neg3A_592 = vector.broadcast %neg3A_591 : f32 to vector<16xf32>
        %neg3A_593 = arith.subf %neg3A_592, %add3A_590 : vector<16xf32>
        %exp3A_594 = math.exp %neg3A_593 : vector<16xf32>
        %add3A_595 = arith.constant 1.000000e+00 : f32
        %add3A_596 = vector.broadcast %add3A_595 : f32 to vector<16xf32>
        %add3A_597 = arith.addf %add3A_596, %exp3A_594 : vector<16xf32>
        %div3A_598 = arith.constant 1.000000e+00 : f32
        %div3A_599 = vector.broadcast %div3A_598 : f32 to vector<16xf32>
        %div3A_600 = arith.divf %div3A_599, %add3A_597 : vector<16xf32>
        %swap3A_601 = arith.index_cast %scan3A_447 : i32 to index
        %swap3A_602 = arith.constant 48 : index
        %swap3A_603 = tpu.vector_load %arg17[%swap3A_601, %swap3A_602] {strides = array<i32>} : memref<80x64xf32, #tpu.memory_space<vmem>>, vector<1x16xf32>,
        %swap3A_604 = vector.shape_cast %swap3A_603 : vector<1x16xf32> to vector<16xf32>
        %swap3A_605 = vector.shape_cast %add3A_590 : vector<16xf32> to vector<1x16xf32>
        tpu.vector_store %arg17[%swap3A_601, %swap3A_602], %swap3A_605 {strides = array<i32>} : memref<80x64xf32, #tpu.memory_space<vmem>>, vector<1x16xf32>,
        %get3A_606 = arith.index_cast %scan3A_447 : i32 to index
        %get3A_607 = arith.constant 112 : index
        %get3A_608 = tpu.vector_load %arg19[%get3A_606, %get3A_607] {strides = array<i32>} : memref<80x128xf32, #tpu.memory_space<vmem>>, vector<1x16xf32>,
        %get3A_609 = vector.shape_cast %get3A_608 : vector<1x16xf32> to vector<16xf32>
        %mul3A_610 = arith.mulf %div3A_600, %get3A_609 : vector<16xf32>
        %swap3A_611 = arith.index_cast %scan3A_447 : i32 to index
        %swap3A_612 = arith.constant 48 : index
        %swap3A_613 = tpu.vector_load %arg19[%swap3A_611, %swap3A_612] {strides = array<i32>} : memref<80x128xf32, #tpu.memory_space<vmem>>, vector<1x16xf32>,
        %swap3A_614 = vector.shape_cast %swap3A_613 : vector<1x16xf32> to vector<16xf32>
        %swap3A_615 = vector.shape_cast %div3A_600 : vector<16xf32> to vector<1x16xf32>
        tpu.vector_store %arg19[%swap3A_611, %swap3A_612], %swap3A_615 {strides = array<i32>} : memref<80x128xf32, #tpu.memory_space<vmem>>, vector<1x16xf32>,
        %swap3A_616 = arith.index_cast %scan3A_447 : i32 to index
        %swap3A_617 = arith.constant 112 : index
        %swap3A_618 = tpu.vector_load %arg19[%swap3A_616, %swap3A_617] {strides = array<i32>} : memref<80x128xf32, #tpu.memory_space<vmem>>, vector<1x16xf32>,
        %swap3A_619 = vector.shape_cast %swap3A_618 : vector<1x16xf32> to vector<16xf32>
        %swap3A_620 = vector.shape_cast %mul3A_610 : vector<16xf32> to vector<1x16xf32>
        tpu.vector_store %arg19[%swap3A_616, %swap3A_617], %swap3A_620 {strides = array<i32>} : memref<80x128xf32, #tpu.memory_space<vmem>>, vector<1x16xf32>,
      }
      %scan3A_242 = arith.constant 40 : i32
      %mul3A_243 = arith.constant 320000 : i32
      %mul3A_244 = arith.muli %arg0, %mul3A_243 : i32
      %add3A_245 = arith.addi %mul3A_244, %mul3A_194 : i32
      %dma_start3A_246 = arith.constant 0 : i32
      %dma_start3A_247 = tpu.memref_slice %arg7[%add3A_245, %dma_start3A_246] : memref<640000x64xf32, #tpu.memory_space<hbm>> -> memref<80x64xf32, #tpu.memory_space<hbm>>
      %dma_start3A_248 = arith.constant 0 : i32
      %dma_start3A_249 = tpu.memref_slice %arg7[%add3A_245, %dma_start3A_248] : memref<640000x64xf32, #tpu.memory_space<hbm>> -> memref<80x64xf32, #tpu.memory_space<hbm>>
      tpu.enqueue_dma source(%arg17 : memref<80x64xf32, #tpu.memory_space<vmem>>) target(%dma_start3A_249 : memref<80x64xf32, #tpu.memory_space<hbm>>) target_semaphore(%arg28 : memref<!tpu.dma_semaphore, #tpu.memory_space<semaphore_mem>>)
      "tpu.region"() ({
        %run_scoped3A = tpu.sem_alloc : memref<!tpu.dma_semaphore, #tpu.memory_space<semaphore_mem>>
        %dma_start3A_447 = arith.constant 0 : i32
        %dma_start3A_448 = arith.constant 0 : i32
        %dma_start3A_449 = tpu.memref_slice %arg21[%dma_start3A_447, %dma_start3A_448] : memref<10000x128xf32, #tpu.memory_space<vmem_shared>> -> memref<10000x128xf32, #tpu.memory_space<vmem_shared>>
        tpu.enqueue_indirect_dma source(%arg19 : memref<80x128xf32, #tpu.memory_space<vmem>>) target(%dma_start3A_449 : memref<10000x128xf32, #tpu.memory_space<vmem_shared>>) offsets(%arg10 : memref<80xi32, #tpu.memory_space<vmem>>) semaphore(%run_scoped3A : memref<!tpu.dma_semaphore, #tpu.memory_space<semaphore_mem>>) {add = true}
        %dma_wait3A_450 = arith.constant 0 : i32
        %dma_wait3A_451 = arith.constant 0 : i32
        %dma_wait3A_452 = tpu.memref_slice %arg21[%dma_wait3A_450, %dma_wait3A_451] : memref<10000x128xf32, #tpu.memory_space<vmem_shared>> -> memref<10000x128xf32, #tpu.memory_space<vmem_shared>>
        tpu.wait_indirect_dma semaphore(%run_scoped3A : memref<!tpu.dma_semaphore, #tpu.memory_space<semaphore_mem>>) src(%arg19 : memref<80x128xf32, #tpu.memory_space<vmem>>) dst(%dma_wait3A_452 : memref<10000x128xf32, #tpu.memory_space<vmem_shared>>)
        tpu.yield
      }) : () -> ()
      %dma_wait3A_250 = tpu.memref_slice %arg2[%mul3A_55] : memref<320000xi32, #tpu.memory_space<hbm>> -> memref<80xi32, #tpu.memory_space<hbm>>
      %dma_wait3A_251 = tpu.memref_slice %arg2[%mul3A_55] : memref<320000xi32, #tpu.memory_space<hbm>> -> memref<80xi32, #tpu.memory_space<hbm>>
      tpu.wait_dma2 semaphore(%arg24 : memref<!tpu.dma_semaphore, #tpu.memory_space<semaphore_mem>>) src(%dma_wait3A_251 : memref<80xi32, #tpu.memory_space<hbm>>) dst(%arg13 : memref<80xi32, #tpu.memory_space<vmem>>)
      %dma_wait3A_252 = tpu.memref_slice %arg3[%mul3A_55] : memref<320000xi32, #tpu.memory_space<hbm>> -> memref<80xi32, #tpu.memory_space<hbm>>
      %dma_wait3A_253 = tpu.memref_slice %arg3[%mul3A_55] : memref<320000xi32, #tpu.memory_space<hbm>> -> memref<80xi32, #tpu.memory_space<hbm>>
      tpu.wait_dma2 semaphore(%arg24 : memref<!tpu.dma_semaphore, #tpu.memory_space<semaphore_mem>>) src(%dma_wait3A_253 : memref<80xi32, #tpu.memory_space<hbm>>) dst(%arg14 : memref<80xi32, #tpu.memory_space<vmem>>)
      %get3A_254 = arith.constant 0 : index
      %get3A_255 = tpu.vector_load %arg13[%get3A_254] {strides = array<i32>} : memref<80xi32, #tpu.memory_space<vmem>>, vector<16xi32>,
      %get3A_256 = vector.shape_cast %get3A_255 : vector<16xi32> to vector<16xi32>
      %add3A_257 = vector.broadcast %mul3A_0 : i32 to vector<16xi32>
      %add3A_258 = arith.addi %get3A_256, %add3A_257 : vector<16xi32>
      %swap3A_259 = arith.constant 0 : index
      %swap3A_260 = tpu.vector_load %arg15[%swap3A_259] {strides = array<i32>} : memref<80xi32, #tpu.memory_space<vmem>>, vector<16xi32>,
      %swap3A_261 = vector.shape_cast %swap3A_260 : vector<16xi32> to vector<16xi32>
      %swap3A_262 = vector.shape_cast %add3A_258 : vector<16xi32> to vector<16xi32>
      tpu.vector_store %arg15[%swap3A_259], %swap3A_262 {strides = array<i32>} : memref<80xi32, #tpu.memory_space<vmem>>, vector<16xi32>,
      %get3A_263 = arith.constant 0 : index
      %get3A_264 = tpu.vector_load %arg14[%get3A_263] {strides = array<i32>} : memref<80xi32, #tpu.memory_space<vmem>>, vector<16xi32>,
      %get3A_265 = vector.shape_cast %get3A_264 : vector<16xi32> to vector<16xi32>
      %add3A_266 = vector.broadcast %mul3A_0 : i32 to vector<16xi32>
      %add3A_267 = arith.addi %get3A_265, %add3A_266 : vector<16xi32>
      %swap3A_268 = arith.constant 0 : index
      %swap3A_269 = tpu.vector_load %arg16[%swap3A_268] {strides = array<i32>} : memref<80xi32, #tpu.memory_space<vmem>>, vector<16xi32>,
      %swap3A_270 = vector.shape_cast %swap3A_269 : vector<16xi32> to vector<16xi32>
      %swap3A_271 = vector.shape_cast %add3A_267 : vector<16xi32> to vector<16xi32>
      tpu.vector_store %arg16[%swap3A_268], %swap3A_271 {strides = array<i32>} : memref<80xi32, #tpu.memory_space<vmem>>, vector<16xi32>,
      %get3A_272 = arith.constant 16 : index
      %get3A_273 = tpu.vector_load %arg13[%get3A_272] {strides = array<i32>} : memref<80xi32, #tpu.memory_space<vmem>>, vector<16xi32>,
      %get3A_274 = vector.shape_cast %get3A_273 : vector<16xi32> to vector<16xi32>
      %add3A_275 = vector.broadcast %mul3A_0 : i32 to vector<16xi32>
      %add3A_276 = arith.addi %get3A_274, %add3A_275 : vector<16xi32>
      %swap3A_277 = arith.constant 16 : index
      %swap3A_278 = tpu.vector_load %arg15[%swap3A_277] {strides = array<i32>} : memref<80xi32, #tpu.memory_space<vmem>>, vector<16xi32>,
      %swap3A_279 = vector.shape_cast %swap3A_278 : vector<16xi32> to vector<16xi32>
      %swap3A_280 = vector.shape_cast %add3A_276 : vector<16xi32> to vector<16xi32>
      tpu.vector_store %arg15[%swap3A_277], %swap3A_280 {strides = array<i32>} : memref<80xi32, #tpu.memory_space<vmem>>, vector<16xi32>,
      %get3A_281 = arith.constant 16 : index
      %get3A_282 = tpu.vector_load %arg14[%get3A_281] {strides = array<i32>} : memref<80xi32, #tpu.memory_space<vmem>>, vector<16xi32>,
      %get3A_283 = vector.shape_cast %get3A_282 : vector<16xi32> to vector<16xi32>
      %add3A_284 = vector.broadcast %mul3A_0 : i32 to vector<16xi32>
      %add3A_285 = arith.addi %get3A_283, %add3A_284 : vector<16xi32>
      %swap3A_286 = arith.constant 16 : index
      %swap3A_287 = tpu.vector_load %arg16[%swap3A_286] {strides = array<i32>} : memref<80xi32, #tpu.memory_space<vmem>>, vector<16xi32>,
      %swap3A_288 = vector.shape_cast %swap3A_287 : vector<16xi32> to vector<16xi32>
      %swap3A_289 = vector.shape_cast %add3A_285 : vector<16xi32> to vector<16xi32>
      tpu.vector_store %arg16[%swap3A_286], %swap3A_289 {strides = array<i32>} : memref<80xi32, #tpu.memory_space<vmem>>, vector<16xi32>,
      %get3A_290 = arith.constant 32 : index
      %get3A_291 = tpu.vector_load %arg13[%get3A_290] {strides = array<i32>} : memref<80xi32, #tpu.memory_space<vmem>>, vector<16xi32>,
      %get3A_292 = vector.shape_cast %get3A_291 : vector<16xi32> to vector<16xi32>
      %add3A_293 = vector.broadcast %mul3A_0 : i32 to vector<16xi32>
      %add3A_294 = arith.addi %get3A_292, %add3A_293 : vector<16xi32>
      %swap3A_295 = arith.constant 32 : index
      %swap3A_296 = tpu.vector_load %arg15[%swap3A_295] {strides = array<i32>} : memref<80xi32, #tpu.memory_space<vmem>>, vector<16xi32>,
      %swap3A_297 = vector.shape_cast %swap3A_296 : vector<16xi32> to vector<16xi32>
      %swap3A_298 = vector.shape_cast %add3A_294 : vector<16xi32> to vector<16xi32>
      tpu.vector_store %arg15[%swap3A_295], %swap3A_298 {strides = array<i32>} : memref<80xi32, #tpu.memory_space<vmem>>, vector<16xi32>,
      %get3A_299 = arith.constant 32 : index
      %get3A_300 = tpu.vector_load %arg14[%get3A_299] {strides = array<i32>} : memref<80xi32, #tpu.memory_space<vmem>>, vector<16xi32>,
      %get3A_301 = vector.shape_cast %get3A_300 : vector<16xi32> to vector<16xi32>
      %add3A_302 = vector.broadcast %mul3A_0 : i32 to vector<16xi32>
      %add3A_303 = arith.addi %get3A_301, %add3A_302 : vector<16xi32>
      %swap3A_304 = arith.constant 32 : index
      %swap3A_305 = tpu.vector_load %arg16[%swap3A_304] {strides = array<i32>} : memref<80xi32, #tpu.memory_space<vmem>>, vector<16xi32>,
      %swap3A_306 = vector.shape_cast %swap3A_305 : vector<16xi32> to vector<16xi32>
      %swap3A_307 = vector.shape_cast %add3A_303 : vector<16xi32> to vector<16xi32>
      tpu.vector_store %arg16[%swap3A_304], %swap3A_307 {strides = array<i32>} : memref<80xi32, #tpu.memory_space<vmem>>, vector<16xi32>,
      %get3A_308 = arith.constant 48 : index
      %get3A_309 = tpu.vector_load %arg13[%get3A_308] {strides = array<i32>} : memref<80xi32, #tpu.memory_space<vmem>>, vector<16xi32>,
      %get3A_310 = vector.shape_cast %get3A_309 : vector<16xi32> to vector<16xi32>
      %add3A_311 = vector.broadcast %mul3A_0 : i32 to vector<16xi32>
      %add3A_312 = arith.addi %get3A_310, %add3A_311 : vector<16xi32>
      %swap3A_313 = arith.constant 48 : index
      %swap3A_314 = tpu.vector_load %arg15[%swap3A_313] {strides = array<i32>} : memref<80xi32, #tpu.memory_space<vmem>>, vector<16xi32>,
      %swap3A_315 = vector.shape_cast %swap3A_314 : vector<16xi32> to vector<16xi32>
      %swap3A_316 = vector.shape_cast %add3A_312 : vector<16xi32> to vector<16xi32>
      tpu.vector_store %arg15[%swap3A_313], %swap3A_316 {strides = array<i32>} : memref<80xi32, #tpu.memory_space<vmem>>, vector<16xi32>,
      %get3A_317 = arith.constant 48 : index
      %get3A_318 = tpu.vector_load %arg14[%get3A_317] {strides = array<i32>} : memref<80xi32, #tpu.memory_space<vmem>>, vector<16xi32>,
      %get3A_319 = vector.shape_cast %get3A_318 : vector<16xi32> to vector<16xi32>
      %add3A_320 = vector.broadcast %mul3A_0 : i32 to vector<16xi32>
      %add3A_321 = arith.addi %get3A_319, %add3A_320 : vector<16xi32>
      %swap3A_322 = arith.constant 48 : index
      %swap3A_323 = tpu.vector_load %arg16[%swap3A_322] {strides = array<i32>} : memref<80xi32, #tpu.memory_space<vmem>>, vector<16xi32>,
      %swap3A_324 = vector.shape_cast %swap3A_323 : vector<16xi32> to vector<16xi32>
      %swap3A_325 = vector.shape_cast %add3A_321 : vector<16xi32> to vector<16xi32>
      tpu.vector_store %arg16[%swap3A_322], %swap3A_325 {strides = array<i32>} : memref<80xi32, #tpu.memory_space<vmem>>, vector<16xi32>,
      %get3A_326 = arith.constant 64 : index
      %get3A_327 = tpu.vector_load %arg13[%get3A_326] {strides = array<i32>} : memref<80xi32, #tpu.memory_space<vmem>>, vector<16xi32>,
      %get3A_328 = vector.shape_cast %get3A_327 : vector<16xi32> to vector<16xi32>
      %add3A_329 = vector.broadcast %mul3A_0 : i32 to vector<16xi32>
      %add3A_330 = arith.addi %get3A_328, %add3A_329 : vector<16xi32>
      %swap3A_331 = arith.constant 64 : index
      %swap3A_332 = tpu.vector_load %arg15[%swap3A_331] {strides = array<i32>} : memref<80xi32, #tpu.memory_space<vmem>>, vector<16xi32>,
      %swap3A_333 = vector.shape_cast %swap3A_332 : vector<16xi32> to vector<16xi32>
      %swap3A_334 = vector.shape_cast %add3A_330 : vector<16xi32> to vector<16xi32>
      tpu.vector_store %arg15[%swap3A_331], %swap3A_334 {strides = array<i32>} : memref<80xi32, #tpu.memory_space<vmem>>, vector<16xi32>,
      %get3A_335 = arith.constant 64 : index
      %get3A_336 = tpu.vector_load %arg14[%get3A_335] {strides = array<i32>} : memref<80xi32, #tpu.memory_space<vmem>>, vector<16xi32>,
      %get3A_337 = vector.shape_cast %get3A_336 : vector<16xi32> to vector<16xi32>
      %add3A_338 = vector.broadcast %mul3A_0 : i32 to vector<16xi32>
      %add3A_339 = arith.addi %get3A_337, %add3A_338 : vector<16xi32>
      %swap3A_340 = arith.constant 64 : index
      %swap3A_341 = tpu.vector_load %arg16[%swap3A_340] {strides = array<i32>} : memref<80xi32, #tpu.memory_space<vmem>>, vector<16xi32>,
      %swap3A_342 = vector.shape_cast %swap3A_341 : vector<16xi32> to vector<16xi32>
      %swap3A_343 = vector.shape_cast %add3A_339 : vector<16xi32> to vector<16xi32>
      tpu.vector_store %arg16[%swap3A_340], %swap3A_343 {strides = array<i32>} : memref<80xi32, #tpu.memory_space<vmem>>, vector<16xi32>,
      %dma_start3A_344 = arith.constant 0 : i32
      %dma_start3A_345 = arith.constant 0 : i32
      %dma_start3A_346 = tpu.memref_slice %arg19[%dma_start3A_344, %dma_start3A_345] : memref<80x128xf32, #tpu.memory_space<vmem>> -> memref<40x128xf32, #tpu.memory_space<vmem>>
      %dma_start3A_347 = arith.constant 0 : i32
      %dma_start3A_348 = tpu.memref_slice %arg15[%dma_start3A_347] : memref<80xi32, #tpu.memory_space<vmem>> -> memref<40xi32, #tpu.memory_space<vmem>>
      %dma_start3A_349 = arith.constant 0 : i32
      %dma_start3A_350 = arith.constant 0 : i32
      %dma_start3A_351 = tpu.memref_slice %arg4[%dma_start3A_349, %dma_start3A_350] : memref<20000x128xf32, #tpu.memory_space<hbm>> -> memref<20000x128xf32, #tpu.memory_space<hbm>>
      tpu.enqueue_indirect_dma source(%dma_start3A_351 : memref<20000x128xf32, #tpu.memory_space<hbm>>) target(%dma_start3A_346 : memref<40x128xf32, #tpu.memory_space<vmem>>) offsets(%dma_start3A_348 : memref<40xi32, #tpu.memory_space<vmem>>) semaphore(%arg26 : memref<!tpu.dma_semaphore, #tpu.memory_space<semaphore_mem>>)
      %dma_start3A_352 = arith.constant 0 : i32
      %dma_start3A_353 = arith.constant 0 : i32
      %dma_start3A_354 = tpu.memref_slice %arg20[%dma_start3A_352, %dma_start3A_353] : memref<80x128xf32, #tpu.memory_space<vmem>> -> memref<40x128xf32, #tpu.memory_space<vmem>>
      %dma_start3A_355 = arith.constant 0 : i32
      %dma_start3A_356 = tpu.memref_slice %arg16[%dma_start3A_355] : memref<80xi32, #tpu.memory_space<vmem>> -> memref<40xi32, #tpu.memory_space<vmem>>
      %dma_start3A_357 = arith.constant 0 : i32
      %dma_start3A_358 = arith.constant 0 : i32
      %dma_start3A_359 = tpu.memref_slice %arg5[%dma_start3A_357, %dma_start3A_358] : memref<20000x128xf32, #tpu.memory_space<hbm>> -> memref<20000x128xf32, #tpu.memory_space<hbm>>
      tpu.enqueue_indirect_dma source(%dma_start3A_359 : memref<20000x128xf32, #tpu.memory_space<hbm>>) target(%dma_start3A_354 : memref<40x128xf32, #tpu.memory_space<vmem>>) offsets(%dma_start3A_356 : memref<40xi32, #tpu.memory_space<vmem>>) semaphore(%arg26 : memref<!tpu.dma_semaphore, #tpu.memory_space<semaphore_mem>>)
      %dma_start3A_360 = arith.constant 40 : i32
      %dma_start3A_361 = arith.constant 0 : i32
      %dma_start3A_362 = tpu.memref_slice %arg19[%dma_start3A_360, %dma_start3A_361] : memref<80x128xf32, #tpu.memory_space<vmem>> -> memref<40x128xf32, #tpu.memory_space<vmem>>
      %dma_start3A_363 = arith.constant 40 : i32
      %dma_start3A_364 = tpu.memref_slice %arg15[%dma_start3A_363] : memref<80xi32, #tpu.memory_space<vmem>> -> memref<40xi32, #tpu.memory_space<vmem>>
      %dma_start3A_365 = arith.constant 0 : i32
      %dma_start3A_366 = arith.constant 0 : i32
      %dma_start3A_367 = tpu.memref_slice %arg4[%dma_start3A_365, %dma_start3A_366] : memref<20000x128xf32, #tpu.memory_space<hbm>> -> memref<20000x128xf32, #tpu.memory_space<hbm>>
      tpu.enqueue_indirect_dma source(%dma_start3A_367 : memref<20000x128xf32, #tpu.memory_space<hbm>>) target(%dma_start3A_362 : memref<40x128xf32, #tpu.memory_space<vmem>>) offsets(%dma_start3A_364 : memref<40xi32, #tpu.memory_space<vmem>>) semaphore(%arg27 : memref<!tpu.dma_semaphore, #tpu.memory_space<semaphore_mem>>)
      %dma_start3A_368 = arith.constant 40 : i32
      %dma_start3A_369 = arith.constant 0 : i32
      %dma_start3A_370 = tpu.memref_slice %arg20[%dma_start3A_368, %dma_start3A_369] : memref<80x128xf32, #tpu.memory_space<vmem>> -> memref<40x128xf32, #tpu.memory_space<vmem>>
      %dma_start3A_371 = arith.constant 40 : i32
      %dma_start3A_372 = tpu.memref_slice %arg16[%dma_start3A_371] : memref<80xi32, #tpu.memory_space<vmem>> -> memref<40xi32, #tpu.memory_space<vmem>>
      %dma_start3A_373 = arith.constant 0 : i32
      %dma_start3A_374 = arith.constant 0 : i32
      %dma_start3A_375 = tpu.memref_slice %arg5[%dma_start3A_373, %dma_start3A_374] : memref<20000x128xf32, #tpu.memory_space<hbm>> -> memref<20000x128xf32, #tpu.memory_space<hbm>>
      tpu.enqueue_indirect_dma source(%dma_start3A_375 : memref<20000x128xf32, #tpu.memory_space<hbm>>) target(%dma_start3A_370 : memref<40x128xf32, #tpu.memory_space<vmem>>) offsets(%dma_start3A_372 : memref<40xi32, #tpu.memory_space<vmem>>) semaphore(%arg27 : memref<!tpu.dma_semaphore, #tpu.memory_space<semaphore_mem>>)
      %add3A_376 = arith.constant 1 : i32
      %add3A_377 = arith.addi %mul3A_34, %add3A_376 : i32
      %mul3A_378 = arith.constant 16 : i32
      %mul3A_379 = arith.muli %add3A_377, %mul3A_378 : i32
      %add3A_380 = arith.addi %mul3A_379, %arg1 : i32
      %mul3A_381 = arith.constant 80 : i32
      %mul3A_382 = arith.muli %add3A_380, %mul3A_381 : i32
      %dma_wait3A_383 = arith.constant 0 : i32
      %dma_wait3A_384 = tpu.memref_slice %arg6[%add3A_62, %dma_wait3A_383] : memref<640000x64xf32, #tpu.memory_space<hbm>> -> memref<80x64xf32, #tpu.memory_space<hbm>>
      %dma_wait3A_385 = arith.constant 0 : i32
      %dma_wait3A_386 = tpu.memref_slice %arg6[%add3A_62, %dma_wait3A_385] : memref<640000x64xf32, #tpu.memory_space<hbm>> -> memref<80x64xf32, #tpu.memory_space<hbm>>
      tpu.wait_dma2 semaphore(%arg25 : memref<!tpu.dma_semaphore, #tpu.memory_space<semaphore_mem>>) src(%dma_wait3A_386 : memref<80x64xf32, #tpu.memory_space<hbm>>) dst(%arg18 : memref<80x64xf32, #tpu.memory_space<vmem>>)
      %dma_wait3A_387 = arith.constant 0 : i32
      %dma_wait3A_388 = arith.constant 0 : i32
      %dma_wait3A_389 = tpu.memref_slice %arg19[%dma_wait3A_387, %dma_wait3A_388] : memref<80x128xf32, #tpu.memory_space<vmem>> -> memref<40x128xf32, #tpu.memory_space<vmem>>
      %dma_wait3A_390 = arith.constant 0 : i32
      %dma_wait3A_391 = tpu.memref_slice %arg15[%dma_wait3A_390] : memref<80xi32, #tpu.memory_space<vmem>> -> memref<40xi32, #tpu.memory_space<vmem>>
      %dma_wait3A_392 = arith.constant 0 : i32
      %dma_wait3A_393 = arith.constant 0 : i32
      %dma_wait3A_394 = tpu.memref_slice %arg4[%dma_wait3A_392, %dma_wait3A_393] : memref<20000x128xf32, #tpu.memory_space<hbm>> -> memref<20000x128xf32, #tpu.memory_space<hbm>>
      tpu.wait_indirect_dma semaphore(%arg26 : memref<!tpu.dma_semaphore, #tpu.memory_space<semaphore_mem>>) src(%dma_wait3A_394 : memref<20000x128xf32, #tpu.memory_space<hbm>>) dst(%dma_wait3A_389 : memref<40x128xf32, #tpu.memory_space<vmem>>)
      %dma_wait3A_395 = arith.constant 0 : i32
      %dma_wait3A_396 = arith.constant 0 : i32
      %dma_wait3A_397 = tpu.memref_slice %arg20[%dma_wait3A_395, %dma_wait3A_396] : memref<80x128xf32, #tpu.memory_space<vmem>> -> memref<40x128xf32, #tpu.memory_space<vmem>>
      %dma_wait3A_398 = arith.constant 0 : i32
      %dma_wait3A_399 = tpu.memref_slice %arg16[%dma_wait3A_398] : memref<80xi32, #tpu.memory_space<vmem>> -> memref<40xi32, #tpu.memory_space<vmem>>
      %dma_wait3A_400 = arith.constant 0 : i32
      %dma_wait3A_401 = arith.constant 0 : i32
      %dma_wait3A_402 = tpu.memref_slice %arg5[%dma_wait3A_400, %dma_wait3A_401] : memref<20000x128xf32, #tpu.memory_space<hbm>> -> memref<20000x128xf32, #tpu.memory_space<hbm>>
      tpu.wait_indirect_dma semaphore(%arg26 : memref<!tpu.dma_semaphore, #tpu.memory_space<semaphore_mem>>) src(%dma_wait3A_402 : memref<20000x128xf32, #tpu.memory_space<hbm>>) dst(%dma_wait3A_397 : memref<40x128xf32, #tpu.memory_space<vmem>>)
      %scan3A_403 = arith.constant 0 : i32
      %scan3A_404 = arith.constant 0 : i32
      %scan3A_405 = arith.constant 40 : i32
      %scan3A_406 = arith.addi %scan3A_404, %scan3A_405 : i32
      %scan3A_407 = arith.constant 1 : i32
      scf.for %scan3A_447 = %scan3A_404 to %scan3A_406 step %scan3A_407  : i32 {
        %get3A_448 = arith.index_cast %scan3A_447 : i32 to index
        %get3A_449 = arith.constant 0 : index
        %get3A_450 = tpu.vector_load %arg18[%get3A_448, %get3A_449] {strides = array<i32>} : memref<80x64xf32, #tpu.memory_space<vmem>>, vector<1x16xf32>,
        %get3A_451 = vector.shape_cast %get3A_450 : vector<1x16xf32> to vector<16xf32>
        %get3A_452 = arith.index_cast %scan3A_447 : i32 to index
        %get3A_453 = arith.constant 0 : index
        %get3A_454 = tpu.vector_load %arg19[%get3A_452, %get3A_453] {strides = array<i32>} : memref<80x128xf32, #tpu.memory_space<vmem>>, vector<1x16xf32>,
        %get3A_455 = vector.shape_cast %get3A_454 : vector<1x16xf32> to vector<16xf32>
        %add3A_456 = arith.addf %get3A_451, %get3A_455 : vector<16xf32>
        %get3A_457 = arith.index_cast %scan3A_447 : i32 to index
        %get3A_458 = arith.constant 0 : index
        %get3A_459 = tpu.vector_load %arg20[%get3A_457, %get3A_458] {strides = array<i32>} : memref<80x128xf32, #tpu.memory_space<vmem>>, vector<1x16xf32>,
        %get3A_460 = vector.shape_cast %get3A_459 : vector<1x16xf32> to vector<16xf32>
        %add3A_461 = arith.addf %add3A_456, %get3A_460 : vector<16xf32>
        %neg3A = arith.constant 0.000000e+00 : f32
        %neg3A_462 = vector.broadcast %neg3A : f32 to vector<16xf32>
        %neg3A_463 = arith.subf %neg3A_462, %add3A_461 : vector<16xf32>
        %exp3A = math.exp %neg3A_463 : vector<16xf32>
        %add3A_464 = arith.constant 1.000000e+00 : f32
        %add3A_465 = vector.broadcast %add3A_464 : f32 to vector<16xf32>
        %add3A_466 = arith.addf %add3A_465, %exp3A : vector<16xf32>
        %div3A = arith.constant 1.000000e+00 : f32
        %div3A_467 = vector.broadcast %div3A : f32 to vector<16xf32>
        %div3A_468 = arith.divf %div3A_467, %add3A_466 : vector<16xf32>
        %swap3A_469 = arith.index_cast %scan3A_447 : i32 to index
        %swap3A_470 = arith.constant 0 : index
        %swap3A_471 = tpu.vector_load %arg18[%swap3A_469, %swap3A_470] {strides = array<i32>} : memref<80x64xf32, #tpu.memory_space<vmem>>, vector<1x16xf32>,
        %swap3A_472 = vector.shape_cast %swap3A_471 : vector<1x16xf32> to vector<16xf32>
        %swap3A_473 = vector.shape_cast %add3A_461 : vector<16xf32> to vector<1x16xf32>
        tpu.vector_store %arg18[%swap3A_469, %swap3A_470], %swap3A_473 {strides = array<i32>} : memref<80x64xf32, #tpu.memory_space<vmem>>, vector<1x16xf32>,
        %get3A_474 = arith.index_cast %scan3A_447 : i32 to index
        %get3A_475 = arith.constant 64 : index
        %get3A_476 = tpu.vector_load %arg19[%get3A_474, %get3A_475] {strides = array<i32>} : memref<80x128xf32, #tpu.memory_space<vmem>>, vector<1x16xf32>,
        %get3A_477 = vector.shape_cast %get3A_476 : vector<1x16xf32> to vector<16xf32>
        %mul3A_478 = arith.mulf %div3A_468, %get3A_477 : vector<16xf32>
        %swap3A_479 = arith.index_cast %scan3A_447 : i32 to index
        %swap3A_480 = arith.constant 0 : index
        %swap3A_481 = tpu.vector_load %arg19[%swap3A_479, %swap3A_480] {strides = array<i32>} : memref<80x128xf32, #tpu.memory_space<vmem>>, vector<1x16xf32>,
        %swap3A_482 = vector.shape_cast %swap3A_481 : vector<1x16xf32> to vector<16xf32>
        %swap3A_483 = vector.shape_cast %div3A_468 : vector<16xf32> to vector<1x16xf32>
        tpu.vector_store %arg19[%swap3A_479, %swap3A_480], %swap3A_483 {strides = array<i32>} : memref<80x128xf32, #tpu.memory_space<vmem>>, vector<1x16xf32>,
        %swap3A_484 = arith.index_cast %scan3A_447 : i32 to index
        %swap3A_485 = arith.constant 64 : index
        %swap3A_486 = tpu.vector_load %arg19[%swap3A_484, %swap3A_485] {strides = array<i32>} : memref<80x128xf32, #tpu.memory_space<vmem>>, vector<1x16xf32>,
        %swap3A_487 = vector.shape_cast %swap3A_486 : vector<1x16xf32> to vector<16xf32>
        %swap3A_488 = vector.shape_cast %mul3A_478 : vector<16xf32> to vector<1x16xf32>
        tpu.vector_store %arg19[%swap3A_484, %swap3A_485], %swap3A_488 {strides = array<i32>} : memref<80x128xf32, #tpu.memory_space<vmem>>, vector<1x16xf32>,
        %get3A_489 = arith.index_cast %scan3A_447 : i32 to index
        %get3A_490 = arith.constant 16 : index
        %get3A_491 = tpu.vector_load %arg18[%get3A_489, %get3A_490] {strides = array<i32>} : memref<80x64xf32, #tpu.memory_space<vmem>>, vector<1x16xf32>,
        %get3A_492 = vector.shape_cast %get3A_491 : vector<1x16xf32> to vector<16xf32>
        %get3A_493 = arith.index_cast %scan3A_447 : i32 to index
        %get3A_494 = arith.constant 16 : index
        %get3A_495 = tpu.vector_load %arg19[%get3A_493, %get3A_494] {strides = array<i32>} : memref<80x128xf32, #tpu.memory_space<vmem>>, vector<1x16xf32>,
        %get3A_496 = vector.shape_cast %get3A_495 : vector<1x16xf32> to vector<16xf32>
        %add3A_497 = arith.addf %get3A_492, %get3A_496 : vector<16xf32>
        %get3A_498 = arith.index_cast %scan3A_447 : i32 to index
        %get3A_499 = arith.constant 16 : index
        %get3A_500 = tpu.vector_load %arg20[%get3A_498, %get3A_499] {strides = array<i32>} : memref<80x128xf32, #tpu.memory_space<vmem>>, vector<1x16xf32>,
        %get3A_501 = vector.shape_cast %get3A_500 : vector<1x16xf32> to vector<16xf32>
        %add3A_502 = arith.addf %add3A_497, %get3A_501 : vector<16xf32>
        %neg3A_503 = arith.constant 0.000000e+00 : f32
        %neg3A_504 = vector.broadcast %neg3A_503 : f32 to vector<16xf32>
        %neg3A_505 = arith.subf %neg3A_504, %add3A_502 : vector<16xf32>
        %exp3A_506 = math.exp %neg3A_505 : vector<16xf32>
        %add3A_507 = arith.constant 1.000000e+00 : f32
        %add3A_508 = vector.broadcast %add3A_507 : f32 to vector<16xf32>
        %add3A_509 = arith.addf %add3A_508, %exp3A_506 : vector<16xf32>
        %div3A_510 = arith.constant 1.000000e+00 : f32
        %div3A_511 = vector.broadcast %div3A_510 : f32 to vector<16xf32>
        %div3A_512 = arith.divf %div3A_511, %add3A_509 : vector<16xf32>
        %swap3A_513 = arith.index_cast %scan3A_447 : i32 to index
        %swap3A_514 = arith.constant 16 : index
        %swap3A_515 = tpu.vector_load %arg18[%swap3A_513, %swap3A_514] {strides = array<i32>} : memref<80x64xf32, #tpu.memory_space<vmem>>, vector<1x16xf32>,
        %swap3A_516 = vector.shape_cast %swap3A_515 : vector<1x16xf32> to vector<16xf32>
        %swap3A_517 = vector.shape_cast %add3A_502 : vector<16xf32> to vector<1x16xf32>
        tpu.vector_store %arg18[%swap3A_513, %swap3A_514], %swap3A_517 {strides = array<i32>} : memref<80x64xf32, #tpu.memory_space<vmem>>, vector<1x16xf32>,
        %get3A_518 = arith.index_cast %scan3A_447 : i32 to index
        %get3A_519 = arith.constant 80 : index
        %get3A_520 = tpu.vector_load %arg19[%get3A_518, %get3A_519] {strides = array<i32>} : memref<80x128xf32, #tpu.memory_space<vmem>>, vector<1x16xf32>,
        %get3A_521 = vector.shape_cast %get3A_520 : vector<1x16xf32> to vector<16xf32>
        %mul3A_522 = arith.mulf %div3A_512, %get3A_521 : vector<16xf32>
        %swap3A_523 = arith.index_cast %scan3A_447 : i32 to index
        %swap3A_524 = arith.constant 16 : index
        %swap3A_525 = tpu.vector_load %arg19[%swap3A_523, %swap3A_524] {strides = array<i32>} : memref<80x128xf32, #tpu.memory_space<vmem>>, vector<1x16xf32>,
        %swap3A_526 = vector.shape_cast %swap3A_525 : vector<1x16xf32> to vector<16xf32>
        %swap3A_527 = vector.shape_cast %div3A_512 : vector<16xf32> to vector<1x16xf32>
        tpu.vector_store %arg19[%swap3A_523, %swap3A_524], %swap3A_527 {strides = array<i32>} : memref<80x128xf32, #tpu.memory_space<vmem>>, vector<1x16xf32>,
        %swap3A_528 = arith.index_cast %scan3A_447 : i32 to index
        %swap3A_529 = arith.constant 80 : index
        %swap3A_530 = tpu.vector_load %arg19[%swap3A_528, %swap3A_529] {strides = array<i32>} : memref<80x128xf32, #tpu.memory_space<vmem>>, vector<1x16xf32>,
        %swap3A_531 = vector.shape_cast %swap3A_530 : vector<1x16xf32> to vector<16xf32>
        %swap3A_532 = vector.shape_cast %mul3A_522 : vector<16xf32> to vector<1x16xf32>
        tpu.vector_store %arg19[%swap3A_528, %swap3A_529], %swap3A_532 {strides = array<i32>} : memref<80x128xf32, #tpu.memory_space<vmem>>, vector<1x16xf32>,
        %get3A_533 = arith.index_cast %scan3A_447 : i32 to index
        %get3A_534 = arith.constant 32 : index
        %get3A_535 = tpu.vector_load %arg18[%get3A_533, %get3A_534] {strides = array<i32>} : memref<80x64xf32, #tpu.memory_space<vmem>>, vector<1x16xf32>,
        %get3A_536 = vector.shape_cast %get3A_535 : vector<1x16xf32> to vector<16xf32>
        %get3A_537 = arith.index_cast %scan3A_447 : i32 to index
        %get3A_538 = arith.constant 32 : index
        %get3A_539 = tpu.vector_load %arg19[%get3A_537, %get3A_538] {strides = array<i32>} : memref<80x128xf32, #tpu.memory_space<vmem>>, vector<1x16xf32>,
        %get3A_540 = vector.shape_cast %get3A_539 : vector<1x16xf32> to vector<16xf32>
        %add3A_541 = arith.addf %get3A_536, %get3A_540 : vector<16xf32>
        %get3A_542 = arith.index_cast %scan3A_447 : i32 to index
        %get3A_543 = arith.constant 32 : index
        %get3A_544 = tpu.vector_load %arg20[%get3A_542, %get3A_543] {strides = array<i32>} : memref<80x128xf32, #tpu.memory_space<vmem>>, vector<1x16xf32>,
        %get3A_545 = vector.shape_cast %get3A_544 : vector<1x16xf32> to vector<16xf32>
        %add3A_546 = arith.addf %add3A_541, %get3A_545 : vector<16xf32>
        %neg3A_547 = arith.constant 0.000000e+00 : f32
        %neg3A_548 = vector.broadcast %neg3A_547 : f32 to vector<16xf32>
        %neg3A_549 = arith.subf %neg3A_548, %add3A_546 : vector<16xf32>
        %exp3A_550 = math.exp %neg3A_549 : vector<16xf32>
        %add3A_551 = arith.constant 1.000000e+00 : f32
        %add3A_552 = vector.broadcast %add3A_551 : f32 to vector<16xf32>
        %add3A_553 = arith.addf %add3A_552, %exp3A_550 : vector<16xf32>
        %div3A_554 = arith.constant 1.000000e+00 : f32
        %div3A_555 = vector.broadcast %div3A_554 : f32 to vector<16xf32>
        %div3A_556 = arith.divf %div3A_555, %add3A_553 : vector<16xf32>
        %swap3A_557 = arith.index_cast %scan3A_447 : i32 to index
        %swap3A_558 = arith.constant 32 : index
        %swap3A_559 = tpu.vector_load %arg18[%swap3A_557, %swap3A_558] {strides = array<i32>} : memref<80x64xf32, #tpu.memory_space<vmem>>, vector<1x16xf32>,
        %swap3A_560 = vector.shape_cast %swap3A_559 : vector<1x16xf32> to vector<16xf32>
        %swap3A_561 = vector.shape_cast %add3A_546 : vector<16xf32> to vector<1x16xf32>
        tpu.vector_store %arg18[%swap3A_557, %swap3A_558], %swap3A_561 {strides = array<i32>} : memref<80x64xf32, #tpu.memory_space<vmem>>, vector<1x16xf32>,
        %get3A_562 = arith.index_cast %scan3A_447 : i32 to index
        %get3A_563 = arith.constant 96 : index
        %get3A_564 = tpu.vector_load %arg19[%get3A_562, %get3A_563] {strides = array<i32>} : memref<80x128xf32, #tpu.memory_space<vmem>>, vector<1x16xf32>,
        %get3A_565 = vector.shape_cast %get3A_564 : vector<1x16xf32> to vector<16xf32>
        %mul3A_566 = arith.mulf %div3A_556, %get3A_565 : vector<16xf32>
        %swap3A_567 = arith.index_cast %scan3A_447 : i32 to index
        %swap3A_568 = arith.constant 32 : index
        %swap3A_569 = tpu.vector_load %arg19[%swap3A_567, %swap3A_568] {strides = array<i32>} : memref<80x128xf32, #tpu.memory_space<vmem>>, vector<1x16xf32>,
        %swap3A_570 = vector.shape_cast %swap3A_569 : vector<1x16xf32> to vector<16xf32>
        %swap3A_571 = vector.shape_cast %div3A_556 : vector<16xf32> to vector<1x16xf32>
        tpu.vector_store %arg19[%swap3A_567, %swap3A_568], %swap3A_571 {strides = array<i32>} : memref<80x128xf32, #tpu.memory_space<vmem>>, vector<1x16xf32>,
        %swap3A_572 = arith.index_cast %scan3A_447 : i32 to index
        %swap3A_573 = arith.constant 96 : index
        %swap3A_574 = tpu.vector_load %arg19[%swap3A_572, %swap3A_573] {strides = array<i32>} : memref<80x128xf32, #tpu.memory_space<vmem>>, vector<1x16xf32>,
        %swap3A_575 = vector.shape_cast %swap3A_574 : vector<1x16xf32> to vector<16xf32>
        %swap3A_576 = vector.shape_cast %mul3A_566 : vector<16xf32> to vector<1x16xf32>
        tpu.vector_store %arg19[%swap3A_572, %swap3A_573], %swap3A_576 {strides = array<i32>} : memref<80x128xf32, #tpu.memory_space<vmem>>, vector<1x16xf32>,
        %get3A_577 = arith.index_cast %scan3A_447 : i32 to index
        %get3A_578 = arith.constant 48 : index
        %get3A_579 = tpu.vector_load %arg18[%get3A_577, %get3A_578] {strides = array<i32>} : memref<80x64xf32, #tpu.memory_space<vmem>>, vector<1x16xf32>,
        %get3A_580 = vector.shape_cast %get3A_579 : vector<1x16xf32> to vector<16xf32>
        %get3A_581 = arith.index_cast %scan3A_447 : i32 to index
        %get3A_582 = arith.constant 48 : index
        %get3A_583 = tpu.vector_load %arg19[%get3A_581, %get3A_582] {strides = array<i32>} : memref<80x128xf32, #tpu.memory_space<vmem>>, vector<1x16xf32>,
        %get3A_584 = vector.shape_cast %get3A_583 : vector<1x16xf32> to vector<16xf32>
        %add3A_585 = arith.addf %get3A_580, %get3A_584 : vector<16xf32>
        %get3A_586 = arith.index_cast %scan3A_447 : i32 to index
        %get3A_587 = arith.constant 48 : index
        %get3A_588 = tpu.vector_load %arg20[%get3A_586, %get3A_587] {strides = array<i32>} : memref<80x128xf32, #tpu.memory_space<vmem>>, vector<1x16xf32>,
        %get3A_589 = vector.shape_cast %get3A_588 : vector<1x16xf32> to vector<16xf32>
        %add3A_590 = arith.addf %add3A_585, %get3A_589 : vector<16xf32>
        %neg3A_591 = arith.constant 0.000000e+00 : f32
        %neg3A_592 = vector.broadcast %neg3A_591 : f32 to vector<16xf32>
        %neg3A_593 = arith.subf %neg3A_592, %add3A_590 : vector<16xf32>
        %exp3A_594 = math.exp %neg3A_593 : vector<16xf32>
        %add3A_595 = arith.constant 1.000000e+00 : f32
        %add3A_596 = vector.broadcast %add3A_595 : f32 to vector<16xf32>
        %add3A_597 = arith.addf %add3A_596, %exp3A_594 : vector<16xf32>
        %div3A_598 = arith.constant 1.000000e+00 : f32
        %div3A_599 = vector.broadcast %div3A_598 : f32 to vector<16xf32>
        %div3A_600 = arith.divf %div3A_599, %add3A_597 : vector<16xf32>
        %swap3A_601 = arith.index_cast %scan3A_447 : i32 to index
        %swap3A_602 = arith.constant 48 : index
        %swap3A_603 = tpu.vector_load %arg18[%swap3A_601, %swap3A_602] {strides = array<i32>} : memref<80x64xf32, #tpu.memory_space<vmem>>, vector<1x16xf32>,
        %swap3A_604 = vector.shape_cast %swap3A_603 : vector<1x16xf32> to vector<16xf32>
        %swap3A_605 = vector.shape_cast %add3A_590 : vector<16xf32> to vector<1x16xf32>
        tpu.vector_store %arg18[%swap3A_601, %swap3A_602], %swap3A_605 {strides = array<i32>} : memref<80x64xf32, #tpu.memory_space<vmem>>, vector<1x16xf32>,
        %get3A_606 = arith.index_cast %scan3A_447 : i32 to index
        %get3A_607 = arith.constant 112 : index
        %get3A_608 = tpu.vector_load %arg19[%get3A_606, %get3A_607] {strides = array<i32>} : memref<80x128xf32, #tpu.memory_space<vmem>>, vector<1x16xf32>,
        %get3A_609 = vector.shape_cast %get3A_608 : vector<1x16xf32> to vector<16xf32>
        %mul3A_610 = arith.mulf %div3A_600, %get3A_609 : vector<16xf32>
        %swap3A_611 = arith.index_cast %scan3A_447 : i32 to index
        %swap3A_612 = arith.constant 48 : index
        %swap3A_613 = tpu.vector_load %arg19[%swap3A_611, %swap3A_612] {strides = array<i32>} : memref<80x128xf32, #tpu.memory_space<vmem>>, vector<1x16xf32>,
        %swap3A_614 = vector.shape_cast %swap3A_613 : vector<1x16xf32> to vector<16xf32>
        %swap3A_615 = vector.shape_cast %div3A_600 : vector<16xf32> to vector<1x16xf32>
        tpu.vector_store %arg19[%swap3A_611, %swap3A_612], %swap3A_615 {strides = array<i32>} : memref<80x128xf32, #tpu.memory_space<vmem>>, vector<1x16xf32>,
        %swap3A_616 = arith.index_cast %scan3A_447 : i32 to index
        %swap3A_617 = arith.constant 112 : index
        %swap3A_618 = tpu.vector_load %arg19[%swap3A_616, %swap3A_617] {strides = array<i32>} : memref<80x128xf32, #tpu.memory_space<vmem>>, vector<1x16xf32>,
        %swap3A_619 = vector.shape_cast %swap3A_618 : vector<1x16xf32> to vector<16xf32>
        %swap3A_620 = vector.shape_cast %mul3A_610 : vector<16xf32> to vector<1x16xf32>
        tpu.vector_store %arg19[%swap3A_616, %swap3A_617], %swap3A_620 {strides = array<i32>} : memref<80x128xf32, #tpu.memory_space<vmem>>, vector<1x16xf32>,
      }
      %scan3A_408 = arith.constant 40 : i32
      %dma_wait3A_409 = arith.constant 40 : i32
      %dma_wait3A_410 = arith.constant 0 : i32
      %dma_wait3A_411 = tpu.memref_slice %arg19[%dma_wait3A_409, %dma_wait3A_410] : memref<80x128xf32, #tpu.memory_space<vmem>> -> memref<40x128xf32, #tpu.memory_space<vmem>>
      %dma_wait3A_412 = arith.constant 40 : i32
      %dma_wait3A_413 = tpu.memref_slice %arg15[%dma_wait3A_412] : memref<80xi32, #tpu.memory_space<vmem>> -> memref<40xi32, #tpu.memory_space<vmem>>
      %dma_wait3A_414 = arith.constant 0 : i32
      %dma_wait3A_415 = arith.constant 0 : i32
      %dma_wait3A_416 = tpu.memref_slice %arg4[%dma_wait3A_414, %dma_wait3A_415] : memref<20000x128xf32, #tpu.memory_space<hbm>> -> memref<20000x128xf32, #tpu.memory_space<hbm>>
      tpu.wait_indirect_dma semaphore(%arg27 : memref<!tpu.dma_semaphore, #tpu.memory_space<semaphore_mem>>) src(%dma_wait3A_416 : memref<20000x128xf32, #tpu.memory_space<hbm>>) dst(%dma_wait3A_411 : memref<40x128xf32, #tpu.memory_space<vmem>>)
      %dma_wait3A_417 = arith.constant 40 : i32
      %dma_wait3A_418 = arith.constant 0 : i32
      %dma_wait3A_419 = tpu.memref_slice %arg20[%dma_wait3A_417, %dma_wait3A_418] : memref<80x128xf32, #tpu.memory_space<vmem>> -> memref<40x128xf32, #tpu.memory_space<vmem>>
      %dma_wait3A_420 = arith.constant 40 : i32
      %dma_wait3A_421 = tpu.memref_slice %arg16[%dma_wait3A_420] : memref<80xi32, #tpu.memory_space<vmem>> -> memref<40xi32, #tpu.memory_space<vmem>>
      %dma_wait3A_422 = arith.constant 0 : i32
      %dma_wait3A_423 = arith.constant 0 : i32
      %dma_wait3A_424 = tpu.memref_slice %arg5[%dma_wait3A_422, %dma_wait3A_423] : memref<20000x128xf32, #tpu.memory_space<hbm>> -> memref<20000x128xf32, #tpu.memory_space<hbm>>
      tpu.wait_indirect_dma semaphore(%arg27 : memref<!tpu.dma_semaphore, #tpu.memory_space<semaphore_mem>>) src(%dma_wait3A_424 : memref<20000x128xf32, #tpu.memory_space<hbm>>) dst(%dma_wait3A_419 : memref<40x128xf32, #tpu.memory_space<vmem>>)
      %scan3A_425 = arith.constant 0 : i32
      %scan3A_426 = arith.constant 40 : i32
      %scan3A_427 = arith.constant 40 : i32
      %scan3A_428 = arith.addi %scan3A_426, %scan3A_427 : i32
      %scan3A_429 = arith.constant 1 : i32
      scf.for %scan3A_447 = %scan3A_426 to %scan3A_428 step %scan3A_429  : i32 {
        %get3A_448 = arith.index_cast %scan3A_447 : i32 to index
        %get3A_449 = arith.constant 0 : index
        %get3A_450 = tpu.vector_load %arg18[%get3A_448, %get3A_449] {strides = array<i32>} : memref<80x64xf32, #tpu.memory_space<vmem>>, vector<1x16xf32>,
        %get3A_451 = vector.shape_cast %get3A_450 : vector<1x16xf32> to vector<16xf32>
        %get3A_452 = arith.index_cast %scan3A_447 : i32 to index
        %get3A_453 = arith.constant 0 : index
        %get3A_454 = tpu.vector_load %arg19[%get3A_452, %get3A_453] {strides = array<i32>} : memref<80x128xf32, #tpu.memory_space<vmem>>, vector<1x16xf32>,
        %get3A_455 = vector.shape_cast %get3A_454 : vector<1x16xf32> to vector<16xf32>
        %add3A_456 = arith.addf %get3A_451, %get3A_455 : vector<16xf32>
        %get3A_457 = arith.index_cast %scan3A_447 : i32 to index
        %get3A_458 = arith.constant 0 : index
        %get3A_459 = tpu.vector_load %arg20[%get3A_457, %get3A_458] {strides = array<i32>} : memref<80x128xf32, #tpu.memory_space<vmem>>, vector<1x16xf32>,
        %get3A_460 = vector.shape_cast %get3A_459 : vector<1x16xf32> to vector<16xf32>
        %add3A_461 = arith.addf %add3A_456, %get3A_460 : vector<16xf32>
        %neg3A = arith.constant 0.000000e+00 : f32
        %neg3A_462 = vector.broadcast %neg3A : f32 to vector<16xf32>
        %neg3A_463 = arith.subf %neg3A_462, %add3A_461 : vector<16xf32>
        %exp3A = math.exp %neg3A_463 : vector<16xf32>
        %add3A_464 = arith.constant 1.000000e+00 : f32
        %add3A_465 = vector.broadcast %add3A_464 : f32 to vector<16xf32>
        %add3A_466 = arith.addf %add3A_465, %exp3A : vector<16xf32>
        %div3A = arith.constant 1.000000e+00 : f32
        %div3A_467 = vector.broadcast %div3A : f32 to vector<16xf32>
        %div3A_468 = arith.divf %div3A_467, %add3A_466 : vector<16xf32>
        %swap3A_469 = arith.index_cast %scan3A_447 : i32 to index
        %swap3A_470 = arith.constant 0 : index
        %swap3A_471 = tpu.vector_load %arg18[%swap3A_469, %swap3A_470] {strides = array<i32>} : memref<80x64xf32, #tpu.memory_space<vmem>>, vector<1x16xf32>,
        %swap3A_472 = vector.shape_cast %swap3A_471 : vector<1x16xf32> to vector<16xf32>
        %swap3A_473 = vector.shape_cast %add3A_461 : vector<16xf32> to vector<1x16xf32>
        tpu.vector_store %arg18[%swap3A_469, %swap3A_470], %swap3A_473 {strides = array<i32>} : memref<80x64xf32, #tpu.memory_space<vmem>>, vector<1x16xf32>,
        %get3A_474 = arith.index_cast %scan3A_447 : i32 to index
        %get3A_475 = arith.constant 64 : index
        %get3A_476 = tpu.vector_load %arg19[%get3A_474, %get3A_475] {strides = array<i32>} : memref<80x128xf32, #tpu.memory_space<vmem>>, vector<1x16xf32>,
        %get3A_477 = vector.shape_cast %get3A_476 : vector<1x16xf32> to vector<16xf32>
        %mul3A_478 = arith.mulf %div3A_468, %get3A_477 : vector<16xf32>
        %swap3A_479 = arith.index_cast %scan3A_447 : i32 to index
        %swap3A_480 = arith.constant 0 : index
        %swap3A_481 = tpu.vector_load %arg19[%swap3A_479, %swap3A_480] {strides = array<i32>} : memref<80x128xf32, #tpu.memory_space<vmem>>, vector<1x16xf32>,
        %swap3A_482 = vector.shape_cast %swap3A_481 : vector<1x16xf32> to vector<16xf32>
        %swap3A_483 = vector.shape_cast %div3A_468 : vector<16xf32> to vector<1x16xf32>
        tpu.vector_store %arg19[%swap3A_479, %swap3A_480], %swap3A_483 {strides = array<i32>} : memref<80x128xf32, #tpu.memory_space<vmem>>, vector<1x16xf32>,
        %swap3A_484 = arith.index_cast %scan3A_447 : i32 to index
        %swap3A_485 = arith.constant 64 : index
        %swap3A_486 = tpu.vector_load %arg19[%swap3A_484, %swap3A_485] {strides = array<i32>} : memref<80x128xf32, #tpu.memory_space<vmem>>, vector<1x16xf32>,
        %swap3A_487 = vector.shape_cast %swap3A_486 : vector<1x16xf32> to vector<16xf32>
        %swap3A_488 = vector.shape_cast %mul3A_478 : vector<16xf32> to vector<1x16xf32>
        tpu.vector_store %arg19[%swap3A_484, %swap3A_485], %swap3A_488 {strides = array<i32>} : memref<80x128xf32, #tpu.memory_space<vmem>>, vector<1x16xf32>,
        %get3A_489 = arith.index_cast %scan3A_447 : i32 to index
        %get3A_490 = arith.constant 16 : index
        %get3A_491 = tpu.vector_load %arg18[%get3A_489, %get3A_490] {strides = array<i32>} : memref<80x64xf32, #tpu.memory_space<vmem>>, vector<1x16xf32>,
        %get3A_492 = vector.shape_cast %get3A_491 : vector<1x16xf32> to vector<16xf32>
        %get3A_493 = arith.index_cast %scan3A_447 : i32 to index
        %get3A_494 = arith.constant 16 : index
        %get3A_495 = tpu.vector_load %arg19[%get3A_493, %get3A_494] {strides = array<i32>} : memref<80x128xf32, #tpu.memory_space<vmem>>, vector<1x16xf32>,
        %get3A_496 = vector.shape_cast %get3A_495 : vector<1x16xf32> to vector<16xf32>
        %add3A_497 = arith.addf %get3A_492, %get3A_496 : vector<16xf32>
        %get3A_498 = arith.index_cast %scan3A_447 : i32 to index
        %get3A_499 = arith.constant 16 : index
        %get3A_500 = tpu.vector_load %arg20[%get3A_498, %get3A_499] {strides = array<i32>} : memref<80x128xf32, #tpu.memory_space<vmem>>, vector<1x16xf32>,
        %get3A_501 = vector.shape_cast %get3A_500 : vector<1x16xf32> to vector<16xf32>
        %add3A_502 = arith.addf %add3A_497, %get3A_501 : vector<16xf32>
        %neg3A_503 = arith.constant 0.000000e+00 : f32
        %neg3A_504 = vector.broadcast %neg3A_503 : f32 to vector<16xf32>
        %neg3A_505 = arith.subf %neg3A_504, %add3A_502 : vector<16xf32>
        %exp3A_506 = math.exp %neg3A_505 : vector<16xf32>
        %add3A_507 = arith.constant 1.000000e+00 : f32
        %add3A_508 = vector.broadcast %add3A_507 : f32 to vector<16xf32>
        %add3A_509 = arith.addf %add3A_508, %exp3A_506 : vector<16xf32>
        %div3A_510 = arith.constant 1.000000e+00 : f32
        %div3A_511 = vector.broadcast %div3A_510 : f32 to vector<16xf32>
        %div3A_512 = arith.divf %div3A_511, %add3A_509 : vector<16xf32>
        %swap3A_513 = arith.index_cast %scan3A_447 : i32 to index
        %swap3A_514 = arith.constant 16 : index
        %swap3A_515 = tpu.vector_load %arg18[%swap3A_513, %swap3A_514] {strides = array<i32>} : memref<80x64xf32, #tpu.memory_space<vmem>>, vector<1x16xf32>,
        %swap3A_516 = vector.shape_cast %swap3A_515 : vector<1x16xf32> to vector<16xf32>
        %swap3A_517 = vector.shape_cast %add3A_502 : vector<16xf32> to vector<1x16xf32>
        tpu.vector_store %arg18[%swap3A_513, %swap3A_514], %swap3A_517 {strides = array<i32>} : memref<80x64xf32, #tpu.memory_space<vmem>>, vector<1x16xf32>,
        %get3A_518 = arith.index_cast %scan3A_447 : i32 to index
        %get3A_519 = arith.constant 80 : index
        %get3A_520 = tpu.vector_load %arg19[%get3A_518, %get3A_519] {strides = array<i32>} : memref<80x128xf32, #tpu.memory_space<vmem>>, vector<1x16xf32>,
        %get3A_521 = vector.shape_cast %get3A_520 : vector<1x16xf32> to vector<16xf32>
        %mul3A_522 = arith.mulf %div3A_512, %get3A_521 : vector<16xf32>
        %swap3A_523 = arith.index_cast %scan3A_447 : i32 to index
        %swap3A_524 = arith.constant 16 : index
        %swap3A_525 = tpu.vector_load %arg19[%swap3A_523, %swap3A_524] {strides = array<i32>} : memref<80x128xf32, #tpu.memory_space<vmem>>, vector<1x16xf32>,
        %swap3A_526 = vector.shape_cast %swap3A_525 : vector<1x16xf32> to vector<16xf32>
        %swap3A_527 = vector.shape_cast %div3A_512 : vector<16xf32> to vector<1x16xf32>
        tpu.vector_store %arg19[%swap3A_523, %swap3A_524], %swap3A_527 {strides = array<i32>} : memref<80x128xf32, #tpu.memory_space<vmem>>, vector<1x16xf32>,
        %swap3A_528 = arith.index_cast %scan3A_447 : i32 to index
        %swap3A_529 = arith.constant 80 : index
        %swap3A_530 = tpu.vector_load %arg19[%swap3A_528, %swap3A_529] {strides = array<i32>} : memref<80x128xf32, #tpu.memory_space<vmem>>, vector<1x16xf32>,
        %swap3A_531 = vector.shape_cast %swap3A_530 : vector<1x16xf32> to vector<16xf32>
        %swap3A_532 = vector.shape_cast %mul3A_522 : vector<16xf32> to vector<1x16xf32>
        tpu.vector_store %arg19[%swap3A_528, %swap3A_529], %swap3A_532 {strides = array<i32>} : memref<80x128xf32, #tpu.memory_space<vmem>>, vector<1x16xf32>,
        %get3A_533 = arith.index_cast %scan3A_447 : i32 to index
        %get3A_534 = arith.constant 32 : index
        %get3A_535 = tpu.vector_load %arg18[%get3A_533, %get3A_534] {strides = array<i32>} : memref<80x64xf32, #tpu.memory_space<vmem>>, vector<1x16xf32>,
        %get3A_536 = vector.shape_cast %get3A_535 : vector<1x16xf32> to vector<16xf32>
        %get3A_537 = arith.index_cast %scan3A_447 : i32 to index
        %get3A_538 = arith.constant 32 : index
        %get3A_539 = tpu.vector_load %arg19[%get3A_537, %get3A_538] {strides = array<i32>} : memref<80x128xf32, #tpu.memory_space<vmem>>, vector<1x16xf32>,
        %get3A_540 = vector.shape_cast %get3A_539 : vector<1x16xf32> to vector<16xf32>
        %add3A_541 = arith.addf %get3A_536, %get3A_540 : vector<16xf32>
        %get3A_542 = arith.index_cast %scan3A_447 : i32 to index
        %get3A_543 = arith.constant 32 : index
        %get3A_544 = tpu.vector_load %arg20[%get3A_542, %get3A_543] {strides = array<i32>} : memref<80x128xf32, #tpu.memory_space<vmem>>, vector<1x16xf32>,
        %get3A_545 = vector.shape_cast %get3A_544 : vector<1x16xf32> to vector<16xf32>
        %add3A_546 = arith.addf %add3A_541, %get3A_545 : vector<16xf32>
        %neg3A_547 = arith.constant 0.000000e+00 : f32
        %neg3A_548 = vector.broadcast %neg3A_547 : f32 to vector<16xf32>
        %neg3A_549 = arith.subf %neg3A_548, %add3A_546 : vector<16xf32>
        %exp3A_550 = math.exp %neg3A_549 : vector<16xf32>
        %add3A_551 = arith.constant 1.000000e+00 : f32
        %add3A_552 = vector.broadcast %add3A_551 : f32 to vector<16xf32>
        %add3A_553 = arith.addf %add3A_552, %exp3A_550 : vector<16xf32>
        %div3A_554 = arith.constant 1.000000e+00 : f32
        %div3A_555 = vector.broadcast %div3A_554 : f32 to vector<16xf32>
        %div3A_556 = arith.divf %div3A_555, %add3A_553 : vector<16xf32>
        %swap3A_557 = arith.index_cast %scan3A_447 : i32 to index
        %swap3A_558 = arith.constant 32 : index
        %swap3A_559 = tpu.vector_load %arg18[%swap3A_557, %swap3A_558] {strides = array<i32>} : memref<80x64xf32, #tpu.memory_space<vmem>>, vector<1x16xf32>,
        %swap3A_560 = vector.shape_cast %swap3A_559 : vector<1x16xf32> to vector<16xf32>
        %swap3A_561 = vector.shape_cast %add3A_546 : vector<16xf32> to vector<1x16xf32>
        tpu.vector_store %arg18[%swap3A_557, %swap3A_558], %swap3A_561 {strides = array<i32>} : memref<80x64xf32, #tpu.memory_space<vmem>>, vector<1x16xf32>,
        %get3A_562 = arith.index_cast %scan3A_447 : i32 to index
        %get3A_563 = arith.constant 96 : index
        %get3A_564 = tpu.vector_load %arg19[%get3A_562, %get3A_563] {strides = array<i32>} : memref<80x128xf32, #tpu.memory_space<vmem>>, vector<1x16xf32>,
        %get3A_565 = vector.shape_cast %get3A_564 : vector<1x16xf32> to vector<16xf32>
        %mul3A_566 = arith.mulf %div3A_556, %get3A_565 : vector<16xf32>
        %swap3A_567 = arith.index_cast %scan3A_447 : i32 to index
        %swap3A_568 = arith.constant 32 : index
        %swap3A_569 = tpu.vector_load %arg19[%swap3A_567, %swap3A_568] {strides = array<i32>} : memref<80x128xf32, #tpu.memory_space<vmem>>, vector<1x16xf32>,
        %swap3A_570 = vector.shape_cast %swap3A_569 : vector<1x16xf32> to vector<16xf32>
        %swap3A_571 = vector.shape_cast %div3A_556 : vector<16xf32> to vector<1x16xf32>
        tpu.vector_store %arg19[%swap3A_567, %swap3A_568], %swap3A_571 {strides = array<i32>} : memref<80x128xf32, #tpu.memory_space<vmem>>, vector<1x16xf32>,
        %swap3A_572 = arith.index_cast %scan3A_447 : i32 to index
        %swap3A_573 = arith.constant 96 : index
        %swap3A_574 = tpu.vector_load %arg19[%swap3A_572, %swap3A_573] {strides = array<i32>} : memref<80x128xf32, #tpu.memory_space<vmem>>, vector<1x16xf32>,
        %swap3A_575 = vector.shape_cast %swap3A_574 : vector<1x16xf32> to vector<16xf32>
        %swap3A_576 = vector.shape_cast %mul3A_566 : vector<16xf32> to vector<1x16xf32>
        tpu.vector_store %arg19[%swap3A_572, %swap3A_573], %swap3A_576 {strides = array<i32>} : memref<80x128xf32, #tpu.memory_space<vmem>>, vector<1x16xf32>,
        %get3A_577 = arith.index_cast %scan3A_447 : i32 to index
        %get3A_578 = arith.constant 48 : index
        %get3A_579 = tpu.vector_load %arg18[%get3A_577, %get3A_578] {strides = array<i32>} : memref<80x64xf32, #tpu.memory_space<vmem>>, vector<1x16xf32>,
        %get3A_580 = vector.shape_cast %get3A_579 : vector<1x16xf32> to vector<16xf32>
        %get3A_581 = arith.index_cast %scan3A_447 : i32 to index
        %get3A_582 = arith.constant 48 : index
        %get3A_583 = tpu.vector_load %arg19[%get3A_581, %get3A_582] {strides = array<i32>} : memref<80x128xf32, #tpu.memory_space<vmem>>, vector<1x16xf32>,
        %get3A_584 = vector.shape_cast %get3A_583 : vector<1x16xf32> to vector<16xf32>
        %add3A_585 = arith.addf %get3A_580, %get3A_584 : vector<16xf32>
        %get3A_586 = arith.index_cast %scan3A_447 : i32 to index
        %get3A_587 = arith.constant 48 : index
        %get3A_588 = tpu.vector_load %arg20[%get3A_586, %get3A_587] {strides = array<i32>} : memref<80x128xf32, #tpu.memory_space<vmem>>, vector<1x16xf32>,
        %get3A_589 = vector.shape_cast %get3A_588 : vector<1x16xf32> to vector<16xf32>
        %add3A_590 = arith.addf %add3A_585, %get3A_589 : vector<16xf32>
        %neg3A_591 = arith.constant 0.000000e+00 : f32
        %neg3A_592 = vector.broadcast %neg3A_591 : f32 to vector<16xf32>
        %neg3A_593 = arith.subf %neg3A_592, %add3A_590 : vector<16xf32>
        %exp3A_594 = math.exp %neg3A_593 : vector<16xf32>
        %add3A_595 = arith.constant 1.000000e+00 : f32
        %add3A_596 = vector.broadcast %add3A_595 : f32 to vector<16xf32>
        %add3A_597 = arith.addf %add3A_596, %exp3A_594 : vector<16xf32>
        %div3A_598 = arith.constant 1.000000e+00 : f32
        %div3A_599 = vector.broadcast %div3A_598 : f32 to vector<16xf32>
        %div3A_600 = arith.divf %div3A_599, %add3A_597 : vector<16xf32>
        %swap3A_601 = arith.index_cast %scan3A_447 : i32 to index
        %swap3A_602 = arith.constant 48 : index
        %swap3A_603 = tpu.vector_load %arg18[%swap3A_601, %swap3A_602] {strides = array<i32>} : memref<80x64xf32, #tpu.memory_space<vmem>>, vector<1x16xf32>,
        %swap3A_604 = vector.shape_cast %swap3A_603 : vector<1x16xf32> to vector<16xf32>
        %swap3A_605 = vector.shape_cast %add3A_590 : vector<16xf32> to vector<1x16xf32>
        tpu.vector_store %arg18[%swap3A_601, %swap3A_602], %swap3A_605 {strides = array<i32>} : memref<80x64xf32, #tpu.memory_space<vmem>>, vector<1x16xf32>,
        %get3A_606 = arith.index_cast %scan3A_447 : i32 to index
        %get3A_607 = arith.constant 112 : index
        %get3A_608 = tpu.vector_load %arg19[%get3A_606, %get3A_607] {strides = array<i32>} : memref<80x128xf32, #tpu.memory_space<vmem>>, vector<1x16xf32>,
        %get3A_609 = vector.shape_cast %get3A_608 : vector<1x16xf32> to vector<16xf32>
        %mul3A_610 = arith.mulf %div3A_600, %get3A_609 : vector<16xf32>
        %swap3A_611 = arith.index_cast %scan3A_447 : i32 to index
        %swap3A_612 = arith.constant 48 : index
        %swap3A_613 = tpu.vector_load %arg19[%swap3A_611, %swap3A_612] {strides = array<i32>} : memref<80x128xf32, #tpu.memory_space<vmem>>, vector<1x16xf32>,
        %swap3A_614 = vector.shape_cast %swap3A_613 : vector<1x16xf32> to vector<16xf32>
        %swap3A_615 = vector.shape_cast %div3A_600 : vector<16xf32> to vector<1x16xf32>
        tpu.vector_store %arg19[%swap3A_611, %swap3A_612], %swap3A_615 {strides = array<i32>} : memref<80x128xf32, #tpu.memory_space<vmem>>, vector<1x16xf32>,
        %swap3A_616 = arith.index_cast %scan3A_447 : i32 to index
        %swap3A_617 = arith.constant 112 : index
        %swap3A_618 = tpu.vector_load %arg19[%swap3A_616, %swap3A_617] {strides = array<i32>} : memref<80x128xf32, #tpu.memory_space<vmem>>, vector<1x16xf32>,
        %swap3A_619 = vector.shape_cast %swap3A_618 : vector<1x16xf32> to vector<16xf32>
        %swap3A_620 = vector.shape_cast %mul3A_610 : vector<16xf32> to vector<1x16xf32>
        tpu.vector_store %arg19[%swap3A_616, %swap3A_617], %swap3A_620 {strides = array<i32>} : memref<80x128xf32, #tpu.memory_space<vmem>>, vector<1x16xf32>,
      }
      %scan3A_430 = arith.constant 40 : i32
      %mul3A_431 = arith.constant 320000 : i32
      %mul3A_432 = arith.muli %arg0, %mul3A_431 : i32
      %add3A_433 = arith.addi %mul3A_432, %mul3A_382 : i32
      %dma_start3A_434 = arith.constant 0 : i32
      %dma_start3A_435 = tpu.memref_slice %arg7[%add3A_433, %dma_start3A_434] : memref<640000x64xf32, #tpu.memory_space<hbm>> -> memref<80x64xf32, #tpu.memory_space<hbm>>
      %dma_start3A_436 = arith.constant 0 : i32
      %dma_start3A_437 = tpu.memref_slice %arg7[%add3A_433, %dma_start3A_436] : memref<640000x64xf32, #tpu.memory_space<hbm>> -> memref<80x64xf32, #tpu.memory_space<hbm>>
      tpu.enqueue_dma source(%arg18 : memref<80x64xf32, #tpu.memory_space<vmem>>) target(%dma_start3A_437 : memref<80x64xf32, #tpu.memory_space<hbm>>) target_semaphore(%arg29 : memref<!tpu.dma_semaphore, #tpu.memory_space<semaphore_mem>>)
      "tpu.region"() ({
        %run_scoped3A = tpu.sem_alloc : memref<!tpu.dma_semaphore, #tpu.memory_space<semaphore_mem>>
        %dma_start3A_447 = arith.constant 0 : i32
        %dma_start3A_448 = arith.constant 0 : i32
        %dma_start3A_449 = tpu.memref_slice %arg21[%dma_start3A_447, %dma_start3A_448] : memref<10000x128xf32, #tpu.memory_space<vmem_shared>> -> memref<10000x128xf32, #tpu.memory_space<vmem_shared>>
        tpu.enqueue_indirect_dma source(%arg19 : memref<80x128xf32, #tpu.memory_space<vmem>>) target(%dma_start3A_449 : memref<10000x128xf32, #tpu.memory_space<vmem_shared>>) offsets(%arg14 : memref<80xi32, #tpu.memory_space<vmem>>) semaphore(%run_scoped3A : memref<!tpu.dma_semaphore, #tpu.memory_space<semaphore_mem>>) {add = true}
        %dma_wait3A_450 = arith.constant 0 : i32
        %dma_wait3A_451 = arith.constant 0 : i32
        %dma_wait3A_452 = tpu.memref_slice %arg21[%dma_wait3A_450, %dma_wait3A_451] : memref<10000x128xf32, #tpu.memory_space<vmem_shared>> -> memref<10000x128xf32, #tpu.memory_space<vmem_shared>>
        tpu.wait_indirect_dma semaphore(%run_scoped3A : memref<!tpu.dma_semaphore, #tpu.memory_space<semaphore_mem>>) src(%arg19 : memref<80x128xf32, #tpu.memory_space<vmem>>) dst(%dma_wait3A_452 : memref<10000x128xf32, #tpu.memory_space<vmem_shared>>)
        tpu.yield
      }) : () -> ()
      %dma_wait3A_438 = arith.constant 0 : i32
      %dma_wait3A_439 = tpu.memref_slice %arg7[%add3A_245, %dma_wait3A_438] : memref<640000x64xf32, #tpu.memory_space<hbm>> -> memref<80x64xf32, #tpu.memory_space<hbm>>
      %dma_wait3A_440 = arith.constant 0 : i32
      %dma_wait3A_441 = tpu.memref_slice %arg7[%add3A_245, %dma_wait3A_440] : memref<640000x64xf32, #tpu.memory_space<hbm>> -> memref<80x64xf32, #tpu.memory_space<hbm>>
      tpu.wait_dma2 semaphore(%arg28 : memref<!tpu.dma_semaphore, #tpu.memory_space<semaphore_mem>>) src(%arg17 : memref<80x64xf32, #tpu.memory_space<vmem>>) dst(%dma_wait3A_441 : memref<80x64xf32, #tpu.memory_space<hbm>>)
      %dma_wait3A_442 = arith.constant 0 : i32
      %dma_wait3A_443 = tpu.memref_slice %arg7[%add3A_433, %dma_wait3A_442] : memref<640000x64xf32, #tpu.memory_space<hbm>> -> memref<80x64xf32, #tpu.memory_space<hbm>>
      %dma_wait3A_444 = arith.constant 0 : i32
      %dma_wait3A_445 = tpu.memref_slice %arg7[%add3A_433, %dma_wait3A_444] : memref<640000x64xf32, #tpu.memory_space<hbm>> -> memref<80x64xf32, #tpu.memory_space<hbm>>
      tpu.wait_dma2 semaphore(%arg29 : memref<!tpu.dma_semaphore, #tpu.memory_space<semaphore_mem>>) src(%arg18 : memref<80x64xf32, #tpu.memory_space<vmem>>) dst(%dma_wait3A_445 : memref<80x64xf32, #tpu.memory_space<hbm>>)
      %scan3A_446 = arith.constant 0 : i32
      scf.yield %scan3A_446 : i32
    }
    %scan3A_22 = arith.constant 125 : i32
    %barrier3A_23 = arith.constant 0 : index
    tpu.barrier barrier_id(%barrier3A_23)
    %mul3A_24 = arith.constant 624 : i32
    %mul3A_25 = arith.muli %arg1, %mul3A_24 : i32
    "tpu.region"() ({
      %run_scoped3A = tpu.sem_alloc : memref<!tpu.dma_semaphore, #tpu.memory_space<semaphore_mem>>
      %dma_start3A = arith.constant 0 : i32
      %dma_start3A_31 = tpu.memref_slice %arg8[%arg0, %mul3A_25, %dma_start3A] : memref<2x10000x128xf32, #tpu.memory_space<hbm>> -> memref<1x624x128xf32, #tpu.memory_space<hbm>>
      %dma_start3A_32 = tpu.memref_squeeze %dma_start3A_31 : memref<1x624x128xf32, #tpu.memory_space<hbm>> -> memref<624x128xf32, #tpu.memory_space<hbm>>
      %dma_start3A_33 = arith.constant 0 : i32
      %dma_start3A_34 = tpu.memref_slice %arg21[%mul3A_25, %dma_start3A_33] : memref<10000x128xf32, #tpu.memory_space<vmem_shared>> -> memref<624x128xf32, #tpu.memory_space<vmem_shared>>
      tpu.enqueue_dma source(%dma_start3A_34 : memref<624x128xf32, #tpu.memory_space<vmem_shared>>) target(%dma_start3A_32 : memref<624x128xf32, #tpu.memory_space<hbm>>) target_semaphore(%run_scoped3A : memref<!tpu.dma_semaphore, #tpu.memory_space<semaphore_mem>>)
      %dma_wait3A = arith.constant 0 : i32
      %dma_wait3A_35 = tpu.memref_slice %arg8[%arg0, %mul3A_25, %dma_wait3A] : memref<2x10000x128xf32, #tpu.memory_space<hbm>> -> memref<1x624x128xf32, #tpu.memory_space<hbm>>
      %dma_wait3A_36 = tpu.memref_squeeze %dma_wait3A_35 : memref<1x624x128xf32, #tpu.memory_space<hbm>> -> memref<624x128xf32, #tpu.memory_space<hbm>>
      %dma_wait3A_37 = arith.constant 0 : i32
      %dma_wait3A_38 = tpu.memref_slice %arg21[%mul3A_25, %dma_wait3A_37] : memref<10000x128xf32, #tpu.memory_space<vmem_shared>> -> memref<624x128xf32, #tpu.memory_space<vmem_shared>>
      tpu.wait_dma2 semaphore(%run_scoped3A : memref<!tpu.dma_semaphore, #tpu.memory_space<semaphore_mem>>) src(%dma_wait3A_38 : memref<624x128xf32, #tpu.memory_space<vmem_shared>>) dst(%dma_wait3A_36 : memref<624x128xf32, #tpu.memory_space<hbm>>)
      tpu.yield
    }) : () -> ()
    %eq3A_26 = arith.constant 15 : i32
    %eq3A_27 = arith.cmpi eq, %arg1, %eq3A_26 : i32
    %convert_element_type3A_28 = arith.extui %eq3A_27 : i1 to i32
    %cond3A_29 = arith.constant 0 : i32
    %cond3A_30 = arith.cmpi ne, %convert_element_type3A_28, %cond3A_29 : i32
    scf.if %cond3A_30 {
      "tpu.region"() ({
        %run_scoped3A = tpu.sem_alloc : memref<!tpu.dma_semaphore, #tpu.memory_space<semaphore_mem>>
        %dma_start3A = arith.constant 9984 : i32
        %dma_start3A_31 = arith.constant 0 : i32
        %dma_start3A_32 = tpu.memref_slice %arg8[%arg0, %dma_start3A, %dma_start3A_31] : memref<2x10000x128xf32, #tpu.memory_space<hbm>> -> memref<1x16x128xf32, #tpu.memory_space<hbm>>
        %dma_start3A_33 = tpu.memref_squeeze %dma_start3A_32 : memref<1x16x128xf32, #tpu.memory_space<hbm>> -> memref<16x128xf32, #tpu.memory_space<hbm>>
        %dma_start3A_34 = arith.constant 9984 : i32
        %dma_start3A_35 = arith.constant 0 : i32
        %dma_start3A_36 = tpu.memref_slice %arg21[%dma_start3A_34, %dma_start3A_35] : memref<10000x128xf32, #tpu.memory_space<vmem_shared>> -> memref<16x128xf32, #tpu.memory_space<vmem_shared>>
        tpu.enqueue_dma source(%dma_start3A_36 : memref<16x128xf32, #tpu.memory_space<vmem_shared>>) target(%dma_start3A_33 : memref<16x128xf32, #tpu.memory_space<hbm>>) target_semaphore(%run_scoped3A : memref<!tpu.dma_semaphore, #tpu.memory_space<semaphore_mem>>)
        %dma_wait3A = arith.constant 9984 : i32
        %dma_wait3A_37 = arith.constant 0 : i32
        %dma_wait3A_38 = tpu.memref_slice %arg8[%arg0, %dma_wait3A, %dma_wait3A_37] : memref<2x10000x128xf32, #tpu.memory_space<hbm>> -> memref<1x16x128xf32, #tpu.memory_space<hbm>>
        %dma_wait3A_39 = tpu.memref_squeeze %dma_wait3A_38 : memref<1x16x128xf32, #tpu.memory_space<hbm>> -> memref<16x128xf32, #tpu.memory_space<hbm>>
        %dma_wait3A_40 = arith.constant 9984 : i32
        %dma_wait3A_41 = arith.constant 0 : i32
        %dma_wait3A_42 = tpu.memref_slice %arg21[%dma_wait3A_40, %dma_wait3A_41] : memref<10000x128xf32, #tpu.memory_space<vmem_shared>> -> memref<16x128xf32, #tpu.memory_space<vmem_shared>>
        tpu.wait_dma2 semaphore(%run_scoped3A : memref<!tpu.dma_semaphore, #tpu.memory_space<semaphore_mem>>) src(%dma_wait3A_42 : memref<16x128xf32, #tpu.memory_space<vmem_shared>>) dst(%dma_wait3A_39 : memref<16x128xf32, #tpu.memory_space<hbm>>)
        tpu.yield
      }) : () -> ()
    } else {
    }
    return
  }
}

module attributes {stable_mosaic.version = 14 : i64} {
  func.func @body(%arg0: i32, %arg1: memref<1000x128xf32, #tpu.memory_space<vmem>>, %arg2: memref<2000x128xf32, #tpu.memory_space<vmem>>, %arg3: memref<128x128xf32, #tpu.memory_space<vmem>>, %arg4: memref<1x128xf32, #tpu.memory_space<vmem>>, %arg5: memref<128x128xf32, #tpu.memory_space<vmem>>, %arg6: memref<1x128xf32, #tpu.memory_space<vmem>>, %arg7: memref<128x128xf32, #tpu.memory_space<vmem>>, %arg8: memref<1x128xf32, #tpu.memory_space<vmem>>, %arg9: memref<128x128xf32, #tpu.memory_space<vmem>>, %arg10: memref<1x128xf32, #tpu.memory_space<vmem>>, %arg11: memref<2x1000x128xf32, #tpu.memory_space<vmem>>, %arg12: memref<2x1000x128xf32, #tpu.memory_space<vmem>>, %arg13: memref<2x2000x64xf32, #tpu.memory_space<vmem>>) attributes {dimension_semantics = [#tpu.dimension_semantics<arbitrary>], iteration_bounds = array<i64: 160>, scalar_prefetch = 0 : i64, scratch_operands = 0 : i64, tpu.core_type = #tpu.core_type<tc>, window_params = [{transform_indices = @transform_0, window_bounds = array<i64: 1000, 128>}, {transform_indices = @transform_1, window_bounds = array<i64: 2000, 128>}, {pipeline_mode = #tpu.pipeline_mode<synchronous>, transform_indices = @transform_2, window_bounds = array<i64: 128, 128>}, {pipeline_mode = #tpu.pipeline_mode<synchronous>, transform_indices = @transform_3, window_bounds = array<i64: 1, 128>}, {pipeline_mode = #tpu.pipeline_mode<synchronous>, transform_indices = @transform_4, window_bounds = array<i64: 128, 128>}, {pipeline_mode = #tpu.pipeline_mode<synchronous>, transform_indices = @transform_5, window_bounds = array<i64: 1, 128>}, {pipeline_mode = #tpu.pipeline_mode<synchronous>, transform_indices = @transform_6, window_bounds = array<i64: 128, 128>}, {pipeline_mode = #tpu.pipeline_mode<synchronous>, transform_indices = @transform_7, window_bounds = array<i64: 1, 128>}, {pipeline_mode = #tpu.pipeline_mode<synchronous>, transform_indices = @transform_8, window_bounds = array<i64: 128, 128>}, {pipeline_mode = #tpu.pipeline_mode<synchronous>, transform_indices = @transform_9, window_bounds = array<i64: 1, 128>}, {transform_indices = @transform_10, window_bounds = array<i64: 2, 1000, 128>}, {transform_indices = @transform_11, window_bounds = array<i64: 2, 1000, 128>}, {transform_indices = @transform_12, window_bounds = array<i64: 2, 2000, 64>}]} {
    %get3A = arith.constant 0 : index
    %get3A_0 = arith.constant 0 : index
    %get3A_1 = vector.load %arg2[%get3A, %get3A_0] : memref<2000x128xf32, #tpu.memory_space<vmem>>, vector<2000x128xf32>
    %get3A_2 = arith.constant 0 : index
    %get3A_3 = arith.constant 0 : index
    %get3A_4 = vector.load %arg9[%get3A_2, %get3A_3] : memref<128x128xf32, #tpu.memory_space<vmem>>, vector<128x128xf32>
    %dot_general3A = arith.constant dense<0.000000e+00> : vector<2000x128xf32>
    %dot_general3A_5 = tpu.matmul %get3A_1, %get3A_4, %dot_general3A {dimension_numbers = #tpu.dot_dimension_numbers<[1], [0], [0], [1], [0, 0, 1, 1], [], []>, transpose_lhs_hint = false} : vector<2000x128xf32>, vector<128x128xf32>, vector<2000x128xf32> -> vector<2000x128xf32>
    %get3A_6 = arith.constant 0 : index
    %get3A_7 = arith.constant 0 : index
    %get3A_8 = vector.load %arg10[%get3A_6, %get3A_7] : memref<1x128xf32, #tpu.memory_space<vmem>>, vector<1x128xf32>
    %add3A = vector.broadcast %get3A_8 : vector<1x128xf32> to vector<2000x128xf32>
    %add3A_9 = arith.addf %dot_general3A_5, %add3A : vector<2000x128xf32>
    %slice3A = vector.extract_strided_slice %add3A_9 {offsets = [0, 0], sizes = [2000, 64], strides = [1, 1]} : vector<2000x128xf32> to vector<2000x64xf32>
    %swap3A = arith.constant 0 : index
    %swap3A_10 = arith.constant 0 : index
    %swap3A_11 = arith.constant 0 : index
    %swap3A_12 = vector.load %arg13[%swap3A, %swap3A_10, %swap3A_11] : memref<2x2000x64xf32, #tpu.memory_space<vmem>>, vector<1x2000x64xf32>
    %swap3A_13 = vector.shape_cast %swap3A_12 : vector<1x2000x64xf32> to vector<2000x64xf32>
    %swap3A_14 = vector.shape_cast %slice3A : vector<2000x64xf32> to vector<1x2000x64xf32>
    tpu.vector_store %arg13[%swap3A, %swap3A_10, %swap3A_11], %swap3A_14 {strides = array<i32>} : memref<2x2000x64xf32, #tpu.memory_space<vmem>>, vector<1x2000x64xf32>,
    %slice3A_15 = vector.extract_strided_slice %add3A_9 {offsets = [0, 64], sizes = [2000, 64], strides = [1, 1]} : vector<2000x128xf32> to vector<2000x64xf32>
    %swap3A_16 = arith.constant 1 : index
    %swap3A_17 = arith.constant 0 : index
    %swap3A_18 = arith.constant 0 : index
    %swap3A_19 = vector.load %arg13[%swap3A_16, %swap3A_17, %swap3A_18] : memref<2x2000x64xf32, #tpu.memory_space<vmem>>, vector<1x2000x64xf32>
    %swap3A_20 = vector.shape_cast %swap3A_19 : vector<1x2000x64xf32> to vector<2000x64xf32>
    %swap3A_21 = vector.shape_cast %slice3A_15 : vector<2000x64xf32> to vector<1x2000x64xf32>
    tpu.vector_store %arg13[%swap3A_16, %swap3A_17, %swap3A_18], %swap3A_21 {strides = array<i32>} : memref<2x2000x64xf32, #tpu.memory_space<vmem>>, vector<1x2000x64xf32>,
    %lt3A = arith.constant 10 : i32
    %lt3A_22 = arith.cmpi slt, %arg0, %lt3A : i32
    %convert_element_type3A = arith.extui %lt3A_22 : i1 to i32
    %cond3A = arith.constant 0 : i32
    %cond3A_23 = arith.cmpi ne, %convert_element_type3A, %cond3A : i32
    scf.if %cond3A_23 {
      %get3A_24 = arith.constant 0 : index
      %get3A_25 = arith.constant 0 : index
      %get3A_26 = vector.load %arg1[%get3A_24, %get3A_25] : memref<1000x128xf32, #tpu.memory_space<vmem>>, vector<1000x128xf32>
      %get3A_27 = arith.constant 0 : index
      %get3A_28 = arith.constant 0 : index
      %get3A_29 = vector.load %arg3[%get3A_27, %get3A_28] : memref<128x128xf32, #tpu.memory_space<vmem>>, vector<128x128xf32>
      %dot_general3A_30 = arith.constant dense<0.000000e+00> : vector<1000x128xf32>
      %dot_general3A_31 = tpu.matmul %get3A_26, %get3A_29, %dot_general3A_30 {dimension_numbers = #tpu.dot_dimension_numbers<[1], [0], [0], [1], [0, 0, 1, 1], [], []>, transpose_lhs_hint = false} : vector<1000x128xf32>, vector<128x128xf32>, vector<1000x128xf32> -> vector<1000x128xf32>
      %get3A_32 = arith.constant 0 : index
      %get3A_33 = arith.constant 0 : index
      %get3A_34 = vector.load %arg4[%get3A_32, %get3A_33] : memref<1x128xf32, #tpu.memory_space<vmem>>, vector<1x128xf32>
      %add3A_35 = vector.broadcast %get3A_34 : vector<1x128xf32> to vector<1000x128xf32>
      %add3A_36 = arith.addf %dot_general3A_31, %add3A_35 : vector<1000x128xf32>
      %get3A_37 = arith.constant 0 : index
      %get3A_38 = arith.constant 0 : index
      %get3A_39 = vector.load %arg5[%get3A_37, %get3A_38] : memref<128x128xf32, #tpu.memory_space<vmem>>, vector<128x128xf32>
      %dot_general3A_40 = arith.constant dense<0.000000e+00> : vector<1000x128xf32>
      %dot_general3A_41 = tpu.matmul %get3A_26, %get3A_39, %dot_general3A_40 {dimension_numbers = #tpu.dot_dimension_numbers<[1], [0], [0], [1], [0, 0, 1, 1], [], []>, transpose_lhs_hint = false} : vector<1000x128xf32>, vector<128x128xf32>, vector<1000x128xf32> -> vector<1000x128xf32>
      %get3A_42 = arith.constant 0 : index
      %get3A_43 = arith.constant 0 : index
      %get3A_44 = vector.load %arg6[%get3A_42, %get3A_43] : memref<1x128xf32, #tpu.memory_space<vmem>>, vector<1x128xf32>
      %add3A_45 = vector.broadcast %get3A_44 : vector<1x128xf32> to vector<1000x128xf32>
      %add3A_46 = arith.addf %dot_general3A_41, %add3A_45 : vector<1000x128xf32>
      %get3A_47 = arith.constant 0 : index
      %get3A_48 = arith.constant 0 : index
      %get3A_49 = vector.load %arg7[%get3A_47, %get3A_48] : memref<128x128xf32, #tpu.memory_space<vmem>>, vector<128x128xf32>
      %dot_general3A_50 = arith.constant dense<0.000000e+00> : vector<1000x128xf32>
      %dot_general3A_51 = tpu.matmul %get3A_26, %get3A_49, %dot_general3A_50 {dimension_numbers = #tpu.dot_dimension_numbers<[1], [0], [0], [1], [0, 0, 1, 1], [], []>, transpose_lhs_hint = false} : vector<1000x128xf32>, vector<128x128xf32>, vector<1000x128xf32> -> vector<1000x128xf32>
      %get3A_52 = arith.constant 0 : index
      %get3A_53 = arith.constant 0 : index
      %get3A_54 = vector.load %arg8[%get3A_52, %get3A_53] : memref<1x128xf32, #tpu.memory_space<vmem>>, vector<1x128xf32>
      %add3A_55 = vector.broadcast %get3A_54 : vector<1x128xf32> to vector<1000x128xf32>
      %add3A_56 = arith.addf %dot_general3A_51, %add3A_55 : vector<1000x128xf32>
      %slice3A_57 = vector.extract_strided_slice %add3A_46 {offsets = [0, 0], sizes = [1000, 64], strides = [1, 1]} : vector<1000x128xf32> to vector<1000x64xf32>
      %slice3A_58 = vector.extract_strided_slice %add3A_36 {offsets = [0, 0], sizes = [1000, 64], strides = [1, 1]} : vector<1000x128xf32> to vector<1000x64xf32>
      %concatenate3A = tpu.concatenate %slice3A_57, %slice3A_58 in 1 : vector<1000x64xf32>, vector<1000x64xf32> -> vector<1000x128xf32>
      %swap3A_59 = arith.constant 0 : index
      %swap3A_60 = arith.constant 0 : index
      %swap3A_61 = arith.constant 0 : index
      %swap3A_62 = vector.load %arg11[%swap3A_59, %swap3A_60, %swap3A_61] : memref<2x1000x128xf32, #tpu.memory_space<vmem>>, vector<1x1000x128xf32>
      %swap3A_63 = vector.shape_cast %swap3A_62 : vector<1x1000x128xf32> to vector<1000x128xf32>
      %swap3A_64 = vector.shape_cast %concatenate3A : vector<1000x128xf32> to vector<1x1000x128xf32>
      tpu.vector_store %arg11[%swap3A_59, %swap3A_60, %swap3A_61], %swap3A_64 {strides = array<i32>} : memref<2x1000x128xf32, #tpu.memory_space<vmem>>, vector<1x1000x128xf32>,
      %slice3A_65 = vector.extract_strided_slice %add3A_56 {offsets = [0, 0], sizes = [1000, 64], strides = [1, 1]} : vector<1000x128xf32> to vector<1000x64xf32>
      %slice3A_66 = vector.extract_strided_slice %add3A_56 {offsets = [0, 0], sizes = [1000, 64], strides = [1, 1]} : vector<1000x128xf32> to vector<1000x64xf32>
      %concatenate3A_67 = tpu.concatenate %slice3A_65, %slice3A_66 in 1 : vector<1000x64xf32>, vector<1000x64xf32> -> vector<1000x128xf32>
      %swap3A_68 = arith.constant 0 : index
      %swap3A_69 = arith.constant 0 : index
      %swap3A_70 = arith.constant 0 : index
      %swap3A_71 = vector.load %arg12[%swap3A_68, %swap3A_69, %swap3A_70] : memref<2x1000x128xf32, #tpu.memory_space<vmem>>, vector<1x1000x128xf32>
      %swap3A_72 = vector.shape_cast %swap3A_71 : vector<1x1000x128xf32> to vector<1000x128xf32>
      %swap3A_73 = vector.shape_cast %concatenate3A_67 : vector<1000x128xf32> to vector<1x1000x128xf32>
      tpu.vector_store %arg12[%swap3A_68, %swap3A_69, %swap3A_70], %swap3A_73 {strides = array<i32>} : memref<2x1000x128xf32, #tpu.memory_space<vmem>>, vector<1x1000x128xf32>,
      %slice3A_74 = vector.extract_strided_slice %add3A_46 {offsets = [0, 64], sizes = [1000, 64], strides = [1, 1]} : vector<1000x128xf32> to vector<1000x64xf32>
      %slice3A_75 = vector.extract_strided_slice %add3A_36 {offsets = [0, 64], sizes = [1000, 64], strides = [1, 1]} : vector<1000x128xf32> to vector<1000x64xf32>
      %concatenate3A_76 = tpu.concatenate %slice3A_74, %slice3A_75 in 1 : vector<1000x64xf32>, vector<1000x64xf32> -> vector<1000x128xf32>
      %swap3A_77 = arith.constant 1 : index
      %swap3A_78 = arith.constant 0 : index
      %swap3A_79 = arith.constant 0 : index
      %swap3A_80 = vector.load %arg11[%swap3A_77, %swap3A_78, %swap3A_79] : memref<2x1000x128xf32, #tpu.memory_space<vmem>>, vector<1x1000x128xf32>
      %swap3A_81 = vector.shape_cast %swap3A_80 : vector<1x1000x128xf32> to vector<1000x128xf32>
      %swap3A_82 = vector.shape_cast %concatenate3A_76 : vector<1000x128xf32> to vector<1x1000x128xf32>
      tpu.vector_store %arg11[%swap3A_77, %swap3A_78, %swap3A_79], %swap3A_82 {strides = array<i32>} : memref<2x1000x128xf32, #tpu.memory_space<vmem>>, vector<1x1000x128xf32>,
      %slice3A_83 = vector.extract_strided_slice %add3A_56 {offsets = [0, 64], sizes = [1000, 64], strides = [1, 1]} : vector<1000x128xf32> to vector<1000x64xf32>
      %slice3A_84 = vector.extract_strided_slice %add3A_56 {offsets = [0, 64], sizes = [1000, 64], strides = [1, 1]} : vector<1000x128xf32> to vector<1000x64xf32>
      %concatenate3A_85 = tpu.concatenate %slice3A_83, %slice3A_84 in 1 : vector<1000x64xf32>, vector<1000x64xf32> -> vector<1000x128xf32>
      %swap3A_86 = arith.constant 1 : index
      %swap3A_87 = arith.constant 0 : index
      %swap3A_88 = arith.constant 0 : index
      %swap3A_89 = vector.load %arg12[%swap3A_86, %swap3A_87, %swap3A_88] : memref<2x1000x128xf32, #tpu.memory_space<vmem>>, vector<1x1000x128xf32>
      %swap3A_90 = vector.shape_cast %swap3A_89 : vector<1x1000x128xf32> to vector<1000x128xf32>
      %swap3A_91 = vector.shape_cast %concatenate3A_85 : vector<1000x128xf32> to vector<1x1000x128xf32>
      tpu.vector_store %arg12[%swap3A_86, %swap3A_87, %swap3A_88], %swap3A_91 {strides = array<i32>} : memref<2x1000x128xf32, #tpu.memory_space<vmem>>, vector<1x1000x128xf32>,
    } else {
    }
    return
  }
  func.func @transform_0(%arg0: i32) -> (i32, i32) {
    %min3A = arith.constant 9 : i32
    %min3A_0 = arith.minsi %arg0, %min3A : i32
    %c0_i32 = arith.constant 0 : i32
    %c0_i32_1 = arith.constant 0 : i32
    return %min3A_0, %c0_i32 : i32, i32
  }
  func.func @transform_1(%arg0: i32) -> (i32, i32) {
    %c0_i32 = arith.constant 0 : i32
    %c0_i32_0 = arith.constant 0 : i32
    return %arg0, %c0_i32 : i32, i32
  }
  func.func @transform_2(%arg0: i32) -> (i32, i32) {
    %c0_i32 = arith.constant 0 : i32
    %c0_i32_0 = arith.constant 0 : i32
    %c0_i32_1 = arith.constant 0 : i32
    return %c0_i32, %c0_i32_0 : i32, i32
  }
  func.func @transform_3(%arg0: i32) -> (i32, i32) {
    %c0_i32 = arith.constant 0 : i32
    %c0_i32_0 = arith.constant 0 : i32
    %c0_i32_1 = arith.constant 0 : i32
    return %c0_i32, %c0_i32_0 : i32, i32
  }
  func.func @transform_4(%arg0: i32) -> (i32, i32) {
    %c0_i32 = arith.constant 0 : i32
    %c0_i32_0 = arith.constant 0 : i32
    %c0_i32_1 = arith.constant 0 : i32
    return %c0_i32, %c0_i32_0 : i32, i32
  }
  func.func @transform_5(%arg0: i32) -> (i32, i32) {
    %c0_i32 = arith.constant 0 : i32
    %c0_i32_0 = arith.constant 0 : i32
    %c0_i32_1 = arith.constant 0 : i32
    return %c0_i32, %c0_i32_0 : i32, i32
  }
  func.func @transform_6(%arg0: i32) -> (i32, i32) {
    %c0_i32 = arith.constant 0 : i32
    %c0_i32_0 = arith.constant 0 : i32
    %c0_i32_1 = arith.constant 0 : i32
    return %c0_i32, %c0_i32_0 : i32, i32
  }
  func.func @transform_7(%arg0: i32) -> (i32, i32) {
    %c0_i32 = arith.constant 0 : i32
    %c0_i32_0 = arith.constant 0 : i32
    %c0_i32_1 = arith.constant 0 : i32
    return %c0_i32, %c0_i32_0 : i32, i32
  }
  func.func @transform_8(%arg0: i32) -> (i32, i32) {
    %c0_i32 = arith.constant 0 : i32
    %c0_i32_0 = arith.constant 0 : i32
    %c0_i32_1 = arith.constant 0 : i32
    return %c0_i32, %c0_i32_0 : i32, i32
  }
  func.func @transform_9(%arg0: i32) -> (i32, i32) {
    %c0_i32 = arith.constant 0 : i32
    %c0_i32_0 = arith.constant 0 : i32
    %c0_i32_1 = arith.constant 0 : i32
    return %c0_i32, %c0_i32_0 : i32, i32
  }
  func.func @transform_10(%arg0: i32) -> (i32, i32, i32) {
    %min3A = arith.constant 9 : i32
    %min3A_0 = arith.minsi %arg0, %min3A : i32
    %c0_i32 = arith.constant 0 : i32
    %c0_i32_1 = arith.constant 0 : i32
    %c0_i32_2 = arith.constant 0 : i32
    return %c0_i32, %min3A_0, %c0_i32_1 : i32, i32, i32
  }
  func.func @transform_11(%arg0: i32) -> (i32, i32, i32) {
    %min3A = arith.constant 9 : i32
    %min3A_0 = arith.minsi %arg0, %min3A : i32
    %c0_i32 = arith.constant 0 : i32
    %c0_i32_1 = arith.constant 0 : i32
    %c0_i32_2 = arith.constant 0 : i32
    return %c0_i32, %min3A_0, %c0_i32_1 : i32, i32, i32
  }
  func.func @transform_12(%arg0: i32) -> (i32, i32, i32) {
    %c0_i32 = arith.constant 0 : i32
    %c0_i32_0 = arith.constant 0 : i32
    %c0_i32_1 = arith.constant 0 : i32
    return %c0_i32, %arg0, %c0_i32_0 : i32, i32, i32
  }
}

module attributes {stable_mosaic.version = 14 : i64} {
  func.func @body(%arg0: i32, %arg1: memref<2x2000x64xf32, #tpu.memory_space<vmem>>, %arg2: memref<2000x1xf32, #tpu.memory_space<vmem>>, %arg3: memref<1000x128xf32, #tpu.memory_space<vmem>>, %arg4: memref<128x128xf32, #tpu.memory_space<vmem>>, %arg5: memref<1x128xf32, #tpu.memory_space<vmem>>, %arg6: memref<1000x1xf32, #tpu.memory_space<vmem>>, %arg7: memref<2x1000x128xf32, #tpu.memory_space<vmem>>, %arg8: memref<1x1xf32, #tpu.memory_space<vmem>>, %arg9: memref<1x2x2x64xf32, #tpu.memory_space<vmem>>, %arg10: memref<1000x128xf32, #tpu.memory_space<vmem>>, %arg11: memref<1x2x128xf32, #tpu.memory_space<vmem>>) attributes {dimension_semantics = [#tpu.dimension_semantics<arbitrary>], iteration_bounds = array<i64: 160>, scalar_prefetch = 0 : i64, scratch_operands = 0 : i64, tpu.core_type = #tpu.core_type<tc>, window_params = [{transform_indices = @transform_0, window_bounds = array<i64: 2, 2000, 64>}, {transform_indices = @transform_1, window_bounds = array<i64: 2000, 1>}, {transform_indices = @transform_2, window_bounds = array<i64: 1000, 128>}, {pipeline_mode = #tpu.pipeline_mode<synchronous>, transform_indices = @transform_3, window_bounds = array<i64: 128, 128>}, {pipeline_mode = #tpu.pipeline_mode<synchronous>, transform_indices = @transform_4, window_bounds = array<i64: 1, 128>}, {transform_indices = @transform_5, window_bounds = array<i64: 1000, 1>}, {transform_indices = @transform_6, window_bounds = array<i64: 2, 1000, 128>}, {pipeline_mode = #tpu.pipeline_mode<synchronous>, transform_indices = @transform_7, window_bounds = array<i64: 1, 1>}, {transform_indices = @transform_8, window_bounds = array<i64: 1, 2, 2, 64>}, {transform_indices = @transform_9, window_bounds = array<i64: 1000, 128>}, {transform_indices = @transform_10, window_bounds = array<i64: 1, 2, 128>}]} {
    %get3A = arith.constant 0 : index
    %get3A_0 = arith.constant 0 : index
    %get3A_1 = vector.load %arg2[%get3A, %get3A_0] : memref<2000x1xf32, #tpu.memory_space<vmem>>, vector<2000x1xf32>
    %get3A_2 = arith.constant 0 : index
    %get3A_3 = arith.constant 0 : index
    %get3A_4 = arith.constant 0 : index
    %get3A_5 = vector.load %arg1[%get3A_2, %get3A_3, %get3A_4] : memref<2x2000x64xf32, #tpu.memory_space<vmem>>, vector<1x2000x64xf32>
    %get3A_6 = vector.shape_cast %get3A_5 : vector<1x2000x64xf32> to vector<2000x64xf32>
    %mul3A = vector.broadcast %get3A_1 : vector<2000x1xf32> to vector<2000x64xf32>
    %mul3A_7 = arith.mulf %get3A_6, %mul3A : vector<2000x64xf32>
    %reduce_sum3A = arith.constant dense<0.000000e+00> : vector<64xf32>
    %reduce_sum3A_8 = vector.multi_reduction <add>, %mul3A_7, %reduce_sum3A [0] : vector<2000x64xf32> to vector<64xf32>
    %swap3A = arith.constant 0 : index
    %swap3A_9 = arith.constant 0 : index
    %swap3A_10 = arith.constant 0 : index
    %swap3A_11 = arith.constant 0 : index
    %swap3A_12 = vector.load %arg9[%swap3A, %swap3A_9, %swap3A_10, %swap3A_11] : memref<1x2x2x64xf32, #tpu.memory_space<vmem>>, vector<1x1x1x64xf32>
    %swap3A_13 = vector.shape_cast %swap3A_12 : vector<1x1x1x64xf32> to vector<64xf32>
    %swap3A_14 = vector.shape_cast %reduce_sum3A_8 : vector<64xf32> to vector<1x1x1x64xf32>
    tpu.vector_store %arg9[%swap3A, %swap3A_9, %swap3A_10, %swap3A_11], %swap3A_14 {strides = array<i32>} : memref<1x2x2x64xf32, #tpu.memory_space<vmem>>, vector<1x1x1x64xf32>,
    %mul3A_15 = arith.mulf %mul3A_7, %mul3A_7 : vector<2000x64xf32>
    %reduce_sum3A_16 = arith.constant dense<0.000000e+00> : vector<64xf32>
    %reduce_sum3A_17 = vector.multi_reduction <add>, %mul3A_15, %reduce_sum3A_16 [0] : vector<2000x64xf32> to vector<64xf32>
    %swap3A_18 = arith.constant 0 : index
    %swap3A_19 = arith.constant 0 : index
    %swap3A_20 = arith.constant 1 : index
    %swap3A_21 = arith.constant 0 : index
    %swap3A_22 = vector.load %arg9[%swap3A_18, %swap3A_19, %swap3A_20, %swap3A_21] : memref<1x2x2x64xf32, #tpu.memory_space<vmem>>, vector<1x1x1x64xf32>
    %swap3A_23 = vector.shape_cast %swap3A_22 : vector<1x1x1x64xf32> to vector<64xf32>
    %swap3A_24 = vector.shape_cast %reduce_sum3A_17 : vector<64xf32> to vector<1x1x1x64xf32>
    tpu.vector_store %arg9[%swap3A_18, %swap3A_19, %swap3A_20, %swap3A_21], %swap3A_24 {strides = array<i32>} : memref<1x2x2x64xf32, #tpu.memory_space<vmem>>, vector<1x1x1x64xf32>,
    %get3A_25 = arith.constant 1 : index
    %get3A_26 = arith.constant 0 : index
    %get3A_27 = arith.constant 0 : index
    %get3A_28 = vector.load %arg1[%get3A_25, %get3A_26, %get3A_27] : memref<2x2000x64xf32, #tpu.memory_space<vmem>>, vector<1x2000x64xf32>
    %get3A_29 = vector.shape_cast %get3A_28 : vector<1x2000x64xf32> to vector<2000x64xf32>
    %mul3A_30 = vector.broadcast %get3A_1 : vector<2000x1xf32> to vector<2000x64xf32>
    %mul3A_31 = arith.mulf %get3A_29, %mul3A_30 : vector<2000x64xf32>
    %reduce_sum3A_32 = arith.constant dense<0.000000e+00> : vector<64xf32>
    %reduce_sum3A_33 = vector.multi_reduction <add>, %mul3A_31, %reduce_sum3A_32 [0] : vector<2000x64xf32> to vector<64xf32>
    %swap3A_34 = arith.constant 0 : index
    %swap3A_35 = arith.constant 1 : index
    %swap3A_36 = arith.constant 0 : index
    %swap3A_37 = arith.constant 0 : index
    %swap3A_38 = vector.load %arg9[%swap3A_34, %swap3A_35, %swap3A_36, %swap3A_37] : memref<1x2x2x64xf32, #tpu.memory_space<vmem>>, vector<1x1x1x64xf32>
    %swap3A_39 = vector.shape_cast %swap3A_38 : vector<1x1x1x64xf32> to vector<64xf32>
    %swap3A_40 = vector.shape_cast %reduce_sum3A_33 : vector<64xf32> to vector<1x1x1x64xf32>
    tpu.vector_store %arg9[%swap3A_34, %swap3A_35, %swap3A_36, %swap3A_37], %swap3A_40 {strides = array<i32>} : memref<1x2x2x64xf32, #tpu.memory_space<vmem>>, vector<1x1x1x64xf32>,
    %mul3A_41 = arith.mulf %mul3A_31, %mul3A_31 : vector<2000x64xf32>
    %reduce_sum3A_42 = arith.constant dense<0.000000e+00> : vector<64xf32>
    %reduce_sum3A_43 = vector.multi_reduction <add>, %mul3A_41, %reduce_sum3A_42 [0] : vector<2000x64xf32> to vector<64xf32>
    %swap3A_44 = arith.constant 0 : index
    %swap3A_45 = arith.constant 1 : index
    %swap3A_46 = arith.constant 1 : index
    %swap3A_47 = arith.constant 0 : index
    %swap3A_48 = vector.load %arg9[%swap3A_44, %swap3A_45, %swap3A_46, %swap3A_47] : memref<1x2x2x64xf32, #tpu.memory_space<vmem>>, vector<1x1x1x64xf32>
    %swap3A_49 = vector.shape_cast %swap3A_48 : vector<1x1x1x64xf32> to vector<64xf32>
    %swap3A_50 = vector.shape_cast %reduce_sum3A_43 : vector<64xf32> to vector<1x1x1x64xf32>
    tpu.vector_store %arg9[%swap3A_44, %swap3A_45, %swap3A_46, %swap3A_47], %swap3A_50 {strides = array<i32>} : memref<1x2x2x64xf32, #tpu.memory_space<vmem>>, vector<1x1x1x64xf32>,
    %lt3A = arith.constant 10 : i32
    %lt3A_51 = arith.cmpi slt, %arg0, %lt3A : i32
    %convert_element_type3A = arith.extui %lt3A_51 : i1 to i32
    %cond3A = arith.constant 0 : i32
    %cond3A_52 = arith.cmpi ne, %convert_element_type3A, %cond3A : i32
    scf.if %cond3A_52 {
      %get3A_53 = arith.constant 0 : index
      %get3A_54 = arith.constant 0 : index
      %get3A_55 = vector.load %arg3[%get3A_53, %get3A_54] : memref<1000x128xf32, #tpu.memory_space<vmem>>, vector<1000x128xf32>
      %get3A_56 = arith.constant 0 : index
      %get3A_57 = arith.constant 0 : index
      %get3A_58 = vector.load %arg4[%get3A_56, %get3A_57] : memref<128x128xf32, #tpu.memory_space<vmem>>, vector<128x128xf32>
      %dot_general3A = arith.constant dense<0.000000e+00> : vector<1000x128xf32>
      %dot_general3A_59 = tpu.matmul %get3A_55, %get3A_58, %dot_general3A {dimension_numbers = #tpu.dot_dimension_numbers<[1], [0], [0], [1], [0, 0, 1, 1], [], []>, transpose_lhs_hint = false} : vector<1000x128xf32>, vector<128x128xf32>, vector<1000x128xf32> -> vector<1000x128xf32>
      %get3A_60 = arith.constant 0 : index
      %get3A_61 = arith.constant 0 : index
      %get3A_62 = vector.load %arg5[%get3A_60, %get3A_61] : memref<1x128xf32, #tpu.memory_space<vmem>>, vector<1x128xf32>
      %add3A = vector.broadcast %get3A_62 : vector<1x128xf32> to vector<1000x128xf32>
      %add3A_63 = arith.addf %dot_general3A_59, %add3A : vector<1000x128xf32>
      %get3A_64 = arith.constant 0 : index
      %get3A_65 = arith.constant 0 : index
      %get3A_66 = arith.constant 0 : index
      %get3A_67 = vector.load %arg7[%get3A_64, %get3A_65, %get3A_66] : memref<2x1000x128xf32, #tpu.memory_space<vmem>>, vector<1x1000x64xf32>
      %get3A_68 = vector.shape_cast %get3A_67 : vector<1x1000x64xf32> to vector<1000x64xf32>
      %get3A_69 = arith.constant 1 : index
      %get3A_70 = arith.constant 0 : index
      %get3A_71 = arith.constant 0 : index
      %get3A_72 = vector.load %arg7[%get3A_69, %get3A_70, %get3A_71] : memref<2x1000x128xf32, #tpu.memory_space<vmem>>, vector<1x1000x64xf32>
      %get3A_73 = vector.shape_cast %get3A_72 : vector<1x1000x64xf32> to vector<1000x64xf32>
      %concatenate3A = tpu.concatenate %get3A_68, %get3A_73 in 1 : vector<1000x64xf32>, vector<1000x64xf32> -> vector<1000x128xf32>
      %get3A_74 = arith.constant 0 : index
      %get3A_75 = arith.constant 0 : index
      %get3A_76 = arith.constant 64 : index
      %get3A_77 = vector.load %arg7[%get3A_74, %get3A_75, %get3A_76] : memref<2x1000x128xf32, #tpu.memory_space<vmem>>, vector<1x1000x64xf32>
      %get3A_78 = vector.shape_cast %get3A_77 : vector<1x1000x64xf32> to vector<1000x64xf32>
      %get3A_79 = arith.constant 1 : index
      %get3A_80 = arith.constant 0 : index
      %get3A_81 = arith.constant 64 : index
      %get3A_82 = vector.load %arg7[%get3A_79, %get3A_80, %get3A_81] : memref<2x1000x128xf32, #tpu.memory_space<vmem>>, vector<1x1000x64xf32>
      %get3A_83 = vector.shape_cast %get3A_82 : vector<1x1000x64xf32> to vector<1000x64xf32>
      %concatenate3A_84 = tpu.concatenate %get3A_78, %get3A_83 in 1 : vector<1000x64xf32>, vector<1000x64xf32> -> vector<1000x128xf32>
      %get3A_85 = arith.constant 0 : index
      %get3A_86 = arith.constant 0 : index
      %get3A_87 = vector.load %arg8[%get3A_85, %get3A_86] : memref<1x1xf32, #tpu.memory_space<vmem>>, vector<1x1xf32>
      %get3A_88 = vector.extract %get3A_87[0, 0] : f32 from vector<1x1xf32>
      %add3A_89 = vector.broadcast %get3A_88 : f32 to vector<1000x128xf32>
      %add3A_90 = arith.addf %concatenate3A, %add3A_89 : vector<1000x128xf32>
      %div3A = arith.divf %concatenate3A_84, %add3A_90 : vector<1000x128xf32>
      %add3A_91 = arith.addf %add3A_63, %div3A : vector<1000x128xf32>
      %slice3A = vector.extract_strided_slice %concatenate3A {offsets = [0, 0], sizes = [1000, 1], strides = [1, 1]} : vector<1000x128xf32> to vector<1000x1xf32>
      %gt3A = arith.constant 0.000000e+00 : f32
      %gt3A_92 = vector.broadcast %gt3A : f32 to vector<1000x1xf32>
      %gt3A_93 = arith.cmpf ogt, %slice3A, %gt3A_92 : vector<1000x1xf32>
      %broadcast_in_dim3A = vector.shape_cast %gt3A_93 : vector<1000x1xi1> to vector<1000x1xi1>
      %broadcast_in_dim3A_94 = vector.broadcast %broadcast_in_dim3A : vector<1000x1xi1> to vector<1000x128xi1>
      %select_n3A = arith.select %broadcast_in_dim3A_94, %add3A_91, %get3A_55 : vector<1000x128xi1>, vector<1000x128xf32>
      %get3A_95 = arith.constant 0 : index
      %get3A_96 = arith.constant 0 : index
      %get3A_97 = vector.load %arg6[%get3A_95, %get3A_96] : memref<1000x1xf32, #tpu.memory_space<vmem>>, vector<1000x1xf32>
      %mul3A_98 = vector.broadcast %get3A_97 : vector<1000x1xf32> to vector<1000x128xf32>
      %mul3A_99 = arith.mulf %select_n3A, %mul3A_98 : vector<1000x128xf32>
      %swap3A_100 = arith.constant 0 : index
      %swap3A_101 = arith.constant 0 : index
      %swap3A_102 = vector.load %arg10[%swap3A_100, %swap3A_101] : memref<1000x128xf32, #tpu.memory_space<vmem>>, vector<1000x128xf32>
      tpu.vector_store %arg10[%swap3A_100, %swap3A_101], %mul3A_99 {strides = array<i32>} : memref<1000x128xf32, #tpu.memory_space<vmem>>, vector<1000x128xf32>,
      %reduce_sum3A_103 = arith.constant dense<0.000000e+00> : vector<128xf32>
      %reduce_sum3A_104 = vector.multi_reduction <add>, %mul3A_99, %reduce_sum3A_103 [0] : vector<1000x128xf32> to vector<128xf32>
      %swap3A_105 = arith.constant 0 : index
      %swap3A_106 = arith.constant 0 : index
      %swap3A_107 = arith.constant 0 : index
      %swap3A_108 = vector.load %arg11[%swap3A_105, %swap3A_106, %swap3A_107] : memref<1x2x128xf32, #tpu.memory_space<vmem>>, vector<1x1x128xf32>
      %swap3A_109 = vector.shape_cast %swap3A_108 : vector<1x1x128xf32> to vector<128xf32>
      %swap3A_110 = vector.shape_cast %reduce_sum3A_104 : vector<128xf32> to vector<1x1x128xf32>
      tpu.vector_store %arg11[%swap3A_105, %swap3A_106, %swap3A_107], %swap3A_110 {strides = array<i32>} : memref<1x2x128xf32, #tpu.memory_space<vmem>>, vector<1x1x128xf32>,
      %mul3A_111 = arith.mulf %mul3A_99, %mul3A_99 : vector<1000x128xf32>
      %reduce_sum3A_112 = arith.constant dense<0.000000e+00> : vector<128xf32>
      %reduce_sum3A_113 = vector.multi_reduction <add>, %mul3A_111, %reduce_sum3A_112 [0] : vector<1000x128xf32> to vector<128xf32>
      %swap3A_114 = arith.constant 0 : index
      %swap3A_115 = arith.constant 1 : index
      %swap3A_116 = arith.constant 0 : index
      %swap3A_117 = vector.load %arg11[%swap3A_114, %swap3A_115, %swap3A_116] : memref<1x2x128xf32, #tpu.memory_space<vmem>>, vector<1x1x128xf32>
      %swap3A_118 = vector.shape_cast %swap3A_117 : vector<1x1x128xf32> to vector<128xf32>
      %swap3A_119 = vector.shape_cast %reduce_sum3A_113 : vector<128xf32> to vector<1x1x128xf32>
      tpu.vector_store %arg11[%swap3A_114, %swap3A_115, %swap3A_116], %swap3A_119 {strides = array<i32>} : memref<1x2x128xf32, #tpu.memory_space<vmem>>, vector<1x1x128xf32>,
    } else {
    }
    return
  }
  func.func @transform_0(%arg0: i32) -> (i32, i32, i32) {
    %c0_i32 = arith.constant 0 : i32
    %c0_i32_0 = arith.constant 0 : i32
    %c0_i32_1 = arith.constant 0 : i32
    return %c0_i32, %arg0, %c0_i32_0 : i32, i32, i32
  }
  func.func @transform_1(%arg0: i32) -> (i32, i32) {
    %c0_i32 = arith.constant 0 : i32
    %c0_i32_0 = arith.constant 0 : i32
    return %arg0, %c0_i32 : i32, i32
  }
  func.func @transform_2(%arg0: i32) -> (i32, i32) {
    %min3A = arith.constant 9 : i32
    %min3A_0 = arith.minsi %arg0, %min3A : i32
    %c0_i32 = arith.constant 0 : i32
    %c0_i32_1 = arith.constant 0 : i32
    return %min3A_0, %c0_i32 : i32, i32
  }
  func.func @transform_3(%arg0: i32) -> (i32, i32) {
    %c0_i32 = arith.constant 0 : i32
    %c0_i32_0 = arith.constant 0 : i32
    %c0_i32_1 = arith.constant 0 : i32
    return %c0_i32, %c0_i32_0 : i32, i32
  }
  func.func @transform_4(%arg0: i32) -> (i32, i32) {
    %c0_i32 = arith.constant 0 : i32
    %c0_i32_0 = arith.constant 0 : i32
    %c0_i32_1 = arith.constant 0 : i32
    return %c0_i32, %c0_i32_0 : i32, i32
  }
  func.func @transform_5(%arg0: i32) -> (i32, i32) {
    %min3A = arith.constant 9 : i32
    %min3A_0 = arith.minsi %arg0, %min3A : i32
    %c0_i32 = arith.constant 0 : i32
    %c0_i32_1 = arith.constant 0 : i32
    return %min3A_0, %c0_i32 : i32, i32
  }
  func.func @transform_6(%arg0: i32) -> (i32, i32, i32) {
    %min3A = arith.constant 9 : i32
    %min3A_0 = arith.minsi %arg0, %min3A : i32
    %c0_i32 = arith.constant 0 : i32
    %c0_i32_1 = arith.constant 0 : i32
    %c0_i32_2 = arith.constant 0 : i32
    return %c0_i32, %min3A_0, %c0_i32_1 : i32, i32, i32
  }
  func.func @transform_7(%arg0: i32) -> (i32, i32) {
    %c0_i32 = arith.constant 0 : i32
    %c0_i32_0 = arith.constant 0 : i32
    %c0_i32_1 = arith.constant 0 : i32
    return %c0_i32, %c0_i32_0 : i32, i32
  }
  func.func @transform_8(%arg0: i32) -> (i32, i32, i32, i32) {
    %c0_i32 = arith.constant 0 : i32
    %c0_i32_0 = arith.constant 0 : i32
    %c0_i32_1 = arith.constant 0 : i32
    %c0_i32_2 = arith.constant 0 : i32
    return %arg0, %c0_i32, %c0_i32_0, %c0_i32_1 : i32, i32, i32, i32
  }
  func.func @transform_9(%arg0: i32) -> (i32, i32) {
    %min3A = arith.constant 9 : i32
    %min3A_0 = arith.minsi %arg0, %min3A : i32
    %c0_i32 = arith.constant 0 : i32
    %c0_i32_1 = arith.constant 0 : i32
    return %min3A_0, %c0_i32 : i32, i32
  }
  func.func @transform_10(%arg0: i32) -> (i32, i32, i32) {
    %min3A = arith.constant 9 : i32
    %min3A_0 = arith.minsi %arg0, %min3A : i32
    %c0_i32 = arith.constant 0 : i32
    %c0_i32_1 = arith.constant 0 : i32
    %c0_i32_2 = arith.constant 0 : i32
    return %min3A_0, %c0_i32, %c0_i32_1 : i32, i32, i32
  }
}

module attributes {stable_mosaic.version = 14 : i64} {
  func.func @body(%arg0: i32, %arg1: memref<2x2000x64xf32, #tpu.memory_space<vmem>>, %arg2: memref<2000x128xf32, #tpu.memory_space<vmem>>, %arg3: memref<2000x1xf32, #tpu.memory_space<vmem>>, %arg4: memref<160x2x2x64xf32, #tpu.memory_space<vmem>>, %arg5: memref<1x128xf32, #tpu.memory_space<vmem>>, %arg6: memref<1x128xf32, #tpu.memory_space<vmem>>, %arg7: memref<1000x128xf32, #tpu.memory_space<vmem>>, %arg8: memref<1000x128xf32, #tpu.memory_space<vmem>>, %arg9: memref<10x2x128xf32, #tpu.memory_space<vmem>>, %arg10: memref<1x128xf32, #tpu.memory_space<vmem>>, %arg11: memref<1x128xf32, #tpu.memory_space<vmem>>, %arg12: memref<2000x128xf32, #tpu.memory_space<vmem>>, %arg13: memref<1000x128xf32, #tpu.memory_space<vmem>>) attributes {dimension_semantics = [#tpu.dimension_semantics<arbitrary>], iteration_bounds = array<i64: 160>, scalar_prefetch = 0 : i64, scratch_operands = 0 : i64, tpu.core_type = #tpu.core_type<tc>, window_params = [{transform_indices = @transform_0, window_bounds = array<i64: 2, 2000, 64>}, {transform_indices = @transform_1, window_bounds = array<i64: 2000, 128>}, {transform_indices = @transform_2, window_bounds = array<i64: 2000, 1>}, {pipeline_mode = #tpu.pipeline_mode<synchronous>, transform_indices = @transform_3, window_bounds = array<i64: 160, 2, 2, 64>}, {pipeline_mode = #tpu.pipeline_mode<synchronous>, transform_indices = @transform_4, window_bounds = array<i64: 1, 128>}, {pipeline_mode = #tpu.pipeline_mode<synchronous>, transform_indices = @transform_5, window_bounds = array<i64: 1, 128>}, {transform_indices = @transform_6, window_bounds = array<i64: 1000, 128>}, {transform_indices = @transform_7, window_bounds = array<i64: 1000, 128>}, {pipeline_mode = #tpu.pipeline_mode<synchronous>, transform_indices = @transform_8, window_bounds = array<i64: 10, 2, 128>}, {pipeline_mode = #tpu.pipeline_mode<synchronous>, transform_indices = @transform_9, window_bounds = array<i64: 1, 128>}, {pipeline_mode = #tpu.pipeline_mode<synchronous>, transform_indices = @transform_10, window_bounds = array<i64: 1, 128>}, {transform_indices = @transform_11, window_bounds = array<i64: 2000, 128>}, {transform_indices = @transform_12, window_bounds = array<i64: 1000, 128>}]} {
    %get3A = arith.constant 0 : index
    %get3A_0 = arith.constant 0 : index
    %get3A_1 = arith.constant 0 : index
    %get3A_2 = arith.constant 0 : index
    %get3A_3 = vector.load %arg4[%get3A, %get3A_0, %get3A_1, %get3A_2] : memref<160x2x2x64xf32, #tpu.memory_space<vmem>>, vector<160x2x2x64xf32>
    %slice3A = vector.extract_strided_slice %get3A_3 {offsets = [0, 0, 0, 0], sizes = [160, 1, 1, 64], strides = [1, 1, 1, 1]} : vector<160x2x2x64xf32> to vector<160x1x1x64xf32>
    %squeeze3A = vector.shape_cast %slice3A : vector<160x1x1x64xf32> to vector<160x64xf32>
    %reduce_sum3A = arith.constant dense<0.000000e+00> : vector<64xf32>
    %reduce_sum3A_4 = vector.multi_reduction <add>, %squeeze3A, %reduce_sum3A [0] : vector<160x64xf32> to vector<64xf32>
    %slice3A_5 = vector.extract_strided_slice %get3A_3 {offsets = [0, 1, 0, 0], sizes = [160, 1, 1, 64], strides = [1, 1, 1, 1]} : vector<160x2x2x64xf32> to vector<160x1x1x64xf32>
    %squeeze3A_6 = vector.shape_cast %slice3A_5 : vector<160x1x1x64xf32> to vector<160x64xf32>
    %reduce_sum3A_7 = arith.constant dense<0.000000e+00> : vector<64xf32>
    %reduce_sum3A_8 = vector.multi_reduction <add>, %squeeze3A_6, %reduce_sum3A_7 [0] : vector<160x64xf32> to vector<64xf32>
    %concatenate3A = tpu.concatenate %reduce_sum3A_4, %reduce_sum3A_8 in 0 : vector<64xf32>, vector<64xf32> -> vector<128xf32>
    %slice3A_9 = vector.extract_strided_slice %get3A_3 {offsets = [0, 0, 1, 0], sizes = [160, 1, 1, 64], strides = [1, 1, 1, 1]} : vector<160x2x2x64xf32> to vector<160x1x1x64xf32>
    %squeeze3A_10 = vector.shape_cast %slice3A_9 : vector<160x1x1x64xf32> to vector<160x64xf32>
    %reduce_sum3A_11 = arith.constant dense<0.000000e+00> : vector<64xf32>
    %reduce_sum3A_12 = vector.multi_reduction <add>, %squeeze3A_10, %reduce_sum3A_11 [0] : vector<160x64xf32> to vector<64xf32>
    %slice3A_13 = vector.extract_strided_slice %get3A_3 {offsets = [0, 1, 1, 0], sizes = [160, 1, 1, 64], strides = [1, 1, 1, 1]} : vector<160x2x2x64xf32> to vector<160x1x1x64xf32>
    %squeeze3A_14 = vector.shape_cast %slice3A_13 : vector<160x1x1x64xf32> to vector<160x64xf32>
    %reduce_sum3A_15 = arith.constant dense<0.000000e+00> : vector<64xf32>
    %reduce_sum3A_16 = vector.multi_reduction <add>, %squeeze3A_14, %reduce_sum3A_15 [0] : vector<160x64xf32> to vector<64xf32>
    %concatenate3A_17 = tpu.concatenate %reduce_sum3A_12, %reduce_sum3A_16 in 0 : vector<64xf32>, vector<64xf32> -> vector<128xf32>
    %mul3A = arith.constant 3.125000e-06 : f32
    %mul3A_18 = vector.broadcast %mul3A : f32 to vector<128xf32>
    %mul3A_19 = arith.mulf %concatenate3A, %mul3A_18 : vector<128xf32>
    %mul3A_20 = arith.constant 3.125000e-06 : f32
    %mul3A_21 = vector.broadcast %mul3A_20 : f32 to vector<128xf32>
    %mul3A_22 = arith.mulf %concatenate3A_17, %mul3A_21 : vector<128xf32>
    %mul3A_23 = arith.mulf %mul3A_19, %mul3A_19 : vector<128xf32>
    %sub3A = arith.subf %mul3A_22, %mul3A_23 : vector<128xf32>
    %add3A = arith.constant 9.99999974E-6 : f32
    %add3A_24 = vector.broadcast %add3A : f32 to vector<128xf32>
    %add3A_25 = arith.addf %sub3A, %add3A_24 : vector<128xf32>
    %rsqrt3A = math.rsqrt %add3A_25 : vector<128xf32>
    %get3A_26 = arith.constant 0 : index
    %get3A_27 = arith.constant 0 : index
    %get3A_28 = arith.constant 0 : index
    %get3A_29 = vector.load %arg1[%get3A_26, %get3A_27, %get3A_28] : memref<2x2000x64xf32, #tpu.memory_space<vmem>>, vector<1x2000x64xf32>
    %get3A_30 = vector.shape_cast %get3A_29 : vector<1x2000x64xf32> to vector<2000x64xf32>
    %get3A_31 = arith.constant 1 : index
    %get3A_32 = arith.constant 0 : index
    %get3A_33 = arith.constant 0 : index
    %get3A_34 = vector.load %arg1[%get3A_31, %get3A_32, %get3A_33] : memref<2x2000x64xf32, #tpu.memory_space<vmem>>, vector<1x2000x64xf32>
    %get3A_35 = vector.shape_cast %get3A_34 : vector<1x2000x64xf32> to vector<2000x64xf32>
    %concatenate3A_36 = tpu.concatenate %get3A_30, %get3A_35 in 1 : vector<2000x64xf32>, vector<2000x64xf32> -> vector<2000x128xf32>
    %get3A_37 = arith.constant 0 : index
    %get3A_38 = arith.constant 0 : index
    %get3A_39 = vector.load %arg3[%get3A_37, %get3A_38] : memref<2000x1xf32, #tpu.memory_space<vmem>>, vector<2000x1xf32>
    %mul3A_40 = vector.broadcast %get3A_39 : vector<2000x1xf32> to vector<2000x128xf32>
    %mul3A_41 = arith.mulf %concatenate3A_36, %mul3A_40 : vector<2000x128xf32>
    %broadcast_in_dim3A = vector.shape_cast %mul3A_19 : vector<128xf32> to vector<1x128xf32>
    %sub3A_42 = vector.broadcast %broadcast_in_dim3A : vector<1x128xf32> to vector<2000x128xf32>
    %sub3A_43 = arith.subf %mul3A_41, %sub3A_42 : vector<2000x128xf32>
    %broadcast_in_dim3A_44 = vector.shape_cast %rsqrt3A : vector<128xf32> to vector<1x128xf32>
    %mul3A_45 = vector.broadcast %broadcast_in_dim3A_44 : vector<1x128xf32> to vector<2000x128xf32>
    %mul3A_46 = arith.mulf %sub3A_43, %mul3A_45 : vector<2000x128xf32>
    %get3A_47 = arith.constant 0 : index
    %get3A_48 = arith.constant 0 : index
    %get3A_49 = vector.load %arg5[%get3A_47, %get3A_48] : memref<1x128xf32, #tpu.memory_space<vmem>>, vector<1x128xf32>
    %mul3A_50 = vector.broadcast %get3A_49 : vector<1x128xf32> to vector<2000x128xf32>
    %mul3A_51 = arith.mulf %mul3A_46, %mul3A_50 : vector<2000x128xf32>
    %get3A_52 = arith.constant 0 : index
    %get3A_53 = arith.constant 0 : index
    %get3A_54 = vector.load %arg6[%get3A_52, %get3A_53] : memref<1x128xf32, #tpu.memory_space<vmem>>, vector<1x128xf32>
    %add3A_55 = vector.broadcast %get3A_54 : vector<1x128xf32> to vector<2000x128xf32>
    %add3A_56 = arith.addf %mul3A_51, %add3A_55 : vector<2000x128xf32>
    %get3A_57 = arith.constant 0 : index
    %get3A_58 = arith.constant 0 : index
    %get3A_59 = vector.load %arg2[%get3A_57, %get3A_58] : memref<2000x128xf32, #tpu.memory_space<vmem>>, vector<2000x128xf32>
    %max3A = arith.constant 0.000000e+00 : f32
    %max3A_60 = vector.broadcast %max3A : f32 to vector<2000x128xf32>
    %max3A_61 = arith.maximumf %add3A_56, %max3A_60 : vector<2000x128xf32>
    %add3A_62 = arith.addf %get3A_59, %max3A_61 : vector<2000x128xf32>
    %swap3A = arith.constant 0 : index
    %swap3A_63 = arith.constant 0 : index
    %swap3A_64 = vector.load %arg12[%swap3A, %swap3A_63] : memref<2000x128xf32, #tpu.memory_space<vmem>>, vector<2000x128xf32>
    tpu.vector_store %arg12[%swap3A, %swap3A_63], %add3A_62 {strides = array<i32>} : memref<2000x128xf32, #tpu.memory_space<vmem>>, vector<2000x128xf32>,
    %lt3A = arith.constant 10 : i32
    %lt3A_65 = arith.cmpi slt, %arg0, %lt3A : i32
    %convert_element_type3A = arith.extui %lt3A_65 : i1 to i32
    %cond3A = arith.constant 0 : i32
    %cond3A_66 = arith.cmpi ne, %convert_element_type3A, %cond3A : i32
    scf.if %cond3A_66 {
      %get3A_67 = arith.constant 0 : index
      %get3A_68 = arith.constant 0 : index
      %get3A_69 = arith.constant 0 : index
      %get3A_70 = vector.load %arg9[%get3A_67, %get3A_68, %get3A_69] : memref<10x2x128xf32, #tpu.memory_space<vmem>>, vector<10x2x128xf32>
      %slice3A_71 = vector.extract_strided_slice %get3A_70 {offsets = [0, 0, 0], sizes = [10, 1, 128], strides = [1, 1, 1]} : vector<10x2x128xf32> to vector<10x1x128xf32>
      %squeeze3A_72 = vector.shape_cast %slice3A_71 : vector<10x1x128xf32> to vector<10x128xf32>
      %reduce_sum3A_73 = arith.constant dense<0.000000e+00> : vector<128xf32>
      %reduce_sum3A_74 = vector.multi_reduction <add>, %squeeze3A_72, %reduce_sum3A_73 [0] : vector<10x128xf32> to vector<128xf32>
      %mul3A_75 = arith.constant 9.99999974E-5 : f32
      %mul3A_76 = vector.broadcast %mul3A_75 : f32 to vector<128xf32>
      %mul3A_77 = arith.mulf %reduce_sum3A_74, %mul3A_76 : vector<128xf32>
      %slice3A_78 = vector.extract_strided_slice %get3A_70 {offsets = [0, 1, 0], sizes = [10, 1, 128], strides = [1, 1, 1]} : vector<10x2x128xf32> to vector<10x1x128xf32>
      %squeeze3A_79 = vector.shape_cast %slice3A_78 : vector<10x1x128xf32> to vector<10x128xf32>
      %reduce_sum3A_80 = arith.constant dense<0.000000e+00> : vector<128xf32>
      %reduce_sum3A_81 = vector.multi_reduction <add>, %squeeze3A_79, %reduce_sum3A_80 [0] : vector<10x128xf32> to vector<128xf32>
      %mul3A_82 = arith.constant 9.99999974E-5 : f32
      %mul3A_83 = vector.broadcast %mul3A_82 : f32 to vector<128xf32>
      %mul3A_84 = arith.mulf %reduce_sum3A_81, %mul3A_83 : vector<128xf32>
      %mul3A_85 = arith.mulf %mul3A_77, %mul3A_77 : vector<128xf32>
      %sub3A_86 = arith.subf %mul3A_84, %mul3A_85 : vector<128xf32>
      %add3A_87 = arith.constant 9.99999974E-6 : f32
      %add3A_88 = vector.broadcast %add3A_87 : f32 to vector<128xf32>
      %add3A_89 = arith.addf %sub3A_86, %add3A_88 : vector<128xf32>
      %rsqrt3A_90 = math.rsqrt %add3A_89 : vector<128xf32>
      %get3A_91 = arith.constant 0 : index
      %get3A_92 = arith.constant 0 : index
      %get3A_93 = vector.load %arg7[%get3A_91, %get3A_92] : memref<1000x128xf32, #tpu.memory_space<vmem>>, vector<1000x128xf32>
      %broadcast_in_dim3A_94 = vector.shape_cast %mul3A_77 : vector<128xf32> to vector<1x128xf32>
      %sub3A_95 = vector.broadcast %broadcast_in_dim3A_94 : vector<1x128xf32> to vector<1000x128xf32>
      %sub3A_96 = arith.subf %get3A_93, %sub3A_95 : vector<1000x128xf32>
      %broadcast_in_dim3A_97 = vector.shape_cast %rsqrt3A_90 : vector<128xf32> to vector<1x128xf32>
      %mul3A_98 = vector.broadcast %broadcast_in_dim3A_97 : vector<1x128xf32> to vector<1000x128xf32>
      %mul3A_99 = arith.mulf %sub3A_96, %mul3A_98 : vector<1000x128xf32>
      %get3A_100 = arith.constant 0 : index
      %get3A_101 = arith.constant 0 : index
      %get3A_102 = vector.load %arg10[%get3A_100, %get3A_101] : memref<1x128xf32, #tpu.memory_space<vmem>>, vector<1x128xf32>
      %mul3A_103 = vector.broadcast %get3A_102 : vector<1x128xf32> to vector<1000x128xf32>
      %mul3A_104 = arith.mulf %mul3A_99, %mul3A_103 : vector<1000x128xf32>
      %get3A_105 = arith.constant 0 : index
      %get3A_106 = arith.constant 0 : index
      %get3A_107 = vector.load %arg11[%get3A_105, %get3A_106] : memref<1x128xf32, #tpu.memory_space<vmem>>, vector<1x128xf32>
      %add3A_108 = vector.broadcast %get3A_107 : vector<1x128xf32> to vector<1000x128xf32>
      %add3A_109 = arith.addf %mul3A_104, %add3A_108 : vector<1000x128xf32>
      %get3A_110 = arith.constant 0 : index
      %get3A_111 = arith.constant 0 : index
      %get3A_112 = vector.load %arg8[%get3A_110, %get3A_111] : memref<1000x128xf32, #tpu.memory_space<vmem>>, vector<1000x128xf32>
      %max3A_113 = arith.constant 0.000000e+00 : f32
      %max3A_114 = vector.broadcast %max3A_113 : f32 to vector<1000x128xf32>
      %max3A_115 = arith.maximumf %add3A_109, %max3A_114 : vector<1000x128xf32>
      %add3A_116 = arith.addf %get3A_112, %max3A_115 : vector<1000x128xf32>
      %swap3A_117 = arith.constant 0 : index
      %swap3A_118 = arith.constant 0 : index
      %swap3A_119 = vector.load %arg13[%swap3A_117, %swap3A_118] : memref<1000x128xf32, #tpu.memory_space<vmem>>, vector<1000x128xf32>
      tpu.vector_store %arg13[%swap3A_117, %swap3A_118], %add3A_116 {strides = array<i32>} : memref<1000x128xf32, #tpu.memory_space<vmem>>, vector<1000x128xf32>,
    } else {
    }
    return
  }
  func.func @transform_0(%arg0: i32) -> (i32, i32, i32) {
    %c0_i32 = arith.constant 0 : i32
    %c0_i32_0 = arith.constant 0 : i32
    %c0_i32_1 = arith.constant 0 : i32
    return %c0_i32, %arg0, %c0_i32_0 : i32, i32, i32
  }
  func.func @transform_1(%arg0: i32) -> (i32, i32) {
    %c0_i32 = arith.constant 0 : i32
    %c0_i32_0 = arith.constant 0 : i32
    return %arg0, %c0_i32 : i32, i32
  }
  func.func @transform_2(%arg0: i32) -> (i32, i32) {
    %c0_i32 = arith.constant 0 : i32
    %c0_i32_0 = arith.constant 0 : i32
    return %arg0, %c0_i32 : i32, i32
  }
  func.func @transform_3(%arg0: i32) -> (i32, i32, i32, i32) {
    %c0_i32 = arith.constant 0 : i32
    %c0_i32_0 = arith.constant 0 : i32
    %c0_i32_1 = arith.constant 0 : i32
    %c0_i32_2 = arith.constant 0 : i32
    %c0_i32_3 = arith.constant 0 : i32
    return %c0_i32, %c0_i32_0, %c0_i32_1, %c0_i32_2 : i32, i32, i32, i32
  }
  func.func @transform_4(%arg0: i32) -> (i32, i32) {
    %c0_i32 = arith.constant 0 : i32
    %c0_i32_0 = arith.constant 0 : i32
    %c0_i32_1 = arith.constant 0 : i32
    return %c0_i32, %c0_i32_0 : i32, i32
  }
  func.func @transform_5(%arg0: i32) -> (i32, i32) {
    %c0_i32 = arith.constant 0 : i32
    %c0_i32_0 = arith.constant 0 : i32
    %c0_i32_1 = arith.constant 0 : i32
    return %c0_i32, %c0_i32_0 : i32, i32
  }
  func.func @transform_6(%arg0: i32) -> (i32, i32) {
    %min3A = arith.constant 9 : i32
    %min3A_0 = arith.minsi %arg0, %min3A : i32
    %c0_i32 = arith.constant 0 : i32
    %c0_i32_1 = arith.constant 0 : i32
    return %min3A_0, %c0_i32 : i32, i32
  }
  func.func @transform_7(%arg0: i32) -> (i32, i32) {
    %min3A = arith.constant 9 : i32
    %min3A_0 = arith.minsi %arg0, %min3A : i32
    %c0_i32 = arith.constant 0 : i32
    %c0_i32_1 = arith.constant 0 : i32
    return %min3A_0, %c0_i32 : i32, i32
  }
  func.func @transform_8(%arg0: i32) -> (i32, i32, i32) {
    %c0_i32 = arith.constant 0 : i32
    %c0_i32_0 = arith.constant 0 : i32
    %c0_i32_1 = arith.constant 0 : i32
    %c0_i32_2 = arith.constant 0 : i32
    return %c0_i32, %c0_i32_0, %c0_i32_1 : i32, i32, i32
  }
  func.func @transform_9(%arg0: i32) -> (i32, i32) {
    %c0_i32 = arith.constant 0 : i32
    %c0_i32_0 = arith.constant 0 : i32
    %c0_i32_1 = arith.constant 0 : i32
    return %c0_i32, %c0_i32_0 : i32, i32
  }
  func.func @transform_10(%arg0: i32) -> (i32, i32) {
    %c0_i32 = arith.constant 0 : i32
    %c0_i32_0 = arith.constant 0 : i32
    %c0_i32_1 = arith.constant 0 : i32
    return %c0_i32, %c0_i32_0 : i32, i32
  }
  func.func @transform_11(%arg0: i32) -> (i32, i32) {
    %c0_i32 = arith.constant 0 : i32
    %c0_i32_0 = arith.constant 0 : i32
    return %arg0, %c0_i32 : i32, i32
  }
  func.func @transform_12(%arg0: i32) -> (i32, i32) {
    %min3A = arith.constant 9 : i32
    %min3A_0 = arith.minsi %arg0, %min3A : i32
    %c0_i32 = arith.constant 0 : i32
    %c0_i32_1 = arith.constant 0 : i32
    return %min3A_0, %c0_i32 : i32, i32
  }
}

</mosaic_0001>

<sc_bundles>
// kernel: kernel.6.cloned.1.call-start
scs
__scs_entry_jumppad:
0x0: {  	(pc) =	sbr.rel $0x88, $3  }
0x1: {  	(tag) =	ssettag $0x0;
	lr =	simm.s32 $0x1  }
0x2: {  	[smem:$0x3F8D] =	sst lr;
	_ =	strace $0xD0000000  }
0x3: {  	_ = 	snop  }
0x4: {  	_ = 	snop  }
0x5: {  	_ = 	snop  }
0x6: {  	_ = 	snop  }
0x7: {  	_ = 	snop  }
__scs_overlays_trampoline_lowered:
0x8: {  	[smem:$0x3F9C] =	sst s0  }
0x9: {  	[smem:$0x3F9D] =	sst s1  }
0xa: {  	[smem:$0x3F9E] =	sst s2  }
0xb: {  	[smem:$0x3F9F] =	sst s3  }
0xc: {  	[smem:$0x3FA0] =	sst s4  }
0xd: {  	[smem:$0x3FA1] =	sst s5  }
0xe: {  	[smem:$0x3FA2] =	sst s6  }
0xf: {  	[smem:$0x3FA3] =	sst s7  }
0x10: {  	[smem:$0x3FA4] =	sst s8  }
0x11: {  	[smem:$0x3FA5] =	sst s9;
	s0 =	simm.s32 @!p0 $0x0  }
0x12: {  	s1 =	sld [smem:$0x3F8B];
	s0 =	simm.s32 @p0 $0x1  }
0x13: {  	[smem:$0x3FA6] =	sst s0;
	s0 =	simm.s32 @!p1 $0x0  }
0x14: {  	s2 =	sld [smem:$0x3F8A];
	s0 =	simm.s32 @p1 $0x1  }
0x15: {  	[smem:$0x3FA7] =	sst s0;
	s0 =	simm.s32 @!p2 $0x0  }
0x16: {  	s3 =	sld [smem:$0x3FDB];
	s0 =	simm.s32 @p2 $0x1  }
0x17: {  	s4 =	simm.s32 $0x1BF5;
	[smem:$0x3FA9] =	sst s0  }
0x18: {  	s0 =	sld [smem:$0x3F8C];
	_ =	swait.ge [sflag:s4], $0x0  }
0x19: {  	s7 =	sld [smem:$0x3F8D]  }
0x1a: {  	s8 =	sadd.s32 $0xFFFFE003, lr  }
0x1b: {  	s9 =	sadd.s32 $0xFFFFFEF7, lr;
	s5 =	simm.s32 $0xFFFFFFFF;
	p2 =	slt.u32 s8, $0xFFFFF086  }
0x1c: {  	p1 =	slt.u32 s9, $0xF7A;
	s5 =	simm.s32 @!p2 $0x0  }
0x1d: {  	s5 =	simm.s32 @p1 $0x1;
	p0 =	seq.s32 s7, s2  }
0x1e: {  	s7 =	smul.u32 @!p0 $0xF7A, s2;
	p2 =	seq.s32 @!p0 s5, $0x0  }
0x1f: {  	s9 =	smul.u32 $0xF7A, s1;
	s8 =	simm.s32 @!p0 $0x1BF5;
	p2 =	por !p2, p0  }
0x20: {  	[sflag:s8] =	ssyncset.s32 @!p0 $0xFFFFF086;
	s6 =	sadd.s32 @!p0 s3, s7;
	s7 =	simm.s32 @!p0 $0x108  }
0x21: {  	s3 =	sadd.s32 s3, s9;
	s6 =	sadd.s32 @!p0 $0x88, s6;
	s7 =	simm.s32 @p2 $0x1082  }
0x22: {  	[simem:s7], [sflag:s8] =	dma.local @!p0 [hbm:s6], $0xF7A  }
0x23: {  	s9 =	sor.u32 $0xD0000000, s2;
	s6 =	simm.s32 $0x108;
	_ =	swait.ge @!p0 [sflag:s8], $0x0  }
0x24: {  	s3 =	sadd.s32 $0x88, s3;
	s6 =	simm.s32 @!p1 $0x1082;
	[sflag:s4] =	ssyncset.s32 $0xFFFFF086  }
0x25: {  	[simem:s6], [sflag:s4] =	dma.local [hbm:s3], $0xF7A  }
0x26: {  	[smem:$0x3F8D] =	sst s1;
	(tag) =	ssettag s2;
	_ =	strace s9  }
0x27: {  	s1 =	sld [smem:$0x3F9D]  }
0x28: {  	s2 =	sld [smem:$0x3F9E]  }
0x29: {  	s4 =	sld [smem:$0x3FA0]  }
0x2a: {  	p0 =	seq.s32 s5, $0x0;
	s5 =	sld [smem:$0x3FA1]  }
0x2b: {  	s6 =	sld [smem:$0x3FA2]  }
0x2c: {  	s7 =	sld [smem:$0x3FA3]  }
0x2d: {  	s3 =	simm.s32 $0x108;
	s8 =	sld [smem:$0x3FA4]  }
0x2e: {  	s3 =	simm.s32 @!p0 $0x1082;
	s9 =	sld [smem:$0x3FA5]  }
0x2f: {  	lr =	sadd.s32 s0, s3;
	s0 =	sld [smem:$0x3F9C]  }
0x30: {  	s3 =	sld [smem:$0x3F9F]  }
0x31: {  	[smem:$0x3FA8] =	sst s10  }
0x32: {  	s10 =	sld [smem:$0x3FA6];
	_ =	sdelay $0x3  }
0x33: {  	p0 =	seq.s32 s10, $0x1;
	s10 =	sld [smem:$0x3FA8];
	_ =	sdelay $0x3  }
0x34: {  	[smem:$0x3FA8] =	sst s10  }
0x35: {  	s10 =	sld [smem:$0x3FA7];
	_ =	sdelay $0x3  }
0x36: {  	p1 =	seq.s32 s10, $0x1;
	s10 =	sld [smem:$0x3FA8];
	_ =	sdelay $0x3  }
0x37: {  	[smem:$0x3FA8] =	sst s10  }
0x38: {  	s10 =	sld [smem:$0x3FA9]  }
0x39: {  	_ = 	snop;
	(pc) =	sbr.ind lr, $3  }
0x3a: {  	_ = 	snop  }
0x3b: {  	_ = 	snop  }
0x3c: {  	p2 =	seq.s32 s10, $0x1;
	s10 =	sld [smem:$0x3FA8]  }
0x3d: {  	_ =	shalt  }
0x3e: {  	_ =	shalt  }
0x3f: {  	_ =	shalt  }
0x40: {  	_ =	shalt  }
0x41: {  	_ =	shalt  }
0x42: {  	_ =	shalt  }
0x43: {  	_ =	shalt  }
0x44: {  	_ =	shalt  }
0x45: {  	_ =	shalt  }
0x46: {  	_ =	shalt  }
0x47: {  	_ =	shalt  }
0x48: {  	_ =	shalt  }
0x49: {  	_ =	shalt  }
0x4a: {  	_ =	shalt  }
0x4b: {  	_ =	shalt  }
0x4c: {  	_ =	shalt  }
0x4d: {  	_ =	shalt  }
0x4e: {  	_ =	shalt  }
0x4f: {  	_ =	shalt  }
0x50: {  	_ =	shalt  }
0x51: {  	_ =	shalt  }
0x52: {  	_ =	shalt  }
0x53: {  	_ =	shalt  }
0x54: {  	_ =	shalt  }
0x55: {  	_ =	shalt  }
0x56: {  	_ =	shalt  }
0x57: {  	_ =	shalt  }
0x58: {  	_ =	shalt  }
0x59: {  	_ =	shalt  }
0x5a: {  	_ =	shalt  }
0x5b: {  	_ =	shalt  }
0x5c: {  	_ =	shalt  }
0x5d: {  	_ =	shalt  }
0x5e: {  	_ =	shalt  }
0x5f: {  	_ =	shalt  }
0x60: {  	_ =	shalt  }
0x61: {  	_ =	shalt  }
0x62: {  	_ =	shalt  }
0x63: {  	_ =	shalt  }
0x64: {  	_ =	shalt  }
0x65: {  	_ =	shalt  }
0x66: {  	_ =	shalt  }
0x67: {  	_ =	shalt  }
0x68: {  	_ =	shalt  }
0x69: {  	_ =	shalt  }
0x6a: {  	_ =	shalt  }
0x6b: {  	_ =	shalt  }
0x6c: {  	_ =	shalt  }
0x6d: {  	_ =	shalt  }
0x6e: {  	_ =	shalt  }
0x6f: {  	_ =	shalt  }
0x70: {  	_ =	shalt  }
0x71: {  	_ =	shalt  }
0x72: {  	_ =	shalt  }
0x73: {  	_ =	shalt  }
0x74: {  	_ =	shalt  }
0x75: {  	_ =	shalt  }
0x76: {  	_ =	shalt  }
0x77: {  	_ =	shalt  }
0x78: {  	_ =	shalt  }
0x79: {  	_ =	shalt  }
0x7a: {  	_ =	shalt  }
0x7b: {  	_ =	shalt  }
0x7c: {  	_ =	shalt  }
0x7d: {  	_ =	shalt  }
0x7e: {  	_ =	shalt  }
0x7f: {  	_ =	shalt  }
0x80: {  	_ =	shalt  }
0x81: {  	_ =	shalt  }
0x82: {  	_ =	shalt  }
0x83: {  	_ =	shalt  }
0x84: {  	_ =	shalt  }
0x85: {  	_ =	shalt  }
0x86: {  	_ =	shalt  }
0x87: {  	_ =	shalt  }
.Lfunc_end0:
.L_simem_size_0:
called_computation_lowered:
.L_overlay_start_0:
0x88: {  	s2 =	sld [smem:$0x3FD9]  }
0x89: {  	s3 =	sld [smem:$0x3FFE];
	_ =	sdelay $0x1  }
0x8a: {  	s1 =	srdreg.scid  }
0x8b: {  	s0 =	sand.u32 $0x1, s1  }
0x8c: {  	s14 =	sshll.u32 s0, $0xA;
	s2 =	sadd.s32 s3, s2  }
0x8d: {  	s2 =	sadd.s32 s2, s14  }
0x8e: {  	[smem:$0x3FB4] =	sst s2  }
0x8f: {  	_ = 	snop  }
0x90: {  	s2 =	sld [smem:$0x3FD0];
	_ =	sdelay $0x2  }
0x91: {  	s15 =	simm.s32 $0xA;
	s4 =	simm.s32 $0x10  }
0x92: {  	[smem:s4], [sflag:s15] =	dma.local [hbm:s2], $0x1  }
0x93: {  	_ =	swait.eq [sflag:s15], $0x1  }
0x94: {  	[sflag:s15] =	ssyncset.done $0x0  }
0x95: {  	s16 =	sld [smem:$0x10];
	[sflag:s15] =	ssyncadd.s32 $0xFFFFFFFF  }
0x96: {  	s17 =	sld [smem:$0x11];
	(tm) =	ssettm $0x1  }
0x97: {  	s18 =	sld [smem:$0x3FFB];
	_ =	sdelay $0x3  }
0x98: {  	_ =	strace s18  }
0x99: {  	s4 =	sld [smem:$0x3FFC];
	_ =	sdelay $0x3  }
0x9a: {  	_ =	strace s4  }
0x9b: {  	s4 =	sld [smem:$0x3FFD];
	_ =	sdelay $0x3  }
0x9c: {  	_ =	strace s4  }
0x9d: {  	_ =	strace $0x8FFFFFFF  }
0x9e: {  	s19 =	sld [smem:$0x3FDB];
	_ =	sdelay $0x1  }
0x9f: {  	s5 =	simm.s32 $_scs_section_size  }
0xa0: {  	s6 =	simm.s32 $_size__tile_overlayer_lowered;
	s7 =	simm.s32 $_tile_overlayer_lowered  }
0xa1: {  	s22 =	simm.s32 $0x1BFF;
	s21 =	sshll.u32 s7, $0x1;
	s4 =	sadd.s32 s5, s19  }
0xa2: {  	s8 =	simm.s32 $0x0;
	s20 =	sshll.u32 s6, $0x1;
	s6 =	sadd.s32 s21, s4  }
0xa3: {  	[timem:s8], [sflag:s22] =	dma.local [hbm:s6], s20  }
0xa4: {  	_ =	swait.ge [sflag:s22], s20  }
0xa5: {  	s5 =	ssub.s32 $0x0, s20;
	[sflag:s22] =	ssyncset.done $0x0  }
0xa6: {  	[sflag:s22] =	ssyncadd.s32 s5;
	_ =	sdelay $0x1  }
0xa7: {  	s23 =	simm.s32 $0x1B8B  }
0xa8: {  	_ =	swait.ge [sflag:s23], $0x1  }
0xa9: {  	[sflag:s23] =	ssyncset.done $0x0  }
0xaa: {  	s25 =	simm.s32 $0x1B8E;
	s24 =	sld [smem:$0x3FFE];
	[sflag:s23] =	ssyncadd.s32 $0xFFFFFFFF  }
0xab: {  	s26 =	simm.s32 $execute0_lowered;
	[smem:$0x3FD2] =	sst s25  }
0xac: {  	s6 =	sshll.u32 s26, $0x1;
	_ =	strace $0x80000046;
	[dreg:$0x1] =	wrdreg $0xFFFFFFFF  }
0xad: {  	s28 =	simm.s32 $_size_execute0_lowered;
	s4 =	sadd.s32 s4, s6;
	[dreg:$0x0] =	wrdreg $0x0  }
0xae: {  	s6 =	sshll.u32 s28, $0x1;
	[dreg:$0x2] =	wrdreg s4  }
0xaf: {  	[dreg:$0x3] =	wrdreg s6  }
0xb0: {  	[dreg:$0x4] =	wrdreg $0xC0  }
0xb1: {  	_ =	task [dreg:s8], $0x5FFFF  }
0xb2: {  	[dreg:$0x1] =	wrdreg $0xFFFFFFFF  }
0xb3: {  	[dreg:$0x0] =	wrdreg $0x60  }
0xb4: {  	[dreg:$0x2] =	wrdreg s24  }
0xb5: {  	[dreg:$0x3] =	wrdreg s16  }
0xb6: {  	[dreg:$0x4] =	wrdreg s17  }
0xb7: {  	[dreg:$0x5] =	wrdreg $0xA4000  }
0xb8: {  	[dreg:$0x6] =	wrdreg $0x9  }
0xb9: {  	_ =	task.clear_ibuf [dreg:s8], $0x7FFFF;
	_ =	strace $0x90000046  }
0xba: {  	s29 =	simm.s32 $0x9;
	_ =	strace $0x80000048  }
0xbb: {  	_ =	swait.ge [sflag:s29], $0x1  }
0xbc: {  	[sflag:s29] =	ssyncadd.s32 $0xFFFFFFFF  }
0xbd: {  	_ =	strace $0x90000048  }
0xbe: {  	_ =	sfence  }
0xbf: {  	s30 =	sld [smem:$0x0];
	_ =	sdelay $0x2  }
0xc0: {  	s31 =	sshll.u32 s1, $0xD;
	s1 =	sshrl.u32 s1, $0x2  }
0xc1: {  	s3 =	sand.u32 $0x4000, s31;
	s1 =	sadd.s32 s1, s30  }
0xc2: {  	s0 =	sor.u32 s3, s0;
	s1 =	sshll.u32 s1, $0x11  }
0xc3: {  	s0 =	sor.u32 s1, s0  }
0xc4: {  	s0 =	sadd.s32 $0x8F2B, s0  }
0xc5: {  	[sflag:s0] =	ssyncadd.remote.s32 $0x1  }
0xc6: {  	_ =	sfence.sel $0xFFFF  }
0xc7: {  	[dreg:$0x0] =	wrdreg $0xFFFFFFFF;
	(pc) =	sbr.abs _section_cstart, $3  }
0xc8: {  	[dreg:$0x1] =	wrdreg $0xFFFFFFFF  }
0xc9: {  	_ =	task.clear_ibuf [dreg:s8], $0x2FFFF;
	_ =	strace $0x9FFFFFFF  }
0xca: {  	(tm) =	ssettm $0x7FFFFFFF  }
0xcb: {  	_ =	shalt  }
tec
execute0_lowered:
.L_overlay_start_1:
0x0: {  	(tag) =	ssettag $0x1  }
0x1: {  	s0 =	rddreg [dreg:$0x0]  }
0x2: {  	s2 =	rddreg [dreg:$0x2]  }
0x3: {  	s19 =	rddreg [dreg:$0x3];
	s1 =	simm.s32 $0x0;
	s24 =	srdreg.scid  }
0x4: {  	s13 =	stileid.u32;
	s16 =	simm.s32 $0x7C00;
	s17 =	simm.s32 $0x9  }
0x5: {  	s23 =	simm.s32 $0x1;
	s14 =	simm.s32 $0x5;
	s15 =	simm.s32 $0x6  }
0x6: {  	s31 =	simm.s32 $0x4;
	s20 =	simm.s32 $0x8;
	[smem:$0x7FF] =	sst s1  }
0x7: {  	s6 =	sadd.s32 $0x2C00, s0;
	s7 =	sadd.s32 $0x9D0A00, s0;
	s8 =	sadd.s32 $0xCA00, s0  }
0x8: {  	s9 =	sadd.s32 $0xA6CE00, s0;
	s1 =	sand.u32 $0x1, s24;
	s3 =	smul.u32 $0x4E000, s13  }
0x9: {  	s0 =	sadd.s32 $0xA1EC00, s0;
	s11 =	smul.u32 $0x13800, s13;
	s21 =	sadd.s32 $0x138000, s19  }
0xa: {  	p0 =	sne.s32 s13, $0xF;
	s24 =	simm.s32 $0x28;
	s5 =	smul.u32 $0x138800, s1  }
0xb: {  	s13 =	simm.s32 $0x2;
	s4 =	ssub.s32 $0x2, s1;
	s18 =	smul.u32 $0x2710, s1  }
0xc: {  	_ =	strace $0x80000047;
	s12 =	smul.u32 $0x4E200, s1;
	s10 =	sshrl.u32 s4, $0x1  }
0xd: {  	[dreg:$0x5] =	wrdreg s21;
	s3 =	sshrl.u32 s3, $0x2;
	s4 =	ssub.s32 s4, s10  }
0xe: {  	s10 =	sadd.s32 s3, s19;
	s25 =	sadd.s32 s11, s5;
	s5 =	sshrl.u32 s5, $0x3  }
0xf: {  	s11 =	simm.s32 $0x50;
	v0 =	vmov s18;
	s18 =	simm.s32 $0x0;
	s26 =	sshrl.u32 s25, $0x3  }
0x10: {  	s28 =	sadd.s32 s0, s5;
	s30 =	smax.u32 s4, $0x1;
	s4 =	simm.s32 $0x3  }
0x11: {  	s5 =	simm.s32 $0x7;
	s0 =	sadd.s32 s0, s26;
	[dreg:$0x8] =	wrdreg s30  }
0x12: {  	s25 =	simm.s32 $0x0;
	s29 =	sadd.s32 $0x27000, s28;
	[dreg:$0x6] =	wrdreg s0  }
0x13: {  	v1 =	vimm.f32 $0.0e+00;
	s26 =	simm.s32 $0x5400;
	[dreg:$0x7] =	wrdreg s29;
	s0 =	simm.s32 $0x9000  }
.LBB2_1:
0x14: {  	s1 =	simm.s32 $0x0;
	s3 =	simm.s32 $0x200  }
.LBB2_2:
0x15: {  	p1 =	sne.s32 s3, $0x1E00;
	[tilespmem:s1+$0x7C70] =	vst v1  }
0x16: {  	[tilespmem:s1+$0x7C00] =	vst v1  }
0x17: {  	[tilespmem:s1+$0x7C10] =	vst v1  }
.Ltmp0:
0x18: {  	[tilespmem:s1+$0x7C20] =	vst v1;
	(pc) =	sbr.rel @p1 .LBB2_2-.Ltmp0, $4  }
0x19: {  	[tilespmem:s1+$0x7C30] =	vst v1  }
0x1a: {  	[tilespmem:s1+$0x7C40] =	vst v1  }
0x1b: {  	[tilespmem:s1+$0x7C50] =	vst v1  }
0x1c: {  	[tilespmem:s1+$0x7C60] =	vst v1;
	s1 =	sshra.s32 s3, $0x2;
	s3 =	sadd.s32 $0x200, s3  }
0x1d: {  	[tilespmem:s1+$0x7C70] =	vst v1  }
0x1e: {  	[tilespmem:s1+$0x7C00] =	vst v1  }
0x1f: {  	[tilespmem:s1+$0x7C10] =	vst v1  }
0x20: {  	[tilespmem:s1+$0x7C20] =	vst v1  }
0x21: {  	[tilespmem:s1+$0x7C30] =	vst v1  }
0x22: {  	[tilespmem:s1+$0x7C40] =	vst v1  }
0x23: {  	[tilespmem:s1+$0x7C50] =	vst v1  }
0x24: {  	[tilespmem:s1+$0x7C60] =	vst v1;
	s30 =	sadd.s32 $0x0, s10  }
0x25: {  	[spmem:s30] =	stream.linear.scatter [tilespmem:s16], [sflag:$0x9], $0x800, $0x38;
	[tilespmem:$0x1DC80] =	vst v63  }
0x26: {  	s1 =	simm.s32 $0x2000;
	_ =	swait.ge [sflag:s17], $0x800  }
.LBB2_4:
0x27: {  	s3 =	sshra.s32 s1, $0x2;
	[sflag:s17] =	ssyncset.done $0x0;
	p1 =	sne.s32 s1, $0x4C000  }
.Ltmp1:
0x28: {  	s3 =	sadd.s32 s3, s10;
	[sflag:s17] =	ssyncadd.s32 $0xFFFFF800;
	(pc) =	sbr.rel @p1 .LBB2_4-.Ltmp1, $3  }
0x29: {  	[spmem:s3] =	stream.linear.scatter [tilespmem:s16], [sflag:$0x9], $0x800, $0x38;
	[tilespmem:$0x1DC80] =	vst v63  }
0x2a: {  	s1 =	sadd.s32 $0x2000, s1;
	_ =	sdelay $0x1  }
0x2b: {  	_ =	swait.ge [sflag:s17], $0x800  }
0x2c: {  	[sflag:s17] =	ssyncset.done $0x0  }
0x2d: {  	s1 =	simm.s32 @!p0 $0x7C00;
	[sflag:s17] =	ssyncadd.s32 $0xFFFFF800  }
0x2e: {  	[spmem:s21] =	stream.linear.scatter @!p0 [tilespmem:s1], [sflag:$0x9], $0x800, $0x38;
	[tilespmem:$0x1DC80] =	vst v63  }
0x2f: {  	[dreg:$0x9] =	wrdreg s18;
	s1 =	simm.s32 @!p0 $0x9  }
0x30: {  	_ =	swait.ge @!p0 [sflag:s1], $0x800  }
0x31: {  	[sflag:s1] =	ssyncset.done @!p0 $0x0  }
0x32: {  	[sflag:s1] =	ssyncadd.s32 @!p0 $0xFFFFF800  }
0x33: {  	s28 =	simm.s32 $0x0;
	[bflag:$0x0] =	sbarrier.arrive $0xFFFF  }
.LBB2_6:
0x34: {  	s1 =	sshll.u32 s28, $0x5;
	s3 =	stileid.u32  }
0x35: {  	s1 =	sor.u32 s3, s1  }
0x36: {  	s3 =	smul.u32 $0x50, s1;
	_ =	sdelay $0x1  }
0x37: {  	s1 =	sshrl.u32 s3, $0x3  }
0x38: {  	s29 =	rddreg [dreg:$0x1];
	s18 =	sadd.s32 s6, s1  }
0x39: {  	[tilespmem:s25], [sflag:$0x1] =	stream.linear.gather [hbm4b:s18+s25], $0x50, $0x38;
	[tilespmem:$0x1DC80] =	vst v63  }
0x3a: {  	s22 =	simm.s32 $0x80;
	s1 =	sadd.s32 s29, s1;
	s18 =	sadd.s32 s12, s3  }
0x3b: {  	[tilespmem:s22], [sflag:$0x1] =	stream.linear.gather [hbm4b:s1+s25], $0x50, $0x38;
	[tilespmem:$0x1DC80] =	vst v63  }
0x3c: {  	s21 =	smov.u32 s19;
	s3 =	sadd.s32 $0x500, s3;
	s1 =	sshll.u32 s18, $0x4  }
0x3d: {  	s22 =	simm.s32 $0x400;
	s18 =	sshrl.u32 s3, $0x3;
	s19 =	sadd.s32 s8, s1  }
0x3e: {  	[tilespmem:s22], [sflag:$0x2] =	stream.linear.gather [hbm4b:s19+s25], $0x2800, $0x38;
	[tilespmem:$0x1DC80] =	vst v63  }
0x3f: {  	s3 =	sadd.s32 s12, s3;
	s19 =	sadd.s32 s6, s18;
	s22 =	simm.s32 $0x200  }
0x40: {  	[tilespmem:s22], [sflag:$0x3] =	stream.linear.gather [hbm4b:s19+s25], $0x50, $0x38;
	[tilespmem:$0x1DC80] =	vst v63  }
0x41: {  	s18 =	sadd.s32 s29, s18;
	s29 =	sshll.u32 s3, $0x4;
	s22 =	simm.s32 $0x280  }
0x42: {  	[tilespmem:s22], [sflag:$0x3] =	stream.linear.gather [hbm4b:s18+s25], $0x50, $0x38;
	[tilespmem:$0x1DC80] =	vst v63  }
0x43: {  	s30 =	simm.s32 $0x2C00;
	s3 =	sadd.s32 s8, s29  }
0x44: {  	[tilespmem:s30], [sflag:$0x4] =	stream.linear.gather [hbm4b:s3+s25], $0x2800, $0x38;
	[tilespmem:$0x1DC80] =	vst v63  }
0x45: {  	_ =	swait.ge [sflag:s23], $0x50  }
0x46: {  	[sflag:s23] =	ssyncset.done $0x0  }
0x47: {  	[sflag:s23] =	ssyncadd.s32 $0xFFFFFFB0  }
0x48: {  	_ =	swait.ge [sflag:s23], $0x50  }
0x49: {  	[sflag:s23] =	ssyncset.done $0x0  }
0x4a: {  	[sflag:s23] =	ssyncadd.s32 $0xFFFFFFB0  }
0x4b: {  	v2 =	vld [tilespmem:$0x0]  }
0x4c: {  	v3 =	vld [tilespmem:$0x80]  }
0x4d: {  	v4 =	vld [tilespmem:$0x10]  }
0x4e: {  	v5 =	vld [tilespmem:$0x90]  }
0x4f: {  	v6 =	vld [tilespmem:$0x20]  }
0x50: {  	v7 =	vld [tilespmem:$0xA0];
	v2 =	vadd.s32 v0, v2  }
0x51: {  	[tilespmem:$0x100] =	vst v2;
	v2 =	vadd.s32 v0, v3;
	v3 =	vld [tilespmem:$0x30]  }
0x52: {  	[tilespmem:$0x180] =	vst v2;
	v2 =	vadd.s32 v0, v4;
	v4 =	vld [tilespmem:$0xB0]  }
0x53: {  	[tilespmem:$0x110] =	vst v2;
	v2 =	vadd.s32 v0, v5;
	v5 =	vld [tilespmem:$0x40]  }
0x54: {  	[tilespmem:$0x190] =	vst v2;
	v2 =	vadd.s32 v0, v6;
	v6 =	vld [tilespmem:$0xC0]  }
0x55: {  	[tilespmem:$0x120] =	vst v2;
	v2 =	vadd.s32 v0, v7  }
0x56: {  	[tilespmem:$0x1A0] =	vst v2;
	v2 =	vadd.s32 v0, v3  }
0x57: {  	[tilespmem:$0x130] =	vst v2;
	v2 =	vadd.s32 v0, v4  }
0x58: {  	[tilespmem:$0x1B0] =	vst v2;
	v2 =	vadd.s32 v0, v5  }
0x59: {  	[tilespmem:$0x140] =	vst v2;
	v2 =	vadd.s32 v0, v6  }
0x5a: {  	s18 =	simm.s32 $0x100;
	[tilespmem:$0x1C0] =	vst v2  }
0x5b: {  	[tilespmem:s26], [sflag:$0x5] =	stream.indirect.gather [hbm4b:s7+s24], $0x80, s18, s24, $0xb8;
	[tilespmem:$0x1DC80] =	vst v63  }
0x5c: {  	s19 =	simm.s32 $0x180  }
0x5d: {  	[tilespmem:s16], [sflag:$0x5] =	stream.indirect.gather [hbm4b:s2+s24], $0x80, s19, s24, $0xb8;
	[tilespmem:$0x1DC80] =	vst v63  }
0x5e: {  	s30 =	simm.s32 $0x6800;
	s18 =	simm.s32 $0x128  }
0x5f: {  	[tilespmem:s30], [sflag:$0x6] =	stream.indirect.gather [hbm4b:s7+s24], $0x80, s18, s24, $0xb8;
	[tilespmem:$0x1DC80] =	vst v63  }
0x60: {  	s19 =	simm.s32 $0x1A8  }
0x61: {  	[tilespmem:s0], [sflag:$0x6] =	stream.indirect.gather [hbm4b:s2+s24], $0x80, s19, s24, $0xb8;
	[tilespmem:$0x1DC80] =	vst v63  }
0x62: {  	_ =	swait.ge [sflag:s13], $0x2800  }
0x63: {  	[sflag:s13] =	ssyncset.done $0x0  }
0x64: {  	[sflag:s13] =	ssyncadd.s32 $0xFFFFD800  }
0x65: {  	_ =	swait.ge [sflag:s14], $0x1400  }
0x66: {  	[sflag:s14] =	ssyncset.done $0x0  }
0x67: {  	[sflag:s14] =	ssyncadd.s32 $0xFFFFEC00  }
0x68: {  	_ =	swait.ge [sflag:s14], $0x1400  }
0x69: {  	[sflag:s14] =	ssyncset.done $0x0  }
0x6a: {  	s3 =	simm.s32 $0x0;
	[sflag:s14] =	ssyncadd.s32 $0xFFFFEC00  }
0x6b: {  	v2 =	vld [tilespmem:s3+$0x7C00]  }
0x6c: {  	v3 =	vld [tilespmem:s3+$0x400]  }
0x6d: {  	v4 =	vld [tilespmem:s3+$0x410]  }
0x6e: {  	v5 =	vld [tilespmem:s3+$0x5400]  }
0x6f: {  	v6 =	vld [tilespmem:s3+$0x420]  }
0x70: {  	v7 =	vld [tilespmem:s3+$0x5410]  }
0x71: {  	v8 =	vld [tilespmem:s3+$0x5420]  }
0x72: {  	v9 =	vld [tilespmem:s3+$0x7C10]  }
0x73: {  	v10 =	vld [tilespmem:s3+$0x7C20];
	v3 =	vadd.f32 v5, v3;
	_ =	sdelay $0x1  }
0x74: {  	v4 =	vadd.f32 v7, v4;
	v2 =	vadd.f32 v2, v3  }
0x75: {  	v7 =	vld [tilespmem:s3+$0x5430];
	v3 =	vadd.f32 v8, v6  }
0x76: {  	v4 =	vadd.f32 v9, v4;
	v6 =	vld [tilespmem:s3+$0x430];
	v5 =	vsub.f32 $0.0e+00, v2  }
0x77: {  	v3 =	vadd.f32 v10, v3  }
0x78: {  	v8 =	vsub.f32 $0.0e+00, v4;
	v10 =	vld [tilespmem:s3+$0x7C30];
	v5 =	vmul.f32 $1.442695020e+00, v5  }
0x79: {  	v9 =	vsub.f32 $0.0e+00, v3  }
0x7a: {  	v8 =	vmul.f32 $1.442695020e+00, v8;
	(erf) = vpow2.f32 v5  }
0x7b: {  	v6 =	vadd.f32 v7, v6;
	v5 =	vmul.f32 $1.442695020e+00, v9  }
0x7c: {  	(erf) = vpow2.f32 v8  }
0x7d: {  	(erf) = vpow2.f32 v5;
	v5 =	vadd.f32 v10, v6;
	_ =	sdelay $0x1  }
0x7e: {  	v6 =	vsub.f32 $0.0e+00, v5;
	_ =	sdelay $0x1  }
0x7f: {  	[tilespmem:s3+$0x400] =	vst v2;
	v2 =	vmul.f32 $1.442695020e+00, v6;
	_ =	sdelay $0x1  }
0x80: {  	[tilespmem:s3+$0x410] =	vst v4;
	v4 =	vpop (erf);
	(erf) = vpow2.f32 v2;
	_ =	sdelay $0x6  }
0x81: {  	[tilespmem:s3+$0x420] =	vst v3;
	v3 =	vadd.f32 $1.000000000e+00, v4;
	v2 =	vpop (erf)  }
0x82: {  	[tilespmem:s3+$0x430] =	vst v5;
	v4 =	vadd.f32 $1.000000000e+00, v2;
	v5 =	vpop (erf)  }
0x83: {  	(erf) = vrcp.f32 v3;
	v5 =	vadd.f32 $1.000000000e+00, v5;
	v6 =	vpop (erf)  }
0x84: {  	v11 =	vld [tilespmem:s3+$0x5460];
	(erf) = vrcp.f32 v4;
	v12 =	vadd.f32 $1.000000000e+00, v6  }
0x85: {  	v8 =	vld [tilespmem:s3+$0x5450];
	(erf) = vrcp.f32 v5  }
0x86: {  	s18 =	simm.s32 $0x80;
	v10 =	vld [tilespmem:s3+$0x5470];
	(erf) = vrcp.f32 v12  }
0x87: {  	v9 =	vld [tilespmem:s18+$0x400]  }
0x88: {  	v7 =	vld [tilespmem:s18+$0x410]  }
0x89: {  	v4 =	vld [tilespmem:s3+$0x5440]  }
0x8a: {  	v2 =	vld [tilespmem:s18+$0x7C00]  }
0x8b: {  	v3 =	vld [tilespmem:s18+$0x7C10]  }
0x8c: {  	v5 =	vld [tilespmem:s18+$0x420];
	v13 =	vpop (erf)  }
0x8d: {  	v6 =	vld [tilespmem:s18+$0x430];
	[tilespmem:s3+$0x5400] =	vst v13;
	v14 =	vpop (erf)  }
0x8e: {  	s19 =	simm.s32 $0x400;
	v4 =	vmul.f32 v13, v4;
	v12 =	vld [tilespmem:s18+$0x5400];
	v8 =	vmul.f32 v14, v8;
	[tilespmem:s3+$0x5410] =	vst v14;
	v13 =	vpop (erf)  }
.LBB2_7:
0x8f: {  	p1 =	sne.s32 s19, $0x4E00;
	v14 =	vld [tilespmem:s18+$0x5410];
	v11 =	vmul.f32 v13, v11;
	[tilespmem:s3+$0x5420] =	vst v13;
	v13 =	vpop (erf)  }
0x90: {  	v15 =	vld [tilespmem:s18+$0x5420];
	v10 =	vmul.f32 v13, v10;
	[tilespmem:s3+$0x5430] =	vst v13  }
0x91: {  	v13 =	vld [tilespmem:s18+$0x5430];
	[tilespmem:s3+$0x5460] =	vst v11  }
0x92: {  	v11 =	vld [tilespmem:s18+$0x7C20];
	[tilespmem:s3+$0x5470] =	vst v10  }
0x93: {  	v9 =	vadd.f32 v12, v9;
	v10 =	vld [tilespmem:s18+$0x7C30];
	[tilespmem:s3+$0x5450] =	vst v8  }
0x94: {  	v7 =	vadd.f32 v14, v7;
	[tilespmem:s3+$0x5440] =	vst v4;
	s3 =	smov.u32 s18  }
0x95: {  	v2 =	vadd.f32 v2, v9;
	v4 =	vadd.f32 v15, v5  }
0x96: {  	v3 =	vadd.f32 v3, v7;
	v5 =	vadd.f32 v13, v6  }
0x97: {  	v6 =	vsub.f32 $0.0e+00, v2;
	[tilespmem:s3+$0x400] =	vst v2;
	v2 =	vadd.f32 v11, v4  }
0x98: {  	v4 =	vsub.f32 $0.0e+00, v3;
	[tilespmem:s3+$0x410] =	vst v3;
	v3 =	vadd.f32 v10, v5  }
0x99: {  	v5 =	vmul.f32 $1.442695020e+00, v6;
	v6 =	vsub.f32 $0.0e+00, v2;
	[tilespmem:s3+$0x420] =	vst v2  }
0x9a: {  	v2 =	vmul.f32 $1.442695020e+00, v4;
	v4 =	vsub.f32 $0.0e+00, v3;
	[tilespmem:s3+$0x430] =	vst v3  }
0x9b: {  	v3 =	vmul.f32 $1.442695020e+00, v6;
	(erf) = vpow2.f32 v5  }
0x9c: {  	v4 =	vmul.f32 $1.442695020e+00, v4;
	(erf) = vpow2.f32 v2  }
0x9d: {  	(erf) = vpow2.f32 v3  }
0x9e: {  	(erf) = vpow2.f32 v4;
	_ =	sdelay $0x5  }
0x9f: {  	v2 =	vpop (erf)  }
0xa0: {  	v2 =	vadd.f32 $1.000000000e+00, v2;
	v3 =	vpop (erf)  }
0xa1: {  	v3 =	vadd.f32 $1.000000000e+00, v3;
	v4 =	vpop (erf)  }
0xa2: {  	s18 =	sshra.s32 s19, $0x2;
	v4 =	vadd.f32 $1.000000000e+00, v4;
	(erf) = vrcp.f32 v2;
	v5 =	vpop (erf)  }
0xa3: {  	v2 =	vld [tilespmem:s18+$0x7C00];
	v5 =	vadd.f32 $1.000000000e+00, v5;
	(erf) = vrcp.f32 v3  }
0xa4: {  	v3 =	vld [tilespmem:s18+$0x7C10];
	(erf) = vrcp.f32 v4  }
0xa5: {  	v4 =	vld [tilespmem:s3+$0x5440];
	(erf) = vrcp.f32 v5  }
0xa6: {  	v8 =	vld [tilespmem:s3+$0x5450]  }
0xa7: {  	v11 =	vld [tilespmem:s3+$0x5460]  }
0xa8: {  	v10 =	vld [tilespmem:s3+$0x5470]  }
.Ltmp2:
0xa9: {  	v9 =	vld [tilespmem:s18+$0x400];
	(pc) =	sbr.rel @p1 .LBB2_7-.Ltmp2, $4  }
0xaa: {  	v7 =	vld [tilespmem:s18+$0x410]  }
0xab: {  	v5 =	vld [tilespmem:s18+$0x420];
	v12 =	vpop (erf)  }
0xac: {  	v6 =	vld [tilespmem:s18+$0x430];
	v4 =	vmul.f32 v12, v4;
	[tilespmem:s3+$0x5400] =	vst v12;
	v13 =	vpop (erf)  }
0xad: {  	s19 =	sadd.s32 $0x200, s19;
	v12 =	vld [tilespmem:s18+$0x5400];
	v8 =	vmul.f32 v13, v8;
	[tilespmem:s3+$0x5410] =	vst v13;
	v13 =	vpop (erf)  }
0xae: {  	v14 =	vld [tilespmem:s18+$0x5410];
	[tilespmem:s3+$0x5420] =	vst v13;
	v15 =	vpop (erf);
	v11 =	vmul.f32 v13, v11  }
0xaf: {  	v16 =	vld [tilespmem:s18+$0x5420];
	[tilespmem:s3+$0x5430] =	vst v15  }
0xb0: {  	v10 =	vmul.f32 v15, v10;
	v13 =	vld [tilespmem:s18+$0x5430];
	[tilespmem:s3+$0x5460] =	vst v11  }
0xb1: {  	v11 =	vld [tilespmem:s18+$0x7C20]  }
0xb2: {  	[tilespmem:s3+$0x5470] =	vst v10;
	v9 =	vadd.f32 v12, v9  }
0xb3: {  	v10 =	vld [tilespmem:s18+$0x7C30];
	v7 =	vadd.f32 v14, v7  }
0xb4: {  	v2 =	vadd.f32 v2, v9;
	v5 =	vadd.f32 v16, v5  }
0xb5: {  	v3 =	vadd.f32 v3, v7;
	v6 =	vadd.f32 v13, v6  }
0xb6: {  	v7 =	vsub.f32 $0.0e+00, v2;
	v5 =	vadd.f32 v11, v5  }
0xb7: {  	v9 =	vsub.f32 $0.0e+00, v3  }
0xb8: {  	v6 =	vadd.f32 v10, v6;
	v7 =	vmul.f32 $1.442695020e+00, v7;
	v10 =	vsub.f32 $0.0e+00, v5  }
0xb9: {  	v9 =	vmul.f32 $1.442695020e+00, v9  }
0xba: {  	v10 =	vmul.f32 $1.442695020e+00, v10;
	(erf) = vpow2.f32 v7  }
0xbb: {  	v11 =	vsub.f32 $0.0e+00, v6;
	(erf) = vpow2.f32 v9  }
0xbc: {  	(erf) = vpow2.f32 v10  }
0xbd: {  	v7 =	vmul.f32 $1.442695020e+00, v11;
	_ =	sdelay $0x1  }
0xbe: {  	(erf) = vpow2.f32 v7;
	_ =	sdelay $0x3  }
0xbf: {  	v7 =	vpop (erf)  }
0xc0: {  	v7 =	vadd.f32 $1.000000000e+00, v7;
	v9 =	vpop (erf)  }
0xc1: {  	v9 =	vadd.f32 $1.000000000e+00, v9;
	v10 =	vpop (erf)  }
0xc2: {  	[tilespmem:s3+$0x5450] =	vst v8;
	v8 =	vadd.f32 $1.000000000e+00, v10;
	(erf) = vrcp.f32 v7  }
0xc3: {  	(erf) = vrcp.f32 v9  }
0xc4: {  	v7 =	vpop (erf);
	(erf) = vrcp.f32 v8  }
0xc5: {  	[tilespmem:s3+$0x5440] =	vst v4;
	v4 =	vadd.f32 $1.000000000e+00, v7;
	_ =	sdelay $0x1  }
0xc6: {  	(erf) = vrcp.f32 v4  }
0xc7: {  	[tilespmem:s18+$0x400] =	vst v2;
	v2 =	vld [tilespmem:s18+$0x5440]  }
0xc8: {  	[tilespmem:s18+$0x420] =	vst v5;
	v5 =	vld [tilespmem:s18+$0x5450]  }
0xc9: {  	[tilespmem:s18+$0x410] =	vst v3;
	v3 =	vld [tilespmem:s18+$0x5460]  }
0xca: {  	[tilespmem:s18+$0x430] =	vst v6;
	v6 =	vpop (erf)  }
0xcb: {  	v4 =	vld [tilespmem:s18+$0x5470];
	[tilespmem:s18+$0x5400] =	vst v6;
	v7 =	vpop (erf)  }
0xcc: {  	v2 =	vmul.f32 v6, v2;
	[tilespmem:s18+$0x5410] =	vst v7;
	v8 =	vpop (erf)  }
0xcd: {  	v5 =	vmul.f32 v7, v5;
	[tilespmem:s18+$0x5420] =	vst v8  }
0xce: {  	v3 =	vmul.f32 v8, v3;
	[tilespmem:s18+$0x5440] =	vst v2  }
0xcf: {  	[tilespmem:s18+$0x5450] =	vst v5;
	v8 =	vpop (erf)  }
0xd0: {  	[tilespmem:s18+$0x5460] =	vst v3;
	v4 =	vmul.f32 v8, v4  }
0xd1: {  	[tilespmem:s18+$0x5430] =	vst v8  }
0xd2: {  	[tilespmem:s18+$0x5470] =	vst v4  }
0xd3: {  	_ =	swait.ge [sflag:s15], $0x1400  }
0xd4: {  	[sflag:s15] =	ssyncset.done $0x0  }
0xd5: {  	[sflag:s15] =	ssyncadd.s32 $0xFFFFEC00  }
0xd6: {  	_ =	swait.ge [sflag:s15], $0x1400  }
0xd7: {  	[sflag:s15] =	ssyncset.done $0x0  }
0xd8: {  	s3 =	simm.s32 $0x0;
	[sflag:s15] =	ssyncadd.s32 $0xFFFFEC00  }
0xd9: {  	v2 =	vld [tilespmem:s3+$0x9000]  }
0xda: {  	v3 =	vld [tilespmem:s3+$0x1800]  }
0xdb: {  	v4 =	vld [tilespmem:s3+$0x1810]  }
0xdc: {  	v5 =	vld [tilespmem:s3+$0x6800]  }
0xdd: {  	v6 =	vld [tilespmem:s3+$0x1820]  }
0xde: {  	v7 =	vld [tilespmem:s3+$0x6810]  }
0xdf: {  	v8 =	vld [tilespmem:s3+$0x6820]  }
0xe0: {  	v9 =	vld [tilespmem:s3+$0x9010]  }
0xe1: {  	v10 =	vld [tilespmem:s3+$0x9020]  }
0xe2: {  	v3 =	vadd.f32 v5, v3  }
0xe3: {  	v4 =	vadd.f32 v7, v4  }
0xe4: {  	v7 =	vld [tilespmem:s3+$0x6830];
	v2 =	vadd.f32 v2, v3;
	v3 =	vadd.f32 v8, v6  }
0xe5: {  	v4 =	vadd.f32 v9, v4;
	v6 =	vld [tilespmem:s3+$0x1830]  }
0xe6: {  	v5 =	vsub.f32 $0.0e+00, v2;
	v3 =	vadd.f32 v10, v3  }
0xe7: {  	v8 =	vsub.f32 $0.0e+00, v4;
	v10 =	vld [tilespmem:s3+$0x9030]  }
0xe8: {  	v5 =	vmul.f32 $1.442695020e+00, v5;
	v9 =	vsub.f32 $0.0e+00, v3  }
0xe9: {  	v8 =	vmul.f32 $1.442695020e+00, v8  }
0xea: {  	v6 =	vadd.f32 v7, v6;
	(erf) = vpow2.f32 v5;
	v5 =	vmul.f32 $1.442695020e+00, v9  }
0xeb: {  	(erf) = vpow2.f32 v8  }
0xec: {  	(erf) = vpow2.f32 v5;
	v5 =	vadd.f32 v10, v6;
	_ =	sdelay $0x1  }
0xed: {  	v6 =	vsub.f32 $0.0e+00, v5;
	_ =	sdelay $0x1  }
0xee: {  	[tilespmem:s3+$0x1800] =	vst v2;
	v2 =	vmul.f32 $1.442695020e+00, v6;
	_ =	sdelay $0x1  }
0xef: {  	(erf) = vpow2.f32 v2;
	_ =	sdelay $0x5  }
0xf0: {  	[tilespmem:s3+$0x1810] =	vst v4;
	v4 =	vpop (erf)  }
0xf1: {  	[tilespmem:s3+$0x1820] =	vst v3;
	v3 =	vadd.f32 $1.000000000e+00, v4;
	v2 =	vpop (erf)  }
0xf2: {  	[tilespmem:s3+$0x1830] =	vst v5;
	v4 =	vadd.f32 $1.000000000e+00, v2;
	v5 =	vpop (erf)  }
0xf3: {  	(erf) = vrcp.f32 v3;
	v5 =	vadd.f32 $1.000000000e+00, v5;
	v6 =	vpop (erf)  }
0xf4: {  	v11 =	vld [tilespmem:s3+$0x6860];
	(erf) = vrcp.f32 v4;
	v12 =	vadd.f32 $1.000000000e+00, v6  }
0xf5: {  	v8 =	vld [tilespmem:s3+$0x6850];
	(erf) = vrcp.f32 v5  }
0xf6: {  	s18 =	simm.s32 $0x80;
	v10 =	vld [tilespmem:s3+$0x6870];
	(erf) = vrcp.f32 v12  }
0xf7: {  	v9 =	vld [tilespmem:s18+$0x1800]  }
0xf8: {  	v7 =	vld [tilespmem:s18+$0x1810]  }
0xf9: {  	v4 =	vld [tilespmem:s3+$0x6840]  }
0xfa: {  	v2 =	vld [tilespmem:s18+$0x9000]  }
0xfb: {  	v3 =	vld [tilespmem:s18+$0x9010]  }
0xfc: {  	v5 =	vld [tilespmem:s18+$0x1820];
	v13 =	vpop (erf)  }
0xfd: {  	v6 =	vld [tilespmem:s18+$0x1830];
	[tilespmem:s3+$0x6800] =	vst v13;
	v14 =	vpop (erf)  }
0xfe: {  	s19 =	simm.s32 $0x400;
	v4 =	vmul.f32 v13, v4;
	v12 =	vld [tilespmem:s18+$0x6800];
	v8 =	vmul.f32 v14, v8;
	[tilespmem:s3+$0x6810] =	vst v14;
	v13 =	vpop (erf)  }
.LBB2_9:
0xff: {  	p1 =	sne.s32 s19, $0x4E00;
	v14 =	vld [tilespmem:s18+$0x6810];
	v11 =	vmul.f32 v13, v11;
	[tilespmem:s3+$0x6820] =	vst v13;
	v13 =	vpop (erf)  }
0x100: {  	v15 =	vld [tilespmem:s18+$0x6820];
	v10 =	vmul.f32 v13, v10;
	[tilespmem:s3+$0x6830] =	vst v13  }
0x101: {  	v13 =	vld [tilespmem:s18+$0x6830];
	[tilespmem:s3+$0x6860] =	vst v11  }
0x102: {  	v11 =	vld [tilespmem:s18+$0x9020];
	[tilespmem:s3+$0x6870] =	vst v10  }
0x103: {  	v9 =	vadd.f32 v12, v9;
	v10 =	vld [tilespmem:s18+$0x9030];
	[tilespmem:s3+$0x6850] =	vst v8  }
0x104: {  	v7 =	vadd.f32 v14, v7;
	[tilespmem:s3+$0x6840] =	vst v4;
	s3 =	smov.u32 s18  }
0x105: {  	v2 =	vadd.f32 v2, v9;
	v4 =	vadd.f32 v15, v5  }
0x106: {  	v3 =	vadd.f32 v3, v7;
	v5 =	vadd.f32 v13, v6  }
0x107: {  	v6 =	vsub.f32 $0.0e+00, v2;
	[tilespmem:s3+$0x1800] =	vst v2;
	v2 =	vadd.f32 v11, v4  }
0x108: {  	v4 =	vsub.f32 $0.0e+00, v3;
	[tilespmem:s3+$0x1810] =	vst v3;
	v3 =	vadd.f32 v10, v5  }
0x109: {  	v5 =	vmul.f32 $1.442695020e+00, v6;
	v6 =	vsub.f32 $0.0e+00, v2;
	[tilespmem:s3+$0x1820] =	vst v2  }
0x10a: {  	v2 =	vmul.f32 $1.442695020e+00, v4;
	v4 =	vsub.f32 $0.0e+00, v3;
	[tilespmem:s3+$0x1830] =	vst v3  }
0x10b: {  	v3 =	vmul.f32 $1.442695020e+00, v6;
	(erf) = vpow2.f32 v5  }
0x10c: {  	v4 =	vmul.f32 $1.442695020e+00, v4;
	(erf) = vpow2.f32 v2  }
0x10d: {  	(erf) = vpow2.f32 v3  }
0x10e: {  	(erf) = vpow2.f32 v4;
	_ =	sdelay $0x5  }
0x10f: {  	v2 =	vpop (erf)  }
0x110: {  	v2 =	vadd.f32 $1.000000000e+00, v2;
	v3 =	vpop (erf)  }
0x111: {  	v3 =	vadd.f32 $1.000000000e+00, v3;
	v4 =	vpop (erf)  }
0x112: {  	s18 =	sshra.s32 s19, $0x2;
	v4 =	vadd.f32 $1.000000000e+00, v4;
	(erf) = vrcp.f32 v2;
	v5 =	vpop (erf)  }
0x113: {  	v2 =	vld [tilespmem:s18+$0x9000];
	v5 =	vadd.f32 $1.000000000e+00, v5;
	(erf) = vrcp.f32 v3  }
0x114: {  	v3 =	vld [tilespmem:s18+$0x9010];
	(erf) = vrcp.f32 v4  }
0x115: {  	v4 =	vld [tilespmem:s3+$0x6840];
	(erf) = vrcp.f32 v5  }
0x116: {  	v8 =	vld [tilespmem:s3+$0x6850]  }
0x117: {  	v11 =	vld [tilespmem:s3+$0x6860]  }
0x118: {  	v10 =	vld [tilespmem:s3+$0x6870]  }
.Ltmp3:
0x119: {  	v9 =	vld [tilespmem:s18+$0x1800];
	(pc) =	sbr.rel @p1 .LBB2_9-.Ltmp3, $4  }
0x11a: {  	v7 =	vld [tilespmem:s18+$0x1810]  }
0x11b: {  	v5 =	vld [tilespmem:s18+$0x1820];
	v12 =	vpop (erf)  }
0x11c: {  	v6 =	vld [tilespmem:s18+$0x1830];
	v4 =	vmul.f32 v12, v4;
	[tilespmem:s3+$0x6800] =	vst v12;
	v13 =	vpop (erf)  }
0x11d: {  	s19 =	sadd.s32 $0x200, s19;
	v12 =	vld [tilespmem:s18+$0x6800];
	v8 =	vmul.f32 v13, v8;
	[tilespmem:s3+$0x6810] =	vst v13;
	v13 =	vpop (erf)  }
0x11e: {  	v14 =	vld [tilespmem:s18+$0x6810];
	[tilespmem:s3+$0x6820] =	vst v13;
	v15 =	vpop (erf);
	v11 =	vmul.f32 v13, v11  }
0x11f: {  	v16 =	vld [tilespmem:s18+$0x6820];
	[tilespmem:s3+$0x6830] =	vst v15  }
0x120: {  	v10 =	vmul.f32 v15, v10;
	v13 =	vld [tilespmem:s18+$0x6830];
	[tilespmem:s3+$0x6860] =	vst v11  }
0x121: {  	v11 =	vld [tilespmem:s18+$0x9020]  }
0x122: {  	[tilespmem:s3+$0x6870] =	vst v10;
	v9 =	vadd.f32 v12, v9  }
0x123: {  	v10 =	vld [tilespmem:s18+$0x9030];
	v7 =	vadd.f32 v14, v7  }
0x124: {  	v2 =	vadd.f32 v2, v9;
	v5 =	vadd.f32 v16, v5  }
0x125: {  	v3 =	vadd.f32 v3, v7;
	v6 =	vadd.f32 v13, v6  }
0x126: {  	v7 =	vsub.f32 $0.0e+00, v2;
	v5 =	vadd.f32 v11, v5  }
0x127: {  	v9 =	vsub.f32 $0.0e+00, v3  }
0x128: {  	v6 =	vadd.f32 v10, v6;
	v7 =	vmul.f32 $1.442695020e+00, v7;
	v10 =	vsub.f32 $0.0e+00, v5  }
0x129: {  	v9 =	vmul.f32 $1.442695020e+00, v9  }
0x12a: {  	v10 =	vmul.f32 $1.442695020e+00, v10;
	(erf) = vpow2.f32 v7  }
0x12b: {  	v11 =	vsub.f32 $0.0e+00, v6;
	(erf) = vpow2.f32 v9  }
0x12c: {  	(erf) = vpow2.f32 v10  }
0x12d: {  	v7 =	vmul.f32 $1.442695020e+00, v11;
	_ =	sdelay $0x1  }
0x12e: {  	(erf) = vpow2.f32 v7;
	_ =	sdelay $0x3  }
0x12f: {  	v7 =	vpop (erf)  }
0x130: {  	v7 =	vadd.f32 $1.000000000e+00, v7;
	v9 =	vpop (erf)  }
0x131: {  	v9 =	vadd.f32 $1.000000000e+00, v9;
	v10 =	vpop (erf)  }
0x132: {  	[tilespmem:s3+$0x6850] =	vst v8;
	v8 =	vadd.f32 $1.000000000e+00, v10;
	(erf) = vrcp.f32 v7  }
0x133: {  	(erf) = vrcp.f32 v9  }
0x134: {  	v7 =	vpop (erf);
	(erf) = vrcp.f32 v8  }
0x135: {  	[tilespmem:s3+$0x6840] =	vst v4;
	v4 =	vadd.f32 $1.000000000e+00, v7;
	_ =	sdelay $0x1  }
0x136: {  	(erf) = vrcp.f32 v4  }
0x137: {  	[tilespmem:s18+$0x1800] =	vst v2;
	v2 =	vld [tilespmem:s18+$0x6840]  }
0x138: {  	[tilespmem:s18+$0x1820] =	vst v5;
	v5 =	vld [tilespmem:s18+$0x6850]  }
0x139: {  	[tilespmem:s18+$0x1810] =	vst v3;
	v3 =	vld [tilespmem:s18+$0x6860]  }
0x13a: {  	[tilespmem:s18+$0x1830] =	vst v6;
	v6 =	vpop (erf)  }
0x13b: {  	v4 =	vld [tilespmem:s18+$0x6870];
	[tilespmem:s18+$0x6800] =	vst v6;
	v7 =	vpop (erf)  }
0x13c: {  	v2 =	vmul.f32 v6, v2;
	[tilespmem:s18+$0x6810] =	vst v7;
	v8 =	vpop (erf)  }
0x13d: {  	v5 =	vmul.f32 v7, v5;
	[tilespmem:s18+$0x6820] =	vst v8  }
0x13e: {  	v3 =	vmul.f32 v8, v3;
	[tilespmem:s18+$0x6840] =	vst v2  }
0x13f: {  	[tilespmem:s18+$0x6850] =	vst v5;
	v8 =	vpop (erf)  }
0x140: {  	[tilespmem:s18+$0x6860] =	vst v3;
	v4 =	vmul.f32 v8, v4  }
0x141: {  	[tilespmem:s18+$0x6830] =	vst v8  }
0x142: {  	s1 =	sadd.s32 s9, s1;
	s19 =	simm.s32 $0x400;
	[tilespmem:s18+$0x6870] =	vst v4;
	s18 =	simm.s32 $0x0  }
0x143: {  	[hbm4b:s1+s18] =	stream.linear.scatter [tilespmem:s19], [sflag:$0x7], $0x2800, $0x38;
	[tilespmem:$0x1DC80] =	vst v63  }
0x144: {  	s18 =	simm.s32 $0x80  }
0x145: {  	[spmem:s21] =	stream.indirect.scatter.add.f32 [tilespmem:s26], [sflag:$0x9], $0x80, s18, s11, $0xb8;
	[tilespmem:$0x1DC80] =	vst v63  }
0x146: {  	_ =	swait.ge [sflag:s17], $0x2800  }
0x147: {  	[sflag:s17] =	ssyncset.done $0x0  }
0x148: {  	[sflag:s17] =	ssyncadd.s32 $0xFFFFD800  }
0x149: {  	_ =	swait.ge [sflag:s4], $0x50  }
0x14a: {  	[sflag:s4] =	ssyncset.done $0x0  }
0x14b: {  	[sflag:s4] =	ssyncadd.s32 $0xFFFFFFB0  }
0x14c: {  	_ =	swait.ge [sflag:s4], $0x50  }
0x14d: {  	[sflag:s4] =	ssyncset.done $0x0  }
0x14e: {  	[sflag:s4] =	ssyncadd.s32 $0xFFFFFFB0  }
0x14f: {  	v2 =	vld [tilespmem:$0x200]  }
0x150: {  	v3 =	vld [tilespmem:$0x280]  }
0x151: {  	v4 =	vld [tilespmem:$0x210]  }
0x152: {  	v5 =	vld [tilespmem:$0x290]  }
0x153: {  	v6 =	vld [tilespmem:$0x220]  }
0x154: {  	v7 =	vld [tilespmem:$0x2A0];
	v2 =	vadd.s32 v0, v2  }
0x155: {  	[tilespmem:$0x300] =	vst v2;
	v2 =	vadd.s32 v0, v3;
	v3 =	vld [tilespmem:$0x230]  }
0x156: {  	[tilespmem:$0x380] =	vst v2;
	v2 =	vadd.s32 v0, v4;
	v4 =	vld [tilespmem:$0x2B0]  }
0x157: {  	[tilespmem:$0x310] =	vst v2;
	v2 =	vadd.s32 v0, v5;
	v5 =	vld [tilespmem:$0x240]  }
0x158: {  	[tilespmem:$0x390] =	vst v2;
	v2 =	vadd.s32 v0, v6;
	v6 =	vld [tilespmem:$0x2C0]  }
0x159: {  	[tilespmem:$0x320] =	vst v2;
	v2 =	vadd.s32 v0, v7  }
0x15a: {  	[tilespmem:$0x3A0] =	vst v2;
	v2 =	vadd.s32 v0, v3  }
0x15b: {  	[tilespmem:$0x330] =	vst v2;
	v2 =	vadd.s32 v0, v4  }
0x15c: {  	[tilespmem:$0x3B0] =	vst v2;
	v2 =	vadd.s32 v0, v5  }
0x15d: {  	[tilespmem:$0x340] =	vst v2;
	v2 =	vadd.s32 v0, v6  }
0x15e: {  	s3 =	simm.s32 $0x300;
	[tilespmem:$0x3C0] =	vst v2  }
0x15f: {  	[tilespmem:s26], [sflag:$0x5] =	stream.indirect.gather [hbm4b:s7+s24], $0x80, s3, s24, $0xb8;
	[tilespmem:$0x1DC80] =	vst v63  }
0x160: {  	s18 =	simm.s32 $0x380  }
0x161: {  	[tilespmem:s16], [sflag:$0x5] =	stream.indirect.gather [hbm4b:s2+s24], $0x80, s18, s24, $0xb8;
	[tilespmem:$0x1DC80] =	vst v63  }
0x162: {  	s19 =	smov.u32 s21;
	s21 =	simm.s32 $0x328  }
0x163: {  	[tilespmem:s30], [sflag:$0x6] =	stream.indirect.gather [hbm4b:s7+s24], $0x80, s21, s24, $0xb8;
	[tilespmem:$0x1DC80] =	vst v63  }
0x164: {  	s30 =	simm.s32 $0x3A8  }
0x165: {  	[tilespmem:s0], [sflag:$0x6] =	stream.indirect.gather [hbm4b:s2+s24], $0x80, s30, s24, $0xb8;
	[tilespmem:$0x1DC80] =	vst v63  }
0x166: {  	_ =	swait.ge [sflag:s31], $0x2800  }
0x167: {  	[sflag:s31] =	ssyncset.done $0x0  }
0x168: {  	[sflag:s31] =	ssyncadd.s32 $0xFFFFD800  }
0x169: {  	_ =	swait.ge [sflag:s14], $0x1400  }
0x16a: {  	[sflag:s14] =	ssyncset.done $0x0  }
0x16b: {  	[sflag:s14] =	ssyncadd.s32 $0xFFFFEC00  }
0x16c: {  	_ =	swait.ge [sflag:s14], $0x1400  }
0x16d: {  	[sflag:s14] =	ssyncset.done $0x0  }
0x16e: {  	s1 =	simm.s32 $0x0;
	[sflag:s14] =	ssyncadd.s32 $0xFFFFEC00  }
0x16f: {  	v2 =	vld [tilespmem:s1+$0x7C00]  }
0x170: {  	v3 =	vld [tilespmem:s1+$0x2C00]  }
0x171: {  	v4 =	vld [tilespmem:s1+$0x2C10]  }
0x172: {  	v5 =	vld [tilespmem:s1+$0x5400]  }
0x173: {  	v6 =	vld [tilespmem:s1+$0x2C20]  }
0x174: {  	v7 =	vld [tilespmem:s1+$0x5410]  }
0x175: {  	v8 =	vld [tilespmem:s1+$0x5420]  }
0x176: {  	v9 =	vld [tilespmem:s1+$0x7C10]  }
0x177: {  	v10 =	vld [tilespmem:s1+$0x7C20]  }
0x178: {  	v3 =	vadd.f32 v5, v3  }
0x179: {  	v4 =	vadd.f32 v7, v4  }
0x17a: {  	v7 =	vld [tilespmem:s1+$0x5430];
	v2 =	vadd.f32 v2, v3;
	v3 =	vadd.f32 v8, v6  }
0x17b: {  	v4 =	vadd.f32 v9, v4;
	v6 =	vld [tilespmem:s1+$0x2C30]  }
0x17c: {  	v5 =	vsub.f32 $0.0e+00, v2;
	v3 =	vadd.f32 v10, v3  }
0x17d: {  	v8 =	vsub.f32 $0.0e+00, v4;
	v10 =	vld [tilespmem:s1+$0x7C30]  }
0x17e: {  	v5 =	vmul.f32 $1.442695020e+00, v5;
	v9 =	vsub.f32 $0.0e+00, v3  }
0x17f: {  	v8 =	vmul.f32 $1.442695020e+00, v8  }
0x180: {  	v6 =	vadd.f32 v7, v6;
	(erf) = vpow2.f32 v5;
	v5 =	vmul.f32 $1.442695020e+00, v9  }
0x181: {  	(erf) = vpow2.f32 v8  }
0x182: {  	(erf) = vpow2.f32 v5;
	v5 =	vadd.f32 v10, v6;
	_ =	sdelay $0x1  }
0x183: {  	v6 =	vsub.f32 $0.0e+00, v5;
	_ =	sdelay $0x1  }
0x184: {  	[tilespmem:s1+$0x2C00] =	vst v2;
	v2 =	vmul.f32 $1.442695020e+00, v6;
	_ =	sdelay $0x1  }
0x185: {  	(erf) = vpow2.f32 v2;
	_ =	sdelay $0x5  }
0x186: {  	[tilespmem:s1+$0x2C10] =	vst v4;
	v4 =	vpop (erf)  }
0x187: {  	[tilespmem:s1+$0x2C20] =	vst v3;
	v3 =	vadd.f32 $1.000000000e+00, v4;
	v2 =	vpop (erf)  }
0x188: {  	[tilespmem:s1+$0x2C30] =	vst v5;
	v4 =	vadd.f32 $1.000000000e+00, v2;
	v5 =	vpop (erf)  }
0x189: {  	(erf) = vrcp.f32 v3;
	v5 =	vadd.f32 $1.000000000e+00, v5;
	v6 =	vpop (erf)  }
0x18a: {  	v11 =	vld [tilespmem:s1+$0x5460];
	(erf) = vrcp.f32 v4;
	v12 =	vadd.f32 $1.000000000e+00, v6  }
0x18b: {  	v8 =	vld [tilespmem:s1+$0x5450];
	(erf) = vrcp.f32 v5  }
0x18c: {  	s3 =	simm.s32 $0x80;
	v10 =	vld [tilespmem:s1+$0x5470];
	(erf) = vrcp.f32 v12  }
0x18d: {  	v9 =	vld [tilespmem:s3+$0x2C00]  }
0x18e: {  	v7 =	vld [tilespmem:s3+$0x2C10]  }
0x18f: {  	v4 =	vld [tilespmem:s1+$0x5440]  }
0x190: {  	v2 =	vld [tilespmem:s3+$0x7C00]  }
0x191: {  	v3 =	vld [tilespmem:s3+$0x7C10]  }
0x192: {  	v5 =	vld [tilespmem:s3+$0x2C20];
	v13 =	vpop (erf)  }
0x193: {  	v6 =	vld [tilespmem:s3+$0x2C30];
	[tilespmem:s1+$0x5400] =	vst v13;
	v14 =	vpop (erf)  }
0x194: {  	s18 =	simm.s32 $0x400;
	v4 =	vmul.f32 v13, v4;
	v12 =	vld [tilespmem:s3+$0x5400];
	v8 =	vmul.f32 v14, v8;
	[tilespmem:s1+$0x5410] =	vst v14;
	v13 =	vpop (erf)  }
.LBB2_11:
0x195: {  	p1 =	sne.s32 s18, $0x4E00;
	v14 =	vld [tilespmem:s3+$0x5410];
	v11 =	vmul.f32 v13, v11;
	[tilespmem:s1+$0x5420] =	vst v13;
	v13 =	vpop (erf)  }
0x196: {  	v15 =	vld [tilespmem:s3+$0x5420];
	v10 =	vmul.f32 v13, v10;
	[tilespmem:s1+$0x5430] =	vst v13  }
0x197: {  	v13 =	vld [tilespmem:s3+$0x5430];
	[tilespmem:s1+$0x5460] =	vst v11  }
0x198: {  	v11 =	vld [tilespmem:s3+$0x7C20];
	[tilespmem:s1+$0x5470] =	vst v10  }
0x199: {  	v9 =	vadd.f32 v12, v9;
	v10 =	vld [tilespmem:s3+$0x7C30];
	[tilespmem:s1+$0x5450] =	vst v8  }
0x19a: {  	v7 =	vadd.f32 v14, v7;
	[tilespmem:s1+$0x5440] =	vst v4;
	s1 =	smov.u32 s3  }
0x19b: {  	v2 =	vadd.f32 v2, v9;
	v4 =	vadd.f32 v15, v5  }
0x19c: {  	v3 =	vadd.f32 v3, v7;
	v5 =	vadd.f32 v13, v6  }
0x19d: {  	v6 =	vsub.f32 $0.0e+00, v2;
	[tilespmem:s1+$0x2C00] =	vst v2;
	v2 =	vadd.f32 v11, v4  }
0x19e: {  	v4 =	vsub.f32 $0.0e+00, v3;
	[tilespmem:s1+$0x2C10] =	vst v3;
	v3 =	vadd.f32 v10, v5  }
0x19f: {  	v5 =	vmul.f32 $1.442695020e+00, v6;
	v6 =	vsub.f32 $0.0e+00, v2;
	[tilespmem:s1+$0x2C20] =	vst v2  }
0x1a0: {  	v2 =	vmul.f32 $1.442695020e+00, v4;
	v4 =	vsub.f32 $0.0e+00, v3;
	[tilespmem:s1+$0x2C30] =	vst v3  }
0x1a1: {  	v3 =	vmul.f32 $1.442695020e+00, v6;
	(erf) = vpow2.f32 v5  }
0x1a2: {  	v4 =	vmul.f32 $1.442695020e+00, v4;
	(erf) = vpow2.f32 v2  }
0x1a3: {  	(erf) = vpow2.f32 v3  }
0x1a4: {  	(erf) = vpow2.f32 v4;
	_ =	sdelay $0x5  }
0x1a5: {  	v2 =	vpop (erf)  }
0x1a6: {  	v2 =	vadd.f32 $1.000000000e+00, v2;
	v3 =	vpop (erf)  }
0x1a7: {  	v3 =	vadd.f32 $1.000000000e+00, v3;
	v4 =	vpop (erf)  }
0x1a8: {  	s3 =	sshra.s32 s18, $0x2;
	v4 =	vadd.f32 $1.000000000e+00, v4;
	(erf) = vrcp.f32 v2;
	v5 =	vpop (erf)  }
0x1a9: {  	v2 =	vld [tilespmem:s3+$0x7C00];
	v5 =	vadd.f32 $1.000000000e+00, v5;
	(erf) = vrcp.f32 v3  }
0x1aa: {  	v3 =	vld [tilespmem:s3+$0x7C10];
	(erf) = vrcp.f32 v4  }
0x1ab: {  	v4 =	vld [tilespmem:s1+$0x5440];
	(erf) = vrcp.f32 v5  }
0x1ac: {  	v8 =	vld [tilespmem:s1+$0x5450]  }
0x1ad: {  	v11 =	vld [tilespmem:s1+$0x5460]  }
0x1ae: {  	v10 =	vld [tilespmem:s1+$0x5470]  }
.Ltmp4:
0x1af: {  	v9 =	vld [tilespmem:s3+$0x2C00];
	(pc) =	sbr.rel @p1 .LBB2_11-.Ltmp4, $4  }
0x1b0: {  	v7 =	vld [tilespmem:s3+$0x2C10]  }
0x1b1: {  	v5 =	vld [tilespmem:s3+$0x2C20];
	v12 =	vpop (erf)  }
0x1b2: {  	v6 =	vld [tilespmem:s3+$0x2C30];
	v4 =	vmul.f32 v12, v4;
	[tilespmem:s1+$0x5400] =	vst v12;
	v13 =	vpop (erf)  }
0x1b3: {  	s18 =	sadd.s32 $0x200, s18;
	v12 =	vld [tilespmem:s3+$0x5400];
	v8 =	vmul.f32 v13, v8;
	[tilespmem:s1+$0x5410] =	vst v13;
	v13 =	vpop (erf)  }
0x1b4: {  	v14 =	vld [tilespmem:s3+$0x5410];
	[tilespmem:s1+$0x5420] =	vst v13;
	v15 =	vpop (erf);
	v11 =	vmul.f32 v13, v11  }
0x1b5: {  	v16 =	vld [tilespmem:s3+$0x5420];
	[tilespmem:s1+$0x5430] =	vst v15  }
0x1b6: {  	v10 =	vmul.f32 v15, v10;
	v13 =	vld [tilespmem:s3+$0x5430];
	[tilespmem:s1+$0x5460] =	vst v11  }
0x1b7: {  	v11 =	vld [tilespmem:s3+$0x7C20]  }
0x1b8: {  	[tilespmem:s1+$0x5470] =	vst v10;
	v9 =	vadd.f32 v12, v9  }
0x1b9: {  	v10 =	vld [tilespmem:s3+$0x7C30];
	v7 =	vadd.f32 v14, v7  }
0x1ba: {  	v2 =	vadd.f32 v2, v9;
	v5 =	vadd.f32 v16, v5  }
0x1bb: {  	v3 =	vadd.f32 v3, v7;
	v6 =	vadd.f32 v13, v6  }
0x1bc: {  	v7 =	vsub.f32 $0.0e+00, v2;
	v5 =	vadd.f32 v11, v5  }
0x1bd: {  	v9 =	vsub.f32 $0.0e+00, v3  }
0x1be: {  	v6 =	vadd.f32 v10, v6;
	v7 =	vmul.f32 $1.442695020e+00, v7;
	v10 =	vsub.f32 $0.0e+00, v5  }
0x1bf: {  	v9 =	vmul.f32 $1.442695020e+00, v9  }
0x1c0: {  	v10 =	vmul.f32 $1.442695020e+00, v10;
	(erf) = vpow2.f32 v7  }
0x1c1: {  	v11 =	vsub.f32 $0.0e+00, v6;
	(erf) = vpow2.f32 v9  }
0x1c2: {  	(erf) = vpow2.f32 v10  }
0x1c3: {  	v7 =	vmul.f32 $1.442695020e+00, v11;
	_ =	sdelay $0x1  }
0x1c4: {  	(erf) = vpow2.f32 v7;
	_ =	sdelay $0x3  }
0x1c5: {  	v7 =	vpop (erf)  }
0x1c6: {  	v7 =	vadd.f32 $1.000000000e+00, v7;
	v9 =	vpop (erf)  }
0x1c7: {  	v9 =	vadd.f32 $1.000000000e+00, v9;
	v10 =	vpop (erf)  }
0x1c8: {  	[tilespmem:s1+$0x5450] =	vst v8;
	v8 =	vadd.f32 $1.000000000e+00, v10;
	(erf) = vrcp.f32 v7  }
0x1c9: {  	(erf) = vrcp.f32 v9  }
0x1ca: {  	v7 =	vpop (erf);
	(erf) = vrcp.f32 v8  }
0x1cb: {  	[tilespmem:s1+$0x5440] =	vst v4;
	v4 =	vadd.f32 $1.000000000e+00, v7;
	_ =	sdelay $0x1  }
0x1cc: {  	(erf) = vrcp.f32 v4  }
0x1cd: {  	[tilespmem:s3+$0x2C00] =	vst v2;
	v2 =	vld [tilespmem:s3+$0x5440]  }
0x1ce: {  	[tilespmem:s3+$0x2C20] =	vst v5;
	v5 =	vld [tilespmem:s3+$0x5450]  }
0x1cf: {  	[tilespmem:s3+$0x2C10] =	vst v3;
	v3 =	vld [tilespmem:s3+$0x5460]  }
0x1d0: {  	[tilespmem:s3+$0x2C30] =	vst v6;
	v6 =	vpop (erf)  }
0x1d1: {  	v4 =	vld [tilespmem:s3+$0x5470];
	[tilespmem:s3+$0x5400] =	vst v6;
	v7 =	vpop (erf)  }
0x1d2: {  	v2 =	vmul.f32 v6, v2;
	[tilespmem:s3+$0x5410] =	vst v7;
	v8 =	vpop (erf)  }
0x1d3: {  	v5 =	vmul.f32 v7, v5;
	[tilespmem:s3+$0x5420] =	vst v8  }
0x1d4: {  	v3 =	vmul.f32 v8, v3;
	[tilespmem:s3+$0x5440] =	vst v2  }
0x1d5: {  	[tilespmem:s3+$0x5450] =	vst v5;
	v8 =	vpop (erf)  }
0x1d6: {  	[tilespmem:s3+$0x5460] =	vst v3;
	v4 =	vmul.f32 v8, v4  }
0x1d7: {  	[tilespmem:s3+$0x5430] =	vst v8  }
0x1d8: {  	[tilespmem:s3+$0x5470] =	vst v4  }
0x1d9: {  	_ =	swait.ge [sflag:s15], $0x1400  }
0x1da: {  	[sflag:s15] =	ssyncset.done $0x0  }
0x1db: {  	[sflag:s15] =	ssyncadd.s32 $0xFFFFEC00  }
0x1dc: {  	_ =	swait.ge [sflag:s15], $0x1400  }
0x1dd: {  	[sflag:s15] =	ssyncset.done $0x0  }
0x1de: {  	s1 =	simm.s32 $0x0;
	[sflag:s15] =	ssyncadd.s32 $0xFFFFEC00  }
0x1df: {  	v2 =	vld [tilespmem:s1+$0x9000]  }
0x1e0: {  	v3 =	vld [tilespmem:s1+$0x4000]  }
0x1e1: {  	v4 =	vld [tilespmem:s1+$0x4010]  }
0x1e2: {  	v5 =	vld [tilespmem:s1+$0x6800]  }
0x1e3: {  	v6 =	vld [tilespmem:s1+$0x4020]  }
0x1e4: {  	v7 =	vld [tilespmem:s1+$0x6810]  }
0x1e5: {  	v8 =	vld [tilespmem:s1+$0x6820]  }
0x1e6: {  	v9 =	vld [tilespmem:s1+$0x9010]  }
0x1e7: {  	v10 =	vld [tilespmem:s1+$0x9020]  }
0x1e8: {  	v3 =	vadd.f32 v5, v3  }
0x1e9: {  	v4 =	vadd.f32 v7, v4  }
0x1ea: {  	v7 =	vld [tilespmem:s1+$0x6830];
	v2 =	vadd.f32 v2, v3;
	v3 =	vadd.f32 v8, v6  }
0x1eb: {  	v4 =	vadd.f32 v9, v4;
	v6 =	vld [tilespmem:s1+$0x4030]  }
0x1ec: {  	v5 =	vsub.f32 $0.0e+00, v2;
	v3 =	vadd.f32 v10, v3  }
0x1ed: {  	v8 =	vsub.f32 $0.0e+00, v4;
	v10 =	vld [tilespmem:s1+$0x9030]  }
0x1ee: {  	v5 =	vmul.f32 $1.442695020e+00, v5;
	v9 =	vsub.f32 $0.0e+00, v3  }
0x1ef: {  	v8 =	vmul.f32 $1.442695020e+00, v8  }
0x1f0: {  	v6 =	vadd.f32 v7, v6;
	(erf) = vpow2.f32 v5;
	v5 =	vmul.f32 $1.442695020e+00, v9  }
0x1f1: {  	(erf) = vpow2.f32 v8  }
0x1f2: {  	(erf) = vpow2.f32 v5;
	v5 =	vadd.f32 v10, v6;
	_ =	sdelay $0x1  }
0x1f3: {  	v6 =	vsub.f32 $0.0e+00, v5;
	_ =	sdelay $0x1  }
0x1f4: {  	[tilespmem:s1+$0x4000] =	vst v2;
	v2 =	vmul.f32 $1.442695020e+00, v6;
	_ =	sdelay $0x1  }
0x1f5: {  	(erf) = vpow2.f32 v2;
	_ =	sdelay $0x5  }
0x1f6: {  	[tilespmem:s1+$0x4010] =	vst v4;
	v4 =	vpop (erf)  }
0x1f7: {  	[tilespmem:s1+$0x4020] =	vst v3;
	v3 =	vadd.f32 $1.000000000e+00, v4;
	v2 =	vpop (erf)  }
0x1f8: {  	[tilespmem:s1+$0x4030] =	vst v5;
	v4 =	vadd.f32 $1.000000000e+00, v2;
	v5 =	vpop (erf)  }
0x1f9: {  	(erf) = vrcp.f32 v3;
	v5 =	vadd.f32 $1.000000000e+00, v5;
	v6 =	vpop (erf)  }
0x1fa: {  	v11 =	vld [tilespmem:s1+$0x6860];
	(erf) = vrcp.f32 v4;
	v12 =	vadd.f32 $1.000000000e+00, v6  }
0x1fb: {  	v8 =	vld [tilespmem:s1+$0x6850];
	(erf) = vrcp.f32 v5  }
0x1fc: {  	s3 =	simm.s32 $0x80;
	v10 =	vld [tilespmem:s1+$0x6870];
	(erf) = vrcp.f32 v12  }
0x1fd: {  	v9 =	vld [tilespmem:s3+$0x4000]  }
0x1fe: {  	v7 =	vld [tilespmem:s3+$0x4010]  }
0x1ff: {  	v4 =	vld [tilespmem:s1+$0x6840]  }
0x200: {  	v2 =	vld [tilespmem:s3+$0x9000]  }
0x201: {  	v3 =	vld [tilespmem:s3+$0x9010]  }
0x202: {  	v5 =	vld [tilespmem:s3+$0x4020];
	v13 =	vpop (erf)  }
0x203: {  	v6 =	vld [tilespmem:s3+$0x4030];
	[tilespmem:s1+$0x6800] =	vst v13;
	v14 =	vpop (erf)  }
0x204: {  	s18 =	simm.s32 $0x400;
	v4 =	vmul.f32 v13, v4;
	v12 =	vld [tilespmem:s3+$0x6800];
	v8 =	vmul.f32 v14, v8;
	[tilespmem:s1+$0x6810] =	vst v14;
	v13 =	vpop (erf)  }
.LBB2_13:
0x205: {  	p1 =	sne.s32 s18, $0x4E00;
	v14 =	vld [tilespmem:s3+$0x6810];
	v11 =	vmul.f32 v13, v11;
	[tilespmem:s1+$0x6820] =	vst v13;
	v13 =	vpop (erf)  }
0x206: {  	v15 =	vld [tilespmem:s3+$0x6820];
	v10 =	vmul.f32 v13, v10;
	[tilespmem:s1+$0x6830] =	vst v13  }
0x207: {  	v13 =	vld [tilespmem:s3+$0x6830];
	[tilespmem:s1+$0x6860] =	vst v11  }
0x208: {  	v11 =	vld [tilespmem:s3+$0x9020];
	[tilespmem:s1+$0x6870] =	vst v10  }
0x209: {  	v9 =	vadd.f32 v12, v9;
	v10 =	vld [tilespmem:s3+$0x9030];
	[tilespmem:s1+$0x6850] =	vst v8  }
0x20a: {  	v7 =	vadd.f32 v14, v7;
	[tilespmem:s1+$0x6840] =	vst v4;
	s1 =	smov.u32 s3  }
0x20b: {  	v2 =	vadd.f32 v2, v9;
	v4 =	vadd.f32 v15, v5  }
0x20c: {  	v3 =	vadd.f32 v3, v7;
	v5 =	vadd.f32 v13, v6  }
0x20d: {  	v6 =	vsub.f32 $0.0e+00, v2;
	[tilespmem:s1+$0x4000] =	vst v2;
	v2 =	vadd.f32 v11, v4  }
0x20e: {  	v4 =	vsub.f32 $0.0e+00, v3;
	[tilespmem:s1+$0x4010] =	vst v3;
	v3 =	vadd.f32 v10, v5  }
0x20f: {  	v5 =	vmul.f32 $1.442695020e+00, v6;
	v6 =	vsub.f32 $0.0e+00, v2;
	[tilespmem:s1+$0x4020] =	vst v2  }
0x210: {  	v2 =	vmul.f32 $1.442695020e+00, v4;
	v4 =	vsub.f32 $0.0e+00, v3;
	[tilespmem:s1+$0x4030] =	vst v3  }
0x211: {  	v3 =	vmul.f32 $1.442695020e+00, v6;
	(erf) = vpow2.f32 v5  }
0x212: {  	v4 =	vmul.f32 $1.442695020e+00, v4;
	(erf) = vpow2.f32 v2  }
0x213: {  	(erf) = vpow2.f32 v3  }
0x214: {  	(erf) = vpow2.f32 v4;
	_ =	sdelay $0x5  }
0x215: {  	v2 =	vpop (erf)  }
0x216: {  	v2 =	vadd.f32 $1.000000000e+00, v2;
	v3 =	vpop (erf)  }
0x217: {  	v3 =	vadd.f32 $1.000000000e+00, v3;
	v4 =	vpop (erf)  }
0x218: {  	s3 =	sshra.s32 s18, $0x2;
	v4 =	vadd.f32 $1.000000000e+00, v4;
	(erf) = vrcp.f32 v2;
	v5 =	vpop (erf)  }
0x219: {  	v2 =	vld [tilespmem:s3+$0x9000];
	v5 =	vadd.f32 $1.000000000e+00, v5;
	(erf) = vrcp.f32 v3  }
0x21a: {  	v3 =	vld [tilespmem:s3+$0x9010];
	(erf) = vrcp.f32 v4  }
0x21b: {  	v4 =	vld [tilespmem:s1+$0x6840];
	(erf) = vrcp.f32 v5  }
0x21c: {  	v8 =	vld [tilespmem:s1+$0x6850]  }
0x21d: {  	v11 =	vld [tilespmem:s1+$0x6860]  }
0x21e: {  	v10 =	vld [tilespmem:s1+$0x6870]  }
.Ltmp5:
0x21f: {  	v9 =	vld [tilespmem:s3+$0x4000];
	(pc) =	sbr.rel @p1 .LBB2_13-.Ltmp5, $4  }
0x220: {  	v7 =	vld [tilespmem:s3+$0x4010]  }
0x221: {  	v5 =	vld [tilespmem:s3+$0x4020];
	v12 =	vpop (erf)  }
0x222: {  	v6 =	vld [tilespmem:s3+$0x4030];
	v4 =	vmul.f32 v12, v4;
	[tilespmem:s1+$0x6800] =	vst v12;
	v13 =	vpop (erf)  }
0x223: {  	s18 =	sadd.s32 $0x200, s18;
	v12 =	vld [tilespmem:s3+$0x6800];
	v8 =	vmul.f32 v13, v8;
	[tilespmem:s1+$0x6810] =	vst v13;
	v13 =	vpop (erf)  }
0x224: {  	v14 =	vld [tilespmem:s3+$0x6810];
	[tilespmem:s1+$0x6820] =	vst v13;
	v15 =	vpop (erf);
	v11 =	vmul.f32 v13, v11  }
0x225: {  	v16 =	vld [tilespmem:s3+$0x6820];
	[tilespmem:s1+$0x6830] =	vst v15  }
0x226: {  	v10 =	vmul.f32 v15, v10;
	v49 =	vld [tilespmem:s3+$0x6830];
	[tilespmem:s1+$0x6860] =	vst v11  }
0x227: {  	v11 =	vld [tilespmem:s3+$0x9020]  }
0x228: {  	[tilespmem:s1+$0x6870] =	vst v10;
	v9 =	vadd.f32 v12, v9  }
0x229: {  	v10 =	vld [tilespmem:s3+$0x9030];
	v7 =	vadd.f32 v14, v7  }
0x22a: {  	v2 =	vadd.f32 v2, v9;
	v5 =	vadd.f32 v16, v5  }
0x22b: {  	v3 =	vadd.f32 v3, v7;
	v6 =	vadd.f32 v49, v6  }
0x22c: {  	v50 =	vsub.f32 $0.0e+00, v2;
	v5 =	vadd.f32 v11, v5  }
0x22d: {  	v51 =	vsub.f32 $0.0e+00, v3  }
0x22e: {  	v6 =	vadd.f32 v10, v6;
	v7 =	vmul.f32 $1.442695020e+00, v50;
	v52 =	vsub.f32 $0.0e+00, v5  }
0x22f: {  	v9 =	vmul.f32 $1.442695020e+00, v51  }
0x230: {  	v53 =	vsub.f32 $0.0e+00, v6;
	v10 =	vmul.f32 $1.442695020e+00, v52;
	(erf) = vpow2.f32 v7  }
0x231: {  	(erf) = vpow2.f32 v9  }
0x232: {  	v54 =	vmul.f32 $1.442695020e+00, v53;
	(erf) = vpow2.f32 v10;
	_ =	sdelay $0x1  }
0x233: {  	(erf) = vpow2.f32 v54;
	_ =	sdelay $0x4  }
0x234: {  	v55 =	vpop (erf)  }
0x235: {  	v7 =	vadd.f32 $1.000000000e+00, v55;
	v9 =	vpop (erf)  }
0x236: {  	v9 =	vadd.f32 $1.000000000e+00, v9;
	v10 =	vpop (erf)  }
0x237: {  	v56 =	vadd.f32 $1.000000000e+00, v10;
	(erf) = vrcp.f32 v7  }
0x238: {  	v57 =	vpop (erf);
	(erf) = vrcp.f32 v9  }
0x239: {  	v58 =	vadd.f32 $1.000000000e+00, v57;
	(erf) = vrcp.f32 v56;
	_ =	sdelay $0x1  }
0x23a: {  	[tilespmem:s1+$0x6850] =	vst v8;
	(erf) = vrcp.f32 v58  }
0x23b: {  	[tilespmem:s1+$0x6840] =	vst v4  }
0x23c: {  	[tilespmem:s3+$0x4000] =	vst v2;
	v2 =	vld [tilespmem:s3+$0x6840]  }
0x23d: {  	[tilespmem:s3+$0x4010] =	vst v3  }
0x23e: {  	v60 =	vld [tilespmem:s3+$0x6850];
	[tilespmem:s3+$0x4020] =	vst v5  }
0x23f: {  	v3 =	vld [tilespmem:s3+$0x6860];
	[tilespmem:s3+$0x4030] =	vst v6;
	v61 =	vpop (erf)  }
0x240: {  	v59 =	vld [tilespmem:s3+$0x6870];
	[tilespmem:s3+$0x6800] =	vst v61;
	v62 =	vpop (erf)  }
0x241: {  	v2 =	vmul.f32 v61, v2;
	[tilespmem:s3+$0x6810] =	vst v62;
	v8 =	vpop (erf)  }
0x242: {  	[tilespmem:s3+$0x6820] =	vst v8  }
0x243: {  	v5 =	vmul.f32 v62, v60;
	v63 =	vpop (erf);
	[tilespmem:s3+$0x6840] =	vst v2  }
0x244: {  	v3 =	vmul.f32 v8, v3;
	[tilespmem:s3+$0x6830] =	vst v63  }
0x245: {  	v4 =	vmul.f32 v63, v59;
	[tilespmem:s3+$0x6850] =	vst v5  }
0x246: {  	[tilespmem:s3+$0x6860] =	vst v3  }
0x247: {  	s29 =	sadd.s32 s9, s29;
	s30 =	simm.s32 $0x0;
	s18 =	simm.s32 $0x2C00;
	[tilespmem:s3+$0x6870] =	vst v4  }
0x248: {  	[hbm4b:s29+s30] =	stream.linear.scatter [tilespmem:s18], [sflag:$0x8], $0x2800, $0x38;
	[tilespmem:$0x1DC80] =	vst v63  }
0x249: {  	_ = 	snop  }
0x24a: {  	[spmem:s19] =	stream.indirect.scatter.add.f32 [tilespmem:s26], [sflag:$0x9], $0x80, s22, s11, $0xb8;
	[tilespmem:$0x1DC80] =	vst v63  }
0x24b: {  	_ =	swait.ge [sflag:s17], $0x2800  }
0x24c: {  	[sflag:s17] =	ssyncset.done $0x0  }
0x24d: {  	s28 =	sadd.s32 $0x1, s28;
	[sflag:s17] =	ssyncadd.s32 $0xFFFFD800  }
0x24e: {  	p1 =	sne.s32 s28, $0x7D;
	_ =	swait.ge [sflag:s5], $0x2800  }
.Ltmp6:
0x24f: {  	[sflag:s5] =	ssyncset.done $0x0;
	(pc) =	sbr.rel @p1 .LBB2_6-.Ltmp6, $4  }
0x250: {  	[sflag:s5] =	ssyncadd.s32 $0xFFFFD800  }
0x251: {  	_ =	swait.ge [sflag:s20], $0x2800  }
0x252: {  	[sflag:s20] =	ssyncset.done $0x0  }
0x253: {  	[sflag:s20] =	ssyncadd.s32 $0xFFFFD800  }
0x254: {  	s1 =	stileid.u32  }
0x255: {  	[bflag:$0x0] =	sbarrier.arrive $0xFFFF;
	s1 =	sshll.u32 s1, $0x6  }
0x256: {  	s3 =	sshrl.u32 s10, $0x3;
	s18 =	rddreg [dreg:$0x6];
	s1 =	sor.u32 $0x1C09, s1  }
0x257: {  	[hbm:s18], [sflag:s1] =	dma.local [spmem:s3], $0x2700  }
0x258: {  	_ =	swait.ge [sflag:s17], $0x2700  }
0x259: {  	[sflag:s17] =	ssyncset.done $0x0;
	s21 =	rddreg [dreg:$0x5]  }
0x25a: {  	s18 =	rddreg [dreg:$0x7];
	[sflag:s17] =	ssyncadd.s32 $0xFFFFD900;
	s3 =	sshrl.u32 @!p0 s21, $0x3  }
0x25b: {  	[hbm:s18], [sflag:s1] =	dma.local @!p0 [spmem:s3], $0x100  }
0x25c: {  	s1 =	simm.s32 @!p0 $0x9  }
0x25d: {  	_ =	swait.ge @!p0 [sflag:s1], $0x100  }
0x25e: {  	s29 =	rddreg [dreg:$0x9]  }
0x25f: {  	s30 =	rddreg [dreg:$0x8];
	s18 =	sadd.s32 $0x1, s29  }
0x260: {  	p1 =	sne.s32 s18, s30  }
.Ltmp7:
0x261: {  	_ = 	snop;
	(pc) =	sbr.rel @p1 .LBB2_1-.Ltmp7, $3  }
0x262: {  	_ =	sdelay $0x1  }
0x263: {  	[sflag:s1] =	ssyncset.done @!p0 $0x0  }
0x264: {  	[sflag:s1] =	ssyncadd.s32 @!p0 $0xFFFFFF00  }
0x265: {  	_ =	sfence.sel $0x180000  }
0x266: {  	[bflag:$0x0] =	sbarrier.arrive $0xFFFF  }
0x267: {  	_ =	strace $0x90000047  }
0x268: {  	s0 =	stileid.u32;
	[bflag:$0x2] =	sbarrier.arrive $0xFFFF  }
0x269: {  	p0 =	sne.s32 s0, $0x0;
	s0 =	rddreg [dreg:$0x4]  }
0x26a: {  	s0 =	sadd.s32 @!p0 $0x100000, s0  }
0x26b: {  	[sflag:s0] =	ssyncadd.tile.s32 @!p0 $0x1;
	_ =	shalt  }
.Lfunc_end2:
_tile_overlayer_lowered:
.L_overlay_start_2:
0x26c: {  	(tag) =	ssettag $0x2  }
0x26d: {  	s0 =	rddreg [dreg:$0x0];
	s2 =	stileid.u32  }
0x26e: {  	s1 =	rddreg [dreg:$0x1];
	p0 =	sne.s32 s2, $0x0  }
0x26f: {  	s3 =	rddreg [dreg:$0x2];
	[bflag:$0x3] =	sbarrier.arrive $0xFFFF;
	s2 =	simm.s32 @!p0 $0x1C09  }
0x270: {  	[timem:s3], [sflag:s2] =	dma.local @!p0 [hbm:s0], s1  }
0x271: {  	s0 =	simm.s32 @!p0 $0x9  }
0x272: {  	_ =	swait.ge @!p0 [sflag:s0], s1  }
0x273: {  	s1 =	ssub.s32 @!p0 $0x0, s1;
	[sflag:s0] =	ssyncset.done @!p0 $0x0  }
0x274: {  	[sflag:s0] =	ssyncadd.s32 @!p0 s1  }
0x275: {  	[bflag:$0x3] =	sbarrier.arrive $0xFFFF  }
0x276: {  	_ =	shalt  }

</sc_bundles>
